<compile_context>
chip_gen: v7x
topology: tpu7x:2x2x1
jax: 0.10.2.dev20260603
libtpu: 0.0.44.dev20260713+nightly
codegen_flags: <defaults>
</compile_context>

<pallas_src>
import functools

import jax
import jax.numpy as jnp
from jax import lax
from jax.experimental import pallas as pl
from jax.experimental.pallas import tpu as pltpu
from jax.experimental.pallas import tpu_sc as plsc

_NW = 32
_W = 96
_WC = _W // 16


def _sc_body(vs2_hbm, rp_hbm, tari_hbm, tarj_hbm, x2d_hbm, xflat_hbm,
             xcn_hbm, xij_hbm,
             tari_v, tarj_v, tmp_v, li_v, ri_v, lj_v, rj_v,
             wm, xcnbuf, xibuf, xjbuf, xrow,
             idxbuf, segjbuf, segibuf, widxbuf, wsegbuf,
             sem0, sem1, sem2,
             *, PW: int, DIN: int, NSENT: int):
    wid = lax.axis_index("s") * 2 + lax.axis_index("c")
    base = wid * PW
    ii = lax.iota(jnp.int32, 16)
    zeros16 = jnp.zeros((16,), jnp.int32)
    ones16 = jnp.ones((16,), jnp.int32)
    DC = DIN // 16

    pltpu.sync_copy(tari_hbm.at[pl.ds(base, PW)], tari_v)
    pltpu.sync_copy(tarj_hbm.at[pl.ds(base, PW)], tarj_v)
    pltpu.async_copy(rp_hbm.at[tari_v], li_v, sem0).wait()
    pltpu.async_copy(rp_hbm.at[tarj_v], lj_v, sem0).wait()

    def _plus1(c, buf_src, buf_dst):
        buf_dst[pl.ds(c * 16, 16)] = buf_src[pl.ds(c * 16, 16)] + 1

    lax.fori_loop(0, PW // 16, lambda c, _: (_plus1(c, tari_v, tmp_v), 0)[1], 0)
    pltpu.async_copy(rp_hbm.at[tmp_v], ri_v, sem0).wait()
    lax.fori_loop(0, PW // 16, lambda c, _: (_plus1(c, tarj_v, tmp_v), 0)[1], 0)
    pltpu.async_copy(rp_hbm.at[tmp_v], rj_v, sem0).wait()

    def _scal(ref, p):
        cb = (p // 16) * 16
        vec = ref[pl.ds(cb, 16)]
        return jnp.sum(jnp.where(ii == (p - cb), vec, 0))

    pltpu.async_copy(x2d_hbm.at[tari_v], xibuf, sem0)
    pltpu.async_copy(x2d_hbm.at[tarj_v], xjbuf, sem1)
    pltpu.make_async_copy(x2d_hbm.at[tari_v], xibuf, sem0).wait()
    pltpu.make_async_copy(x2d_hbm.at[tarj_v], xjbuf, sem1).wait()

    def _mul(t, _):
        p = t // DC
        c = t % DC
        xibuf[p, pl.ds(c * 16, 16)] = (xibuf[p, pl.ds(c * 16, 16)]
                                       * xjbuf[p, pl.ds(c * 16, 16)])
        return 0

    lax.fori_loop(0, PW * DC, _mul, 0)
    pltpu.sync_copy(xibuf, xij_hbm.at[pl.ds(base, PW)])

    def _zix(k, _):
        idxbuf[pl.ds(k * 16, 16)] = zeros16
        return 0

    lax.fori_loop(0, (4 * _W) // 16, _zix, 0)

    NWM = wm.shape[0]

    def _zwm(k, _):
        wm[pl.ds(k * 16, 16)] = zeros16
        return 0

    lax.fori_loop(0, NWM // 16, _zwm, 0)

    def _zxc(t, _):
        p = t // DC
        c = t % DC
        xcnbuf[p, pl.ds(c * 16, 16)] = jnp.zeros((16,), jnp.float32)
        return 0

    lax.fori_loop(0, PW * DC, _zxc, 0)

    def _fire(p):
        sl = (p % 2) * _W
        l_j = _scal(lj_v, p)
        r_j = _scal(rj_v, p)
        l_i = _scal(li_v, p)
        r_i = _scal(ri_v, p)
        def _bld(c, _):
            idxj = jnp.maximum(0, jnp.minimum(l_j + c * 16 + ii, r_j - 1))
            idxbuf[pl.ds(sl + c * 16, 16)] = idxj
            idxi = jnp.maximum(0, jnp.minimum(l_i + c * 16 + ii, r_i - 1))
            idxbuf[pl.ds(2 * _W + sl + c * 16, 16)] = idxi
            return 0

        lax.fori_loop(0, _WC, _bld, 0)
        pltpu.async_copy(vs2_hbm.at[idxbuf.at[pl.ds(sl, _W)]],
                         segjbuf.at[pl.ds(sl, _W)], sem2)
        pltpu.async_copy(vs2_hbm.at[idxbuf.at[pl.ds(2 * _W + sl, _W)]],
                         segibuf.at[pl.ds(sl, _W)], sem2)

    def _drain(p):
        sl = (p % 2) * _W
        pltpu.make_async_copy(vs2_hbm.at[idxbuf.at[pl.ds(sl, _W)]],
                              segjbuf.at[pl.ds(sl, _W)], sem2).wait()
        pltpu.make_async_copy(vs2_hbm.at[idxbuf.at[pl.ds(2 * _W + sl, _W)]],
                              segibuf.at[pl.ds(sl, _W)], sem2).wait()

    def _set_chunk(vj, m):
        plsc.store_scatter(wm, [vj], ones16, mask=m)

    def _clear_chunk(vj, m):
        plsc.store_scatter(wm, [vj], zeros16, mask=m)

    def _probe_chunk(p, vi, m):
        hit = plsc.load_gather(wm, [vi])
        hv = jnp.where(m, hit, 0)
        anyhit = jnp.max(hv)

        @pl.when(anyhit > 0)
        def _():
            def _lane(lane, _):
                w_l = jnp.sum(jnp.where(ii == lane, hv, 0))

                @pl.when(w_l > 0)
                def _():
                    v_l = jnp.sum(jnp.where(ii == lane, vi, 0))
                    off = pl.multiple_of(v_l * DIN, DIN)
                    pltpu.sync_copy(xflat_hbm.at[pl.ds(off, DIN)], xrow)

                    def _acc(c2, _):
                        xcnbuf[p, pl.ds(c2 * 16, 16)] = (
                            xcnbuf[p, pl.ds(c2 * 16, 16)]
                            + xrow[pl.ds(c2 * 16, 16)])
                        return 0

                    lax.fori_loop(0, DC, _acc, 0)
                return 0

            lax.fori_loop(0, 16, _lane, 0)

    def _extra_windows(l0, r, chunk_fn):
        def cond(off):
            return off < r

        def step(off):
            def _bw(c, _):
                idx = jnp.maximum(0, jnp.minimum(off + c * 16 + ii, r - 1))
                widxbuf[pl.ds(c * 16, 16)] = idx
                return 0

            lax.fori_loop(0, _WC, _bw, 0)
            pltpu.async_copy(vs2_hbm.at[widxbuf], wsegbuf, sem0).wait()

            def _pw(c, _):
                vec = wsegbuf[pl.ds(c * 16, 16)]
                m = (off + c * 16 + ii) < r
                chunk_fn(vec, m)
                return 0

            lax.fori_loop(0, _WC, _pw, 0)
            return off + _W

        lax.while_loop(cond, step, l0 + _W)

    _fire(0)

    def _pair(p, _):
        _drain(p)

        @pl.when(p + 1 < PW)
        def _():
            _fire(p + 1)

        sl = (p % 2) * _W
        l_j = _scal(lj_v, p)
        r_j = _scal(rj_v, p)
        l_i = _scal(li_v, p)
        r_i = _scal(ri_v, p)

        def _sc(c, _):
            vj = segjbuf[pl.ds(sl + c * 16, 16)]
            m = (l_j + c * 16 + ii) < r_j
            _set_chunk(vj, m)
            return 0

        lax.fori_loop(0, _WC, _sc, 0)

        @pl.when(l_j + _W < r_j)
        def _():
            _extra_windows(l_j, r_j, _set_chunk)

        def _pc(c, _):
            vi = segibuf[pl.ds(sl + c * 16, 16)]
            m = (l_i + c * 16 + ii) < r_i
            _probe_chunk(p, vi, m)
            return 0

        lax.fori_loop(0, _WC, _pc, 0)

        @pl.when(l_i + _W < r_i)
        def _():
            _extra_windows(l_i, r_i, lambda vec, m: _probe_chunk(p, vec, m))

        def _cc(c, _):
            vj = segjbuf[pl.ds(sl + c * 16, 16)]
            m = (l_j + c * 16 + ii) < r_j
            _clear_chunk(vj, m)
            return 0

        lax.fori_loop(0, _WC, _cc, 0)

        @pl.when(l_j + _W < r_j)
        def _():
            _extra_windows(l_j, r_j, _clear_chunk)

        return 0

    lax.fori_loop(0, PW, _pair, 0)

    pltpu.sync_copy(xcnbuf, xcn_hbm.at[pl.ds(base, PW)])


def _mlp_body(xcn_ref, xij_ref,
              Wcn1_r, bcn1_r, Wcn2_r, bcn2_r, Wcn3_r, bcn3_r,
              Wij1_r, bij1_r, Wij2_r, bij2_r,
              Wl1_r, bl1_r, Wl2_r, bl2_r, beta_r,
              out_ref):
    f32 = jnp.float32
    h = jnp.maximum(jnp.dot(xcn_ref[...], Wcn1_r[...],
                            preferred_element_type=f32) + bcn1_r[...], 0.0)
    h = jnp.maximum(jnp.dot(h, Wcn2_r[...],
                            preferred_element_type=f32) + bcn2_r[...], 0.0)
    hcn = jnp.dot(h, Wcn3_r[...], preferred_element_type=f32) + bcn3_r[...]

    hij = jnp.maximum(jnp.dot(xij_ref[...], Wij1_r[...],
                              preferred_element_type=f32) + bij1_r[...], 0.0)
    hij = jnp.dot(hij, Wij2_r[...], preferred_element_type=f32) + bij2_r[...]

    z = hcn * beta_r[0, 0] + hij
    o = jnp.maximum(jnp.dot(z, Wl1_r[...],
                            preferred_element_type=f32) + bl1_r[...], 0.0)
    out_ref[...] = (jnp.dot(o, Wl2_r[...], preferred_element_type=f32)
                    + bl2_r[0, 0])


def kernel(x, edge_index, tar_ei, beta, Wcn1, bcn1, Wcn2, bcn2, Wcn3, bcn3,
           Wij1, bij1, Wij2, bij2, Wl1, bl1, Wl2, bl2):
    N, DIN = x.shape
    E = edge_index.shape[1]
    B = tar_ei.shape[1]
    DH = Wcn1.shape[1]
    DOUT = Wl2.shape[1]
    PW = B // _NW

    M = 1
    while M < N:
        M *= 2
    e0 = edge_index[0].astype(jnp.int32)
    e1 = edge_index[1].astype(jnp.int32)
    keys = jnp.sort(e0 * M + e1)
    v = keys & (M - 1)
    uq = jnp.concatenate([jnp.ones((1,), bool), keys[1:] != keys[:-1]])
    vs2 = jnp.where(uq, v, N).astype(jnp.int32)
    deg = jnp.zeros((N,), jnp.int32).at[e0].add(1)
    rp = jnp.concatenate([jnp.zeros((1,), jnp.int32),
                          jnp.cumsum(deg).astype(jnp.int32)])
    tari = tar_ei[0].astype(jnp.int32)
    tarj = tar_ei[1].astype(jnp.int32)
    xflat = jnp.zeros(((N + 8) * DIN,), jnp.float32).at[:N * DIN].set(
        x.reshape(-1))
    NWM = ((N + 1 + 15) // 16) * 16

    sc = functools.partial(
        pl.kernel,
        mesh=plsc.VectorSubcoreMesh(core_axis_name="c", subcore_axis_name="s"),
        compiler_params=pltpu.CompilerParams(needs_layout_passes=False),
        out_type=[jax.ShapeDtypeStruct((B, DIN), jnp.float32),
                  jax.ShapeDtypeStruct((B, DIN), jnp.float32)],
        scratch_types=[
            pltpu.VMEM((PW,), jnp.int32),
            pltpu.VMEM((PW,), jnp.int32),
            pltpu.VMEM((PW,), jnp.int32),
            pltpu.VMEM((PW,), jnp.int32),
            pltpu.VMEM((PW,), jnp.int32),
            pltpu.VMEM((PW,), jnp.int32),
            pltpu.VMEM((PW,), jnp.int32),
            pltpu.VMEM((NWM,), jnp.int32),
            pltpu.VMEM((PW, DIN), jnp.float32),
            pltpu.VMEM((PW, DIN), jnp.float32),
            pltpu.VMEM((PW, DIN), jnp.float32),
            pltpu.VMEM((DIN,), jnp.float32),
            pltpu.VMEM((4 * _W,), jnp.int32),
            pltpu.VMEM((2 * _W,), jnp.int32),
            pltpu.VMEM((2 * _W,), jnp.int32),
            pltpu.VMEM((_W,), jnp.int32),
            pltpu.VMEM((_W,), jnp.int32),
            pltpu.SemaphoreType.DMA,
            pltpu.SemaphoreType.DMA,
            pltpu.SemaphoreType.DMA,
        ],
    )
    xcn, xij = sc(functools.partial(_sc_body, PW=PW, DIN=DIN, NSENT=N))(
        vs2, rp, tari, tarj, x, xflat)

    BBM = 512 if B % 512 == 0 else B
    full = lambda shape: pl.BlockSpec(shape, lambda g: (0, 0))
    out = pl.pallas_call(
        _mlp_body,
        grid=(B // BBM,),
        in_specs=[
            pl.BlockSpec((BBM, DIN), lambda g: (g, 0)),
            pl.BlockSpec((BBM, DIN), lambda g: (g, 0)),
            full((DIN, DH)), full((1, DH)),
            full((DH, DH)), full((1, DH)),
            full((DH, DH)), full((1, DH)),
            full((DIN, DH)), full((1, DH)),
            full((DH, DH)), full((1, DH)),
            full((DH, DH)), full((1, DH)),
            full((DH, DOUT)), full((1, DOUT)),
            pl.BlockSpec((1, 1), lambda g: (0, 0),
                         memory_space=pltpu.MemorySpace.SMEM),
        ],
        out_specs=pl.BlockSpec((BBM, DOUT), lambda g: (g, 0)),
        out_shape=jax.ShapeDtypeStruct((B, DOUT), jnp.float32),
    )(xcn, xij,
      Wcn1, bcn1.reshape(1, DH), Wcn2, bcn2.reshape(1, DH),
      Wcn3, bcn3.reshape(1, DH),
      Wij1, bij1.reshape(1, DH), Wij2, bij2.reshape(1, DH),
      Wl1, bl1.reshape(1, DH), Wl2, bl2.reshape(1, DOUT),
      beta.reshape(1, 1))
    return out

# --- scband reference (transcript-rebuilt; emitter-appended) ---
"""Pipeline reference for scband-cnlink-predictor-51256139711064 (READ-ONLY COPY).

The authoritative reference and input builder live on the scoring server;
editing this copy changes nothing except your own understanding.
"""

import jax, jax.numpy as jnp
import numpy as np

N = 10000
E = 320000
B = 4096
DIN = 128
DH = 256
DOUT = 1


def setup_inputs(seed: int = 0) -> dict:
    key = jax.random.key(seed)
    ks = jax.random.split(key, 16)
    x = jax.random.normal(ks[0], (N, DIN), dtype=jnp.float32)
    edge_index = jax.random.randint(ks[1], (2, E), 0, N, dtype=jnp.int64) if jax.config.jax_enable_x64 else jax.random.randint(ks[1], (2, E), 0, N).astype(jnp.int32)
    tar_ei = jax.random.randint(ks[2], (2, B), 0, N).astype(edge_index.dtype)
    def lin(k, i, o):
        return jax.random.normal(k, (i, o), dtype=jnp.float32) * (1.0 / np.sqrt(i))
    params = dict(
        beta=jnp.ones((1,), jnp.float32),
        Wcn1=lin(ks[3], DIN, DH), bcn1=jnp.zeros((DH,), jnp.float32),
        Wcn2=lin(ks[4], DH, DH), bcn2=jnp.zeros((DH,), jnp.float32),
        Wcn3=lin(ks[5], DH, DH), bcn3=jnp.zeros((DH,), jnp.float32),
        Wij1=lin(ks[6], DIN, DH), bij1=jnp.zeros((DH,), jnp.float32),
        Wij2=lin(ks[7], DH, DH), bij2=jnp.zeros((DH,), jnp.float32),
        Wl1=lin(ks[8], DH, DH), bl1=jnp.zeros((DH,), jnp.float32),
        Wl2=lin(ks[9], DH, DOUT), bl2=jnp.zeros((DOUT,), jnp.float32),
    )
    inp = {"x": x, "edge_index": edge_index, "tar_ei": tar_ei}
    inp.update(params)
    return inp


def reference(x, edge_index, tar_ei, beta, Wcn1, bcn1, Wcn2, bcn2, Wcn3, bcn3,
              Wij1, bij1, Wij2, bij2, Wl1, bl1, Wl2, bl2):
    Nn = x.shape[0]
    # dense adjacency built by scatter-overwrite (SparseTensor equivalent)
    A = jnp.zeros((Nn, Nn), jnp.float32).at[edge_index[0], edge_index[1]].set(1.0)
    xi = x[tar_ei[0]]
    xj = x[tar_ei[1]]
    # use_xlin=False -> x = x + 0
    # adjoverlap: common-neighbor indicator per target pair (row gather + elementwise AND)
    cn = A[tar_ei[0]] * A[tar_ei[1]]  # [B, N]
    # spmm_add(cn, x): sum node features over common neighbors
    xcn = cn @ x  # [B, DIN]
    # xcnlin: Linear -> ReLU -> Linear -> ReLU -> Linear (dropout=0, ln=Identity, tailact=False)
    h = jax.nn.relu(xcn @ Wcn1 + bcn1)
    h = jax.nn.relu(h @ Wcn2 + bcn2)
    hcn = h @ Wcn3 + bcn3
    # xijlin: Linear -> ReLU -> Linear
    hij = jax.nn.relu((xi * xj) @ Wij1 + bij1) @ Wij2 + bij2
    z = hcn * beta + hij
    # lin: Linear -> ReLU -> Linear (twolayerlin=False)
    out = jax.nn.relu(z @ Wl1 + bl1) @ Wl2 + bl2
    return out

if __name__ == "__main__":
    import jax
    _d = setup_inputs()
    print(jax.jit(kernel)(*tuple(_d.values())))

</pallas_src>

<mosaic_0001>
#map = affine_map<(d0, d1) -> (0)>
#map1 = affine_map<(d0, d1) -> (0, 0)>
module attributes {stable_mosaic.version = 14 : i64} {
  func.func @_sc_body(%arg0: i32, %arg1: i32, %arg2: memref<320000xi32, #tpu.memory_space<hbm>>, %arg3: memref<10001xi32, #tpu.memory_space<hbm>>, %arg4: memref<4096xi32, #tpu.memory_space<hbm>>, %arg5: memref<4096xi32, #tpu.memory_space<hbm>>, %arg6: memref<10000x128xf32, #tpu.memory_space<hbm>>, %arg7: memref<1281024xf32, #tpu.memory_space<hbm>>, %arg8: memref<4096x128xf32, #tpu.memory_space<hbm>>, %arg9: memref<4096x128xf32, #tpu.memory_space<hbm>>, %arg10: memref<128xi32, #tpu.memory_space<vmem>>, %arg11: memref<128xi32, #tpu.memory_space<vmem>>, %arg12: memref<128xi32, #tpu.memory_space<vmem>>, %arg13: memref<128xi32, #tpu.memory_space<vmem>>, %arg14: memref<128xi32, #tpu.memory_space<vmem>>, %arg15: memref<128xi32, #tpu.memory_space<vmem>>, %arg16: memref<128xi32, #tpu.memory_space<vmem>>, %arg17: memref<10016xi32, #tpu.memory_space<vmem>>, %arg18: memref<128x128xf32, #tpu.memory_space<vmem>>, %arg19: memref<128x128xf32, #tpu.memory_space<vmem>>, %arg20: memref<128x128xf32, #tpu.memory_space<vmem>>, %arg21: memref<128xf32, #tpu.memory_space<vmem>>, %arg22: memref<384xi32, #tpu.memory_space<vmem>>, %arg23: memref<192xi32, #tpu.memory_space<vmem>>, %arg24: memref<192xi32, #tpu.memory_space<vmem>>, %arg25: memref<96xi32, #tpu.memory_space<vmem>>, %arg26: memref<96xi32, #tpu.memory_space<vmem>>, %arg27: memref<!tpu.dma_semaphore, #tpu.memory_space<semaphore_mem>>, %arg28: memref<!tpu.dma_semaphore, #tpu.memory_space<semaphore_mem>>, %arg29: memref<!tpu.dma_semaphore, #tpu.memory_space<semaphore_mem>>) attributes {dimension_semantics = [#tpu.dimension_semantics<core_parallel>, #tpu.dimension_semantics<subcore_parallel>], iteration_bounds = array<i64: 2, 16>, scalar_prefetch = 0 : i64, scratch_operands = 20 : i64, tpu.core_type = #tpu.core_type<sc_vector_subcore>, window_params = [{transform_indices = #map}, {transform_indices = #map}, {transform_indices = #map}, {transform_indices = #map}, {transform_indices = #map1}, {transform_indices = #map}, {transform_indices = #map1}, {transform_indices = #map1}]} {
    %mul3A = arith.constant 2 : i32
    %mul3A_0 = arith.muli %arg1, %mul3A : i32
    %add3A = arith.addi %mul3A_0, %arg0 : i32
    %mul3A_1 = arith.constant 128 : i32
    %mul3A_2 = arith.muli %add3A, %mul3A_1 : i32
    %iota3A = tpu.iota {dimensions = array<i32: 0>} : vector<16xi32>
    %broadcast_in_dim3A = arith.constant 0 : i32
    %broadcast_in_dim3A_3 = vector.broadcast %broadcast_in_dim3A : i32 to vector<16xi32>
    %broadcast_in_dim3A_4 = arith.constant 1 : i32
    %broadcast_in_dim3A_5 = vector.broadcast %broadcast_in_dim3A_4 : i32 to vector<16xi32>
    "tpu.region"() ({
      %run_scoped3A = tpu.sem_alloc : memref<!tpu.dma_semaphore, #tpu.memory_space<semaphore_mem>>
      %dma_start3A_142 = tpu.memref_slice %arg4[%mul3A_2] : memref<4096xi32, #tpu.memory_space<hbm>> -> memref<128xi32, #tpu.memory_space<hbm>>
      %dma_start3A_143 = tpu.memref_slice %arg4[%mul3A_2] : memref<4096xi32, #tpu.memory_space<hbm>> -> memref<128xi32, #tpu.memory_space<hbm>>
      tpu.enqueue_dma source(%dma_start3A_143 : memref<128xi32, #tpu.memory_space<hbm>>) target(%arg10 : memref<128xi32, #tpu.memory_space<vmem>>) target_semaphore(%run_scoped3A : memref<!tpu.dma_semaphore, #tpu.memory_space<semaphore_mem>>)
      %dma_wait3A_144 = tpu.memref_slice %arg4[%mul3A_2] : memref<4096xi32, #tpu.memory_space<hbm>> -> memref<128xi32, #tpu.memory_space<hbm>>
      %dma_wait3A_145 = tpu.memref_slice %arg4[%mul3A_2] : memref<4096xi32, #tpu.memory_space<hbm>> -> memref<128xi32, #tpu.memory_space<hbm>>
      tpu.wait_dma2 semaphore(%run_scoped3A : memref<!tpu.dma_semaphore, #tpu.memory_space<semaphore_mem>>) src(%dma_wait3A_145 : memref<128xi32, #tpu.memory_space<hbm>>) dst(%arg10 : memref<128xi32, #tpu.memory_space<vmem>>)
      tpu.yield
    }) : () -> ()
    "tpu.region"() ({
      %run_scoped3A = tpu.sem_alloc : memref<!tpu.dma_semaphore, #tpu.memory_space<semaphore_mem>>
      %dma_start3A_142 = tpu.memref_slice %arg5[%mul3A_2] : memref<4096xi32, #tpu.memory_space<hbm>> -> memref<128xi32, #tpu.memory_space<hbm>>
      %dma_start3A_143 = tpu.memref_slice %arg5[%mul3A_2] : memref<4096xi32, #tpu.memory_space<hbm>> -> memref<128xi32, #tpu.memory_space<hbm>>
      tpu.enqueue_dma source(%dma_start3A_143 : memref<128xi32, #tpu.memory_space<hbm>>) target(%arg11 : memref<128xi32, #tpu.memory_space<vmem>>) target_semaphore(%run_scoped3A : memref<!tpu.dma_semaphore, #tpu.memory_space<semaphore_mem>>)
      %dma_wait3A_144 = tpu.memref_slice %arg5[%mul3A_2] : memref<4096xi32, #tpu.memory_space<hbm>> -> memref<128xi32, #tpu.memory_space<hbm>>
      %dma_wait3A_145 = tpu.memref_slice %arg5[%mul3A_2] : memref<4096xi32, #tpu.memory_space<hbm>> -> memref<128xi32, #tpu.memory_space<hbm>>
      tpu.wait_dma2 semaphore(%run_scoped3A : memref<!tpu.dma_semaphore, #tpu.memory_space<semaphore_mem>>) src(%dma_wait3A_145 : memref<128xi32, #tpu.memory_space<hbm>>) dst(%arg11 : memref<128xi32, #tpu.memory_space<vmem>>)
      tpu.yield
    }) : () -> ()
    %dma_start3A = arith.constant 0 : i32
    %dma_start3A_6 = tpu.memref_slice %arg3[%dma_start3A] : memref<10001xi32, #tpu.memory_space<hbm>> -> memref<10001xi32, #tpu.memory_space<hbm>>
    tpu.enqueue_indirect_dma source(%dma_start3A_6 : memref<10001xi32, #tpu.memory_space<hbm>>) target(%arg13 : memref<128xi32, #tpu.memory_space<vmem>>) offsets(%arg10 : memref<128xi32, #tpu.memory_space<vmem>>) semaphore(%arg27 : memref<!tpu.dma_semaphore, #tpu.memory_space<semaphore_mem>>)
    %dma_wait3A = arith.constant 0 : i32
    %dma_wait3A_7 = tpu.memref_slice %arg3[%dma_wait3A] : memref<10001xi32, #tpu.memory_space<hbm>> -> memref<10001xi32, #tpu.memory_space<hbm>>
    tpu.wait_indirect_dma semaphore(%arg27 : memref<!tpu.dma_semaphore, #tpu.memory_space<semaphore_mem>>) src(%dma_wait3A_7 : memref<10001xi32, #tpu.memory_space<hbm>>) dst(%arg13 : memref<128xi32, #tpu.memory_space<vmem>>)
    %dma_start3A_8 = arith.constant 0 : i32
    %dma_start3A_9 = tpu.memref_slice %arg3[%dma_start3A_8] : memref<10001xi32, #tpu.memory_space<hbm>> -> memref<10001xi32, #tpu.memory_space<hbm>>
    tpu.enqueue_indirect_dma source(%dma_start3A_9 : memref<10001xi32, #tpu.memory_space<hbm>>) target(%arg15 : memref<128xi32, #tpu.memory_space<vmem>>) offsets(%arg11 : memref<128xi32, #tpu.memory_space<vmem>>) semaphore(%arg27 : memref<!tpu.dma_semaphore, #tpu.memory_space<semaphore_mem>>)
    %dma_wait3A_10 = arith.constant 0 : i32
    %dma_wait3A_11 = tpu.memref_slice %arg3[%dma_wait3A_10] : memref<10001xi32, #tpu.memory_space<hbm>> -> memref<10001xi32, #tpu.memory_space<hbm>>
    tpu.wait_indirect_dma semaphore(%arg27 : memref<!tpu.dma_semaphore, #tpu.memory_space<semaphore_mem>>) src(%dma_wait3A_11 : memref<10001xi32, #tpu.memory_space<hbm>>) dst(%arg15 : memref<128xi32, #tpu.memory_space<vmem>>)
    %scan3A = arith.constant 0 : i32
    %scan3A_12 = arith.constant 0 : i32
    %scan3A_13 = arith.constant 8 : i32
    %scan3A_14 = arith.addi %scan3A_12, %scan3A_13 : i32
    %scan3A_15 = arith.constant 1 : i32
    %scan3A_16 = scf.for %scan3A_142 = %scan3A_12 to %scan3A_14 step %scan3A_15 iter_args(%scan3A_143 = %scan3A) -> (i32)  : i32 {
      %mul3A_144 = arith.constant 16 : i32
      %mul3A_145 = arith.muli %scan3A_142, %mul3A_144 : i32
      %get3A_146 = arith.index_cast %mul3A_145 : i32 to index
      %get3A_147 = tpu.vector_load %arg10[%get3A_146] {strides = array<i32>} : memref<128xi32, #tpu.memory_space<vmem>>, vector<16xi32>,
      %add3A_148 = arith.constant 1 : i32
      %add3A_149 = vector.broadcast %add3A_148 : i32 to vector<16xi32>
      %add3A_150 = arith.addi %get3A_147, %add3A_149 : vector<16xi32>
      %mul3A_151 = arith.constant 16 : i32
      %mul3A_152 = arith.muli %scan3A_142, %mul3A_151 : i32
      %swap3A = arith.index_cast %mul3A_152 : i32 to index
      %swap3A_153 = tpu.vector_load %arg12[%swap3A] {strides = array<i32>} : memref<128xi32, #tpu.memory_space<vmem>>, vector<16xi32>,
      tpu.vector_store %arg12[%swap3A], %add3A_150 {strides = array<i32>} : memref<128xi32, #tpu.memory_space<vmem>>, vector<16xi32>,
      %scan3A_154 = arith.constant 0 : i32
      scf.yield %scan3A_154 : i32
    }
    %scan3A_17 = arith.constant 8 : i32
    %dma_start3A_18 = arith.constant 0 : i32
    %dma_start3A_19 = tpu.memref_slice %arg3[%dma_start3A_18] : memref<10001xi32, #tpu.memory_space<hbm>> -> memref<10001xi32, #tpu.memory_space<hbm>>
    tpu.enqueue_indirect_dma source(%dma_start3A_19 : memref<10001xi32, #tpu.memory_space<hbm>>) target(%arg14 : memref<128xi32, #tpu.memory_space<vmem>>) offsets(%arg12 : memref<128xi32, #tpu.memory_space<vmem>>) semaphore(%arg27 : memref<!tpu.dma_semaphore, #tpu.memory_space<semaphore_mem>>)
    %dma_wait3A_20 = arith.constant 0 : i32
    %dma_wait3A_21 = tpu.memref_slice %arg3[%dma_wait3A_20] : memref<10001xi32, #tpu.memory_space<hbm>> -> memref<10001xi32, #tpu.memory_space<hbm>>
    tpu.wait_indirect_dma semaphore(%arg27 : memref<!tpu.dma_semaphore, #tpu.memory_space<semaphore_mem>>) src(%dma_wait3A_21 : memref<10001xi32, #tpu.memory_space<hbm>>) dst(%arg14 : memref<128xi32, #tpu.memory_space<vmem>>)
    %scan3A_22 = arith.constant 0 : i32
    %scan3A_23 = arith.constant 0 : i32
    %scan3A_24 = arith.constant 8 : i32
    %scan3A_25 = arith.addi %scan3A_23, %scan3A_24 : i32
    %scan3A_26 = arith.constant 1 : i32
    %scan3A_27 = scf.for %scan3A_142 = %scan3A_23 to %scan3A_25 step %scan3A_26 iter_args(%scan3A_143 = %scan3A_22) -> (i32)  : i32 {
      %mul3A_144 = arith.constant 16 : i32
      %mul3A_145 = arith.muli %scan3A_142, %mul3A_144 : i32
      %get3A_146 = arith.index_cast %mul3A_145 : i32 to index
      %get3A_147 = tpu.vector_load %arg11[%get3A_146] {strides = array<i32>} : memref<128xi32, #tpu.memory_space<vmem>>, vector<16xi32>,
      %add3A_148 = arith.constant 1 : i32
      %add3A_149 = vector.broadcast %add3A_148 : i32 to vector<16xi32>
      %add3A_150 = arith.addi %get3A_147, %add3A_149 : vector<16xi32>
      %mul3A_151 = arith.constant 16 : i32
      %mul3A_152 = arith.muli %scan3A_142, %mul3A_151 : i32
      %swap3A = arith.index_cast %mul3A_152 : i32 to index
      %swap3A_153 = tpu.vector_load %arg12[%swap3A] {strides = array<i32>} : memref<128xi32, #tpu.memory_space<vmem>>, vector<16xi32>,
      tpu.vector_store %arg12[%swap3A], %add3A_150 {strides = array<i32>} : memref<128xi32, #tpu.memory_space<vmem>>, vector<16xi32>,
      %scan3A_154 = arith.constant 0 : i32
      scf.yield %scan3A_154 : i32
    }
    %scan3A_28 = arith.constant 8 : i32
    %dma_start3A_29 = arith.constant 0 : i32
    %dma_start3A_30 = tpu.memref_slice %arg3[%dma_start3A_29] : memref<10001xi32, #tpu.memory_space<hbm>> -> memref<10001xi32, #tpu.memory_space<hbm>>
    tpu.enqueue_indirect_dma source(%dma_start3A_30 : memref<10001xi32, #tpu.memory_space<hbm>>) target(%arg16 : memref<128xi32, #tpu.memory_space<vmem>>) offsets(%arg12 : memref<128xi32, #tpu.memory_space<vmem>>) semaphore(%arg27 : memref<!tpu.dma_semaphore, #tpu.memory_space<semaphore_mem>>)
    %dma_wait3A_31 = arith.constant 0 : i32
    %dma_wait3A_32 = tpu.memref_slice %arg3[%dma_wait3A_31] : memref<10001xi32, #tpu.memory_space<hbm>> -> memref<10001xi32, #tpu.memory_space<hbm>>
    tpu.wait_indirect_dma semaphore(%arg27 : memref<!tpu.dma_semaphore, #tpu.memory_space<semaphore_mem>>) src(%dma_wait3A_32 : memref<10001xi32, #tpu.memory_space<hbm>>) dst(%arg16 : memref<128xi32, #tpu.memory_space<vmem>>)
    %dma_start3A_33 = arith.constant 0 : i32
    %dma_start3A_34 = arith.constant 0 : i32
    %dma_start3A_35 = tpu.memref_slice %arg6[%dma_start3A_33, %dma_start3A_34] : memref<10000x128xf32, #tpu.memory_space<hbm>> -> memref<10000x128xf32, #tpu.memory_space<hbm>>
    tpu.enqueue_indirect_dma source(%dma_start3A_35 : memref<10000x128xf32, #tpu.memory_space<hbm>>) target(%arg19 : memref<128x128xf32, #tpu.memory_space<vmem>>) offsets(%arg10 : memref<128xi32, #tpu.memory_space<vmem>>) semaphore(%arg27 : memref<!tpu.dma_semaphore, #tpu.memory_space<semaphore_mem>>)
    %dma_start3A_36 = arith.constant 0 : i32
    %dma_start3A_37 = arith.constant 0 : i32
    %dma_start3A_38 = tpu.memref_slice %arg6[%dma_start3A_36, %dma_start3A_37] : memref<10000x128xf32, #tpu.memory_space<hbm>> -> memref<10000x128xf32, #tpu.memory_space<hbm>>
    tpu.enqueue_indirect_dma source(%dma_start3A_38 : memref<10000x128xf32, #tpu.memory_space<hbm>>) target(%arg20 : memref<128x128xf32, #tpu.memory_space<vmem>>) offsets(%arg11 : memref<128xi32, #tpu.memory_space<vmem>>) semaphore(%arg28 : memref<!tpu.dma_semaphore, #tpu.memory_space<semaphore_mem>>)
    %dma_wait3A_39 = arith.constant 0 : i32
    %dma_wait3A_40 = arith.constant 0 : i32
    %dma_wait3A_41 = tpu.memref_slice %arg6[%dma_wait3A_39, %dma_wait3A_40] : memref<10000x128xf32, #tpu.memory_space<hbm>> -> memref<10000x128xf32, #tpu.memory_space<hbm>>
    tpu.wait_indirect_dma semaphore(%arg27 : memref<!tpu.dma_semaphore, #tpu.memory_space<semaphore_mem>>) src(%dma_wait3A_41 : memref<10000x128xf32, #tpu.memory_space<hbm>>) dst(%arg19 : memref<128x128xf32, #tpu.memory_space<vmem>>)
    %dma_wait3A_42 = arith.constant 0 : i32
    %dma_wait3A_43 = arith.constant 0 : i32
    %dma_wait3A_44 = tpu.memref_slice %arg6[%dma_wait3A_42, %dma_wait3A_43] : memref<10000x128xf32, #tpu.memory_space<hbm>> -> memref<10000x128xf32, #tpu.memory_space<hbm>>
    tpu.wait_indirect_dma semaphore(%arg28 : memref<!tpu.dma_semaphore, #tpu.memory_space<semaphore_mem>>) src(%dma_wait3A_44 : memref<10000x128xf32, #tpu.memory_space<hbm>>) dst(%arg20 : memref<128x128xf32, #tpu.memory_space<vmem>>)
    %scan3A_45 = arith.constant 0 : i32
    %scan3A_46 = arith.constant 0 : i32
    %scan3A_47 = arith.constant 1024 : i32
    %scan3A_48 = arith.addi %scan3A_46, %scan3A_47 : i32
    %scan3A_49 = arith.constant 1 : i32
    %scan3A_50 = scf.for %scan3A_142 = %scan3A_46 to %scan3A_48 step %scan3A_49 iter_args(%scan3A_143 = %scan3A_45) -> (i32)  : i32 {
      %jit3A_144 = arith.constant 8 : i32
      %div3A = arith.divsi %scan3A_142, %jit3A_144 : i32
      %sign3A = arith.constant 0 : i32
      %sign3A_145 = arith.cmpi sgt, %scan3A_142, %sign3A : i32
      %sign3A_146 = arith.extui %sign3A_145 : i1 to i32
      %sign3A_147 = arith.constant 0 : i32
      %sign3A_148 = arith.cmpi slt, %scan3A_142, %sign3A_147 : i32
      %sign3A_149 = arith.extui %sign3A_148 : i1 to i32
      %sign3A_150 = arith.subi %sign3A_146, %sign3A_149 : i32
      %sign3A_151 = arith.constant 0 : i32
      %sign3A_152 = arith.cmpi sgt, %jit3A_144, %sign3A_151 : i32
      %sign3A_153 = arith.extui %sign3A_152 : i1 to i32
      %sign3A_154 = arith.constant 0 : i32
      %sign3A_155 = arith.cmpi slt, %jit3A_144, %sign3A_154 : i32
      %sign3A_156 = arith.extui %sign3A_155 : i1 to i32
      %sign3A_157 = arith.subi %sign3A_153, %sign3A_156 : i32
      %ne3A = arith.cmpi ne, %sign3A_150, %sign3A_157 : i32
      %rem3A = arith.remsi %scan3A_142, %jit3A_144 : i32
      %ne3A_158 = arith.constant 0 : i32
      %ne3A_159 = arith.cmpi ne, %rem3A, %ne3A_158 : i32
      %and3A = arith.andi %ne3A, %ne3A_159 : i1
      %sub3A = arith.constant 1 : i32
      %sub3A_160 = arith.subi %div3A, %sub3A : i32
      %select_n3A_161 = arith.select %and3A, %sub3A_160, %div3A : i32
      %jit3A_162 = arith.constant 8 : i32
      %eq3A_163 = arith.constant 0 : i32
      %eq3A_164 = arith.cmpi eq, %jit3A_162, %eq3A_163 : i32
      %jit3A_165 = arith.constant 1 : i32
      %select_n3A_166 = arith.select %eq3A_164, %jit3A_165, %jit3A_162 : i32
      %rem3A_167 = arith.remsi %scan3A_142, %select_n3A_166 : i32
      %ne3A_168 = arith.constant 0 : i32
      %ne3A_169 = arith.cmpi ne, %rem3A_167, %ne3A_168 : i32
      %lt3A = arith.constant 0 : i32
      %lt3A_170 = arith.cmpi slt, %rem3A_167, %lt3A : i32
      %lt3A_171 = arith.constant 0 : i32
      %lt3A_172 = arith.cmpi slt, %select_n3A_166, %lt3A_171 : i32
      %ne3A_173 = arith.xori %lt3A_170, %lt3A_172 : i1
      %and3A_174 = arith.andi %ne3A_173, %ne3A_169 : i1
      %add3A_175 = arith.addi %rem3A_167, %select_n3A_166 : i32
      %select_n3A_176 = arith.select %and3A_174, %add3A_175, %rem3A_167 : i32
      %mul3A_177 = arith.constant 16 : i32
      %mul3A_178 = arith.muli %select_n3A_176, %mul3A_177 : i32
      %get3A_179 = arith.index_cast %select_n3A_161 : i32 to index
      %get3A_180 = arith.index_cast %mul3A_178 : i32 to index
      %get3A_181 = tpu.vector_load %arg19[%get3A_179, %get3A_180] {strides = array<i32>} : memref<128x128xf32, #tpu.memory_space<vmem>>, vector<16xf32>,
      %mul3A_182 = arith.constant 16 : i32
      %mul3A_183 = arith.muli %select_n3A_176, %mul3A_182 : i32
      %get3A_184 = arith.index_cast %select_n3A_161 : i32 to index
      %get3A_185 = arith.index_cast %mul3A_183 : i32 to index
      %get3A_186 = tpu.vector_load %arg20[%get3A_184, %get3A_185] {strides = array<i32>} : memref<128x128xf32, #tpu.memory_space<vmem>>, vector<16xf32>,
      %mul3A_187 = arith.mulf %get3A_181, %get3A_186 : vector<16xf32>
      %mul3A_188 = arith.constant 16 : i32
      %mul3A_189 = arith.muli %select_n3A_176, %mul3A_188 : i32
      %swap3A = arith.index_cast %select_n3A_161 : i32 to index
      %swap3A_190 = arith.index_cast %mul3A_189 : i32 to index
      %swap3A_191 = tpu.vector_load %arg19[%swap3A, %swap3A_190] {strides = array<i32>} : memref<128x128xf32, #tpu.memory_space<vmem>>, vector<16xf32>,
      tpu.vector_store %arg19[%swap3A, %swap3A_190], %mul3A_187 {strides = array<i32>} : memref<128x128xf32, #tpu.memory_space<vmem>>, vector<16xf32>,
      %scan3A_192 = arith.constant 0 : i32
      scf.yield %scan3A_192 : i32
    }
    %scan3A_51 = arith.constant 1024 : i32
    "tpu.region"() ({
      %run_scoped3A = tpu.sem_alloc : memref<!tpu.dma_semaphore, #tpu.memory_space<semaphore_mem>>
      %dma_start3A_142 = arith.constant 0 : i32
      %dma_start3A_143 = tpu.memref_slice %arg9[%mul3A_2, %dma_start3A_142] : memref<4096x128xf32, #tpu.memory_space<hbm>> -> memref<128x128xf32, #tpu.memory_space<hbm>>
      %dma_start3A_144 = arith.constant 0 : i32
      %dma_start3A_145 = tpu.memref_slice %arg9[%mul3A_2, %dma_start3A_144] : memref<4096x128xf32, #tpu.memory_space<hbm>> -> memref<128x128xf32, #tpu.memory_space<hbm>>
      tpu.enqueue_dma source(%arg19 : memref<128x128xf32, #tpu.memory_space<vmem>>) target(%dma_start3A_145 : memref<128x128xf32, #tpu.memory_space<hbm>>) target_semaphore(%run_scoped3A : memref<!tpu.dma_semaphore, #tpu.memory_space<semaphore_mem>>)
      %dma_wait3A_146 = arith.constant 0 : i32
      %dma_wait3A_147 = tpu.memref_slice %arg9[%mul3A_2, %dma_wait3A_146] : memref<4096x128xf32, #tpu.memory_space<hbm>> -> memref<128x128xf32, #tpu.memory_space<hbm>>
      %dma_wait3A_148 = arith.constant 0 : i32
      %dma_wait3A_149 = tpu.memref_slice %arg9[%mul3A_2, %dma_wait3A_148] : memref<4096x128xf32, #tpu.memory_space<hbm>> -> memref<128x128xf32, #tpu.memory_space<hbm>>
      tpu.wait_dma2 semaphore(%run_scoped3A : memref<!tpu.dma_semaphore, #tpu.memory_space<semaphore_mem>>) src(%arg19 : memref<128x128xf32, #tpu.memory_space<vmem>>) dst(%dma_wait3A_149 : memref<128x128xf32, #tpu.memory_space<hbm>>)
      tpu.yield
    }) : () -> ()
    %scan3A_52 = arith.constant 0 : i32
    %scan3A_53 = arith.constant 0 : i32
    %scan3A_54 = arith.constant 24 : i32
    %scan3A_55 = arith.addi %scan3A_53, %scan3A_54 : i32
    %scan3A_56 = arith.constant 1 : i32
    %scan3A_57 = scf.for %scan3A_142 = %scan3A_53 to %scan3A_55 step %scan3A_56 iter_args(%scan3A_143 = %scan3A_52) -> (i32)  : i32 {
      %mul3A_144 = arith.constant 16 : i32
      %mul3A_145 = arith.muli %scan3A_142, %mul3A_144 : i32
      %swap3A = arith.index_cast %mul3A_145 : i32 to index
      %swap3A_146 = tpu.vector_load %arg22[%swap3A] {strides = array<i32>} : memref<384xi32, #tpu.memory_space<vmem>>, vector<16xi32>,
      tpu.vector_store %arg22[%swap3A], %broadcast_in_dim3A_3 {strides = array<i32>} : memref<384xi32, #tpu.memory_space<vmem>>, vector<16xi32>,
      %scan3A_147 = arith.constant 0 : i32
      scf.yield %scan3A_147 : i32
    }
    %scan3A_58 = arith.constant 24 : i32
    %scan3A_59 = arith.constant 0 : i32
    %scan3A_60 = arith.constant 0 : i32
    %scan3A_61 = arith.constant 626 : i32
    %scan3A_62 = arith.addi %scan3A_60, %scan3A_61 : i32
    %scan3A_63 = arith.constant 1 : i32
    %scan3A_64 = scf.for %scan3A_142 = %scan3A_60 to %scan3A_62 step %scan3A_63 iter_args(%scan3A_143 = %scan3A_59) -> (i32)  : i32 {
      %mul3A_144 = arith.constant 16 : i32
      %mul3A_145 = arith.muli %scan3A_142, %mul3A_144 : i32
      %swap3A = arith.index_cast %mul3A_145 : i32 to index
      %swap3A_146 = tpu.vector_load %arg17[%swap3A] {strides = array<i32>} : memref<10016xi32, #tpu.memory_space<vmem>>, vector<16xi32>,
      tpu.vector_store %arg17[%swap3A], %broadcast_in_dim3A_3 {strides = array<i32>} : memref<10016xi32, #tpu.memory_space<vmem>>, vector<16xi32>,
      %scan3A_147 = arith.constant 0 : i32
      scf.yield %scan3A_147 : i32
    }
    %scan3A_65 = arith.constant 626 : i32
    %scan3A_66 = arith.constant 0 : i32
    %scan3A_67 = arith.constant 0 : i32
    %scan3A_68 = arith.constant 1024 : i32
    %scan3A_69 = arith.addi %scan3A_67, %scan3A_68 : i32
    %scan3A_70 = arith.constant 1 : i32
    %scan3A_71 = scf.for %scan3A_142 = %scan3A_67 to %scan3A_69 step %scan3A_70 iter_args(%scan3A_143 = %scan3A_66) -> (i32)  : i32 {
      %jit3A_144 = arith.constant 8 : i32
      %div3A = arith.divsi %scan3A_142, %jit3A_144 : i32
      %sign3A = arith.constant 0 : i32
      %sign3A_145 = arith.cmpi sgt, %scan3A_142, %sign3A : i32
      %sign3A_146 = arith.extui %sign3A_145 : i1 to i32
      %sign3A_147 = arith.constant 0 : i32
      %sign3A_148 = arith.cmpi slt, %scan3A_142, %sign3A_147 : i32
      %sign3A_149 = arith.extui %sign3A_148 : i1 to i32
      %sign3A_150 = arith.subi %sign3A_146, %sign3A_149 : i32
      %sign3A_151 = arith.constant 0 : i32
      %sign3A_152 = arith.cmpi sgt, %jit3A_144, %sign3A_151 : i32
      %sign3A_153 = arith.extui %sign3A_152 : i1 to i32
      %sign3A_154 = arith.constant 0 : i32
      %sign3A_155 = arith.cmpi slt, %jit3A_144, %sign3A_154 : i32
      %sign3A_156 = arith.extui %sign3A_155 : i1 to i32
      %sign3A_157 = arith.subi %sign3A_153, %sign3A_156 : i32
      %ne3A = arith.cmpi ne, %sign3A_150, %sign3A_157 : i32
      %rem3A = arith.remsi %scan3A_142, %jit3A_144 : i32
      %ne3A_158 = arith.constant 0 : i32
      %ne3A_159 = arith.cmpi ne, %rem3A, %ne3A_158 : i32
      %and3A = arith.andi %ne3A, %ne3A_159 : i1
      %sub3A = arith.constant 1 : i32
      %sub3A_160 = arith.subi %div3A, %sub3A : i32
      %select_n3A_161 = arith.select %and3A, %sub3A_160, %div3A : i32
      %jit3A_162 = arith.constant 8 : i32
      %eq3A_163 = arith.constant 0 : i32
      %eq3A_164 = arith.cmpi eq, %jit3A_162, %eq3A_163 : i32
      %jit3A_165 = arith.constant 1 : i32
      %select_n3A_166 = arith.select %eq3A_164, %jit3A_165, %jit3A_162 : i32
      %rem3A_167 = arith.remsi %scan3A_142, %select_n3A_166 : i32
      %ne3A_168 = arith.constant 0 : i32
      %ne3A_169 = arith.cmpi ne, %rem3A_167, %ne3A_168 : i32
      %lt3A = arith.constant 0 : i32
      %lt3A_170 = arith.cmpi slt, %rem3A_167, %lt3A : i32
      %lt3A_171 = arith.constant 0 : i32
      %lt3A_172 = arith.cmpi slt, %select_n3A_166, %lt3A_171 : i32
      %ne3A_173 = arith.xori %lt3A_170, %lt3A_172 : i1
      %and3A_174 = arith.andi %ne3A_173, %ne3A_169 : i1
      %add3A_175 = arith.addi %rem3A_167, %select_n3A_166 : i32
      %select_n3A_176 = arith.select %and3A_174, %add3A_175, %rem3A_167 : i32
      %broadcast_in_dim3A_177 = arith.constant 0.000000e+00 : f32
      %broadcast_in_dim3A_178 = vector.broadcast %broadcast_in_dim3A_177 : f32 to vector<16xf32>
      %mul3A_179 = arith.constant 16 : i32
      %mul3A_180 = arith.muli %select_n3A_176, %mul3A_179 : i32
      %swap3A = arith.index_cast %select_n3A_161 : i32 to index
      %swap3A_181 = arith.index_cast %mul3A_180 : i32 to index
      %swap3A_182 = tpu.vector_load %arg18[%swap3A, %swap3A_181] {strides = array<i32>} : memref<128x128xf32, #tpu.memory_space<vmem>>, vector<16xf32>,
      tpu.vector_store %arg18[%swap3A, %swap3A_181], %broadcast_in_dim3A_178 {strides = array<i32>} : memref<128x128xf32, #tpu.memory_space<vmem>>, vector<16xf32>,
      %scan3A_183 = arith.constant 0 : i32
      scf.yield %scan3A_183 : i32
    }
    %scan3A_72 = arith.constant 1024 : i32
    %get3A = arith.constant 0 : index
    %get3A_73 = tpu.vector_load %arg15[%get3A] {strides = array<i32>} : memref<128xi32, #tpu.memory_space<vmem>>, vector<16xi32>,
    %eq3A = arith.constant 0 : i32
    %eq3A_74 = vector.broadcast %eq3A : i32 to vector<16xi32>
    %eq3A_75 = arith.cmpi eq, %iota3A, %eq3A_74 : vector<16xi32>
    %jit3A = arith.constant 0 : i32
    %broadcast_in_dim3A_76 = vector.broadcast %jit3A : i32 to vector<16xi32>
    %select_n3A = arith.select %eq3A_75, %get3A_73, %broadcast_in_dim3A_76 : vector<16xi1>, vector<16xi32>
    %reduce_sum3A = arith.constant true
    %reduce_sum3A_77 = vector.broadcast %reduce_sum3A : i1 to vector<16xi1>
    %reduce_sum3A_78 = tpu.scan <sum>, %select_n3A masked %reduce_sum3A_77 : vector<16xi32>, vector<16xi1> -> vector<16xi32>
    %reduce_sum3A_79 = vector.extract %reduce_sum3A_78[15] : i32 from vector<16xi32>
    %get3A_80 = arith.constant 0 : index
    %get3A_81 = tpu.vector_load %arg16[%get3A_80] {strides = array<i32>} : memref<128xi32, #tpu.memory_space<vmem>>, vector<16xi32>,
    %eq3A_82 = arith.constant 0 : i32
    %eq3A_83 = vector.broadcast %eq3A_82 : i32 to vector<16xi32>
    %eq3A_84 = arith.cmpi eq, %iota3A, %eq3A_83 : vector<16xi32>
    %jit3A_85 = arith.constant 0 : i32
    %broadcast_in_dim3A_86 = vector.broadcast %jit3A_85 : i32 to vector<16xi32>
    %select_n3A_87 = arith.select %eq3A_84, %get3A_81, %broadcast_in_dim3A_86 : vector<16xi1>, vector<16xi32>
    %reduce_sum3A_88 = arith.constant true
    %reduce_sum3A_89 = vector.broadcast %reduce_sum3A_88 : i1 to vector<16xi1>
    %reduce_sum3A_90 = tpu.scan <sum>, %select_n3A_87 masked %reduce_sum3A_89 : vector<16xi32>, vector<16xi1> -> vector<16xi32>
    %reduce_sum3A_91 = vector.extract %reduce_sum3A_90[15] : i32 from vector<16xi32>
    %get3A_92 = arith.constant 0 : index
    %get3A_93 = tpu.vector_load %arg13[%get3A_92] {strides = array<i32>} : memref<128xi32, #tpu.memory_space<vmem>>, vector<16xi32>,
    %eq3A_94 = arith.constant 0 : i32
    %eq3A_95 = vector.broadcast %eq3A_94 : i32 to vector<16xi32>
    %eq3A_96 = arith.cmpi eq, %iota3A, %eq3A_95 : vector<16xi32>
    %jit3A_97 = arith.constant 0 : i32
    %broadcast_in_dim3A_98 = vector.broadcast %jit3A_97 : i32 to vector<16xi32>
    %select_n3A_99 = arith.select %eq3A_96, %get3A_93, %broadcast_in_dim3A_98 : vector<16xi1>, vector<16xi32>
    %reduce_sum3A_100 = arith.constant true
    %reduce_sum3A_101 = vector.broadcast %reduce_sum3A_100 : i1 to vector<16xi1>
    %reduce_sum3A_102 = tpu.scan <sum>, %select_n3A_99 masked %reduce_sum3A_101 : vector<16xi32>, vector<16xi1> -> vector<16xi32>
    %reduce_sum3A_103 = vector.extract %reduce_sum3A_102[15] : i32 from vector<16xi32>
    %get3A_104 = arith.constant 0 : index
    %get3A_105 = tpu.vector_load %arg14[%get3A_104] {strides = array<i32>} : memref<128xi32, #tpu.memory_space<vmem>>, vector<16xi32>,
    %eq3A_106 = arith.constant 0 : i32
    %eq3A_107 = vector.broadcast %eq3A_106 : i32 to vector<16xi32>
    %eq3A_108 = arith.cmpi eq, %iota3A, %eq3A_107 : vector<16xi32>
    %jit3A_109 = arith.constant 0 : i32
    %broadcast_in_dim3A_110 = vector.broadcast %jit3A_109 : i32 to vector<16xi32>
    %select_n3A_111 = arith.select %eq3A_108, %get3A_105, %broadcast_in_dim3A_110 : vector<16xi1>, vector<16xi32>
    %reduce_sum3A_112 = arith.constant true
    %reduce_sum3A_113 = vector.broadcast %reduce_sum3A_112 : i1 to vector<16xi1>
    %reduce_sum3A_114 = tpu.scan <sum>, %select_n3A_111 masked %reduce_sum3A_113 : vector<16xi32>, vector<16xi1> -> vector<16xi32>
    %reduce_sum3A_115 = vector.extract %reduce_sum3A_114[15] : i32 from vector<16xi32>
    %scan3A_116 = arith.constant 0 : i32
    %scan3A_117 = arith.constant 0 : i32
    %scan3A_118 = arith.constant 6 : i32
    %scan3A_119 = arith.addi %scan3A_117, %scan3A_118 : i32
    %scan3A_120 = arith.constant 1 : i32
    %scan3A_121 = scf.for %scan3A_142 = %scan3A_117 to %scan3A_119 step %scan3A_120 iter_args(%scan3A_143 = %scan3A_116) -> (i32)  : i32 {
      %mul3A_144 = arith.constant 16 : i32
      %mul3A_145 = arith.muli %scan3A_142, %mul3A_144 : i32
      %add3A_146 = arith.addi %reduce_sum3A_79, %mul3A_145 : i32
      %add3A_147 = vector.broadcast %add3A_146 : i32 to vector<16xi32>
      %add3A_148 = arith.addi %add3A_147, %iota3A : vector<16xi32>
      %sub3A = arith.constant 1 : i32
      %sub3A_149 = arith.subi %reduce_sum3A_91, %sub3A : i32
      %min3A = vector.broadcast %sub3A_149 : i32 to vector<16xi32>
      %min3A_150 = arith.minsi %add3A_148, %min3A : vector<16xi32>
      %max3A = arith.constant 0 : i32
      %max3A_151 = vector.broadcast %max3A : i32 to vector<16xi32>
      %max3A_152 = arith.maxsi %max3A_151, %min3A_150 : vector<16xi32>
      %mul3A_153 = arith.constant 16 : i32
      %mul3A_154 = arith.muli %scan3A_142, %mul3A_153 : i32
      %add3A_155 = arith.constant 0 : i32
      %add3A_156 = arith.addi %add3A_155, %mul3A_154 : i32
      %swap3A = arith.index_cast %add3A_156 : i32 to index
      %swap3A_157 = tpu.vector_load %arg22[%swap3A] {strides = array<i32>} : memref<384xi32, #tpu.memory_space<vmem>>, vector<16xi32>,
      tpu.vector_store %arg22[%swap3A], %max3A_152 {strides = array<i32>} : memref<384xi32, #tpu.memory_space<vmem>>, vector<16xi32>,
      %mul3A_158 = arith.constant 16 : i32
      %mul3A_159 = arith.muli %scan3A_142, %mul3A_158 : i32
      %add3A_160 = arith.addi %reduce_sum3A_103, %mul3A_159 : i32
      %add3A_161 = vector.broadcast %add3A_160 : i32 to vector<16xi32>
      %add3A_162 = arith.addi %add3A_161, %iota3A : vector<16xi32>
      %sub3A_163 = arith.constant 1 : i32
      %sub3A_164 = arith.subi %reduce_sum3A_115, %sub3A_163 : i32
      %min3A_165 = vector.broadcast %sub3A_164 : i32 to vector<16xi32>
      %min3A_166 = arith.minsi %add3A_162, %min3A_165 : vector<16xi32>
      %max3A_167 = arith.constant 0 : i32
      %max3A_168 = vector.broadcast %max3A_167 : i32 to vector<16xi32>
      %max3A_169 = arith.maxsi %max3A_168, %min3A_166 : vector<16xi32>
      %mul3A_170 = arith.constant 16 : i32
      %mul3A_171 = arith.muli %scan3A_142, %mul3A_170 : i32
      %add3A_172 = arith.constant 192 : i32
      %add3A_173 = arith.addi %add3A_172, %mul3A_171 : i32
      %swap3A_174 = arith.index_cast %add3A_173 : i32 to index
      %swap3A_175 = tpu.vector_load %arg22[%swap3A_174] {strides = array<i32>} : memref<384xi32, #tpu.memory_space<vmem>>, vector<16xi32>,
      tpu.vector_store %arg22[%swap3A_174], %max3A_169 {strides = array<i32>} : memref<384xi32, #tpu.memory_space<vmem>>, vector<16xi32>,
      %scan3A_176 = arith.constant 0 : i32
      scf.yield %scan3A_176 : i32
    }
    %scan3A_122 = arith.constant 6 : i32
    %dma_start3A_123 = arith.constant 0 : i32
    %dma_start3A_124 = tpu.memref_slice %arg23[%dma_start3A_123] : memref<192xi32, #tpu.memory_space<vmem>> -> memref<96xi32, #tpu.memory_space<vmem>>
    %dma_start3A_125 = arith.constant 0 : i32
    %dma_start3A_126 = tpu.memref_slice %arg22[%dma_start3A_125] : memref<384xi32, #tpu.memory_space<vmem>> -> memref<96xi32, #tpu.memory_space<vmem>>
    %dma_start3A_127 = arith.constant 0 : i32
    %dma_start3A_128 = tpu.memref_slice %arg2[%dma_start3A_127] : memref<320000xi32, #tpu.memory_space<hbm>> -> memref<320000xi32, #tpu.memory_space<hbm>>
    tpu.enqueue_indirect_dma source(%dma_start3A_128 : memref<320000xi32, #tpu.memory_space<hbm>>) target(%dma_start3A_124 : memref<96xi32, #tpu.memory_space<vmem>>) offsets(%dma_start3A_126 : memref<96xi32, #tpu.memory_space<vmem>>) semaphore(%arg29 : memref<!tpu.dma_semaphore, #tpu.memory_space<semaphore_mem>>)
    %dma_start3A_129 = arith.constant 0 : i32
    %dma_start3A_130 = tpu.memref_slice %arg24[%dma_start3A_129] : memref<192xi32, #tpu.memory_space<vmem>> -> memref<96xi32, #tpu.memory_space<vmem>>
    %dma_start3A_131 = arith.constant 192 : i32
    %dma_start3A_132 = tpu.memref_slice %arg22[%dma_start3A_131] : memref<384xi32, #tpu.memory_space<vmem>> -> memref<96xi32, #tpu.memory_space<vmem>>
    %dma_start3A_133 = arith.constant 0 : i32
    %dma_start3A_134 = tpu.memref_slice %arg2[%dma_start3A_133] : memref<320000xi32, #tpu.memory_space<hbm>> -> memref<320000xi32, #tpu.memory_space<hbm>>
    tpu.enqueue_indirect_dma source(%dma_start3A_134 : memref<320000xi32, #tpu.memory_space<hbm>>) target(%dma_start3A_130 : memref<96xi32, #tpu.memory_space<vmem>>) offsets(%dma_start3A_132 : memref<96xi32, #tpu.memory_space<vmem>>) semaphore(%arg29 : memref<!tpu.dma_semaphore, #tpu.memory_space<semaphore_mem>>)
    %scan3A_135 = arith.constant 0 : i32
    %scan3A_136 = arith.constant 0 : i32
    %scan3A_137 = arith.constant 128 : i32
    %scan3A_138 = arith.addi %scan3A_136, %scan3A_137 : i32
    %scan3A_139 = arith.constant 1 : i32
    %scan3A_140 = scf.for %scan3A_142 = %scan3A_136 to %scan3A_138 step %scan3A_139 iter_args(%scan3A_143 = %scan3A_135) -> (i32)  : i32 {
      %jit3A_144 = arith.constant 2 : i32
      %eq3A_145 = arith.constant 0 : i32
      %eq3A_146 = arith.cmpi eq, %jit3A_144, %eq3A_145 : i32
      %jit3A_147 = arith.constant 1 : i32
      %select_n3A_148 = arith.select %eq3A_146, %jit3A_147, %jit3A_144 : i32
      %rem3A = arith.remsi %scan3A_142, %select_n3A_148 : i32
      %ne3A = arith.constant 0 : i32
      %ne3A_149 = arith.cmpi ne, %rem3A, %ne3A : i32
      %lt3A = arith.constant 0 : i32
      %lt3A_150 = arith.cmpi slt, %rem3A, %lt3A : i32
      %lt3A_151 = arith.constant 0 : i32
      %lt3A_152 = arith.cmpi slt, %select_n3A_148, %lt3A_151 : i32
      %ne3A_153 = arith.xori %lt3A_150, %lt3A_152 : i1
      %and3A = arith.andi %ne3A_153, %ne3A_149 : i1
      %add3A_154 = arith.addi %rem3A, %select_n3A_148 : i32
      %select_n3A_155 = arith.select %and3A, %add3A_154, %rem3A : i32
      %mul3A_156 = arith.constant 96 : i32
      %mul3A_157 = arith.muli %select_n3A_155, %mul3A_156 : i32
      %dma_wait3A_158 = tpu.memref_slice %arg23[%mul3A_157] : memref<192xi32, #tpu.memory_space<vmem>> -> memref<96xi32, #tpu.memory_space<vmem>>
      %dma_wait3A_159 = tpu.memref_slice %arg22[%mul3A_157] : memref<384xi32, #tpu.memory_space<vmem>> -> memref<96xi32, #tpu.memory_space<vmem>>
      %dma_wait3A_160 = arith.constant 0 : i32
      %dma_wait3A_161 = tpu.memref_slice %arg2[%dma_wait3A_160] : memref<320000xi32, #tpu.memory_space<hbm>> -> memref<320000xi32, #tpu.memory_space<hbm>>
      tpu.wait_indirect_dma semaphore(%arg29 : memref<!tpu.dma_semaphore, #tpu.memory_space<semaphore_mem>>) src(%dma_wait3A_161 : memref<320000xi32, #tpu.memory_space<hbm>>) dst(%dma_wait3A_158 : memref<96xi32, #tpu.memory_space<vmem>>)
      %add3A_162 = arith.constant 192 : i32
      %add3A_163 = arith.addi %add3A_162, %mul3A_157 : i32
      %dma_wait3A_164 = tpu.memref_slice %arg24[%mul3A_157] : memref<192xi32, #tpu.memory_space<vmem>> -> memref<96xi32, #tpu.memory_space<vmem>>
      %dma_wait3A_165 = tpu.memref_slice %arg22[%add3A_163] : memref<384xi32, #tpu.memory_space<vmem>> -> memref<96xi32, #tpu.memory_space<vmem>>
      %dma_wait3A_166 = arith.constant 0 : i32
      %dma_wait3A_167 = tpu.memref_slice %arg2[%dma_wait3A_166] : memref<320000xi32, #tpu.memory_space<hbm>> -> memref<320000xi32, #tpu.memory_space<hbm>>
      tpu.wait_indirect_dma semaphore(%arg29 : memref<!tpu.dma_semaphore, #tpu.memory_space<semaphore_mem>>) src(%dma_wait3A_167 : memref<320000xi32, #tpu.memory_space<hbm>>) dst(%dma_wait3A_164 : memref<96xi32, #tpu.memory_space<vmem>>)
      %add3A_168 = arith.constant 1 : i32
      %add3A_169 = arith.addi %scan3A_142, %add3A_168 : i32
      %lt3A_170 = arith.constant 128 : i32
      %lt3A_171 = arith.cmpi slt, %add3A_169, %lt3A_170 : i32
      %convert_element_type3A = arith.extui %lt3A_171 : i1 to i32
      %cond3A = arith.constant 0 : i32
      %cond3A_172 = arith.cmpi ne, %convert_element_type3A, %cond3A : i32
      scf.if %cond3A_172 {
        %add3A_380 = arith.constant 1 : i32
        %add3A_381 = arith.addi %scan3A_142, %add3A_380 : i32
        %jit3A_382 = arith.constant 2 : i32
        %eq3A_383 = arith.constant 0 : i32
        %eq3A_384 = arith.cmpi eq, %jit3A_382, %eq3A_383 : i32
        %jit3A_385 = arith.constant 1 : i32
        %select_n3A_386 = arith.select %eq3A_384, %jit3A_385, %jit3A_382 : i32
        %rem3A_387 = arith.remsi %add3A_381, %select_n3A_386 : i32
        %ne3A_388 = arith.constant 0 : i32
        %ne3A_389 = arith.cmpi ne, %rem3A_387, %ne3A_388 : i32
        %lt3A_390 = arith.constant 0 : i32
        %lt3A_391 = arith.cmpi slt, %rem3A_387, %lt3A_390 : i32
        %lt3A_392 = arith.constant 0 : i32
        %lt3A_393 = arith.cmpi slt, %select_n3A_386, %lt3A_392 : i32
        %ne3A_394 = arith.xori %lt3A_391, %lt3A_393 : i1
        %and3A_395 = arith.andi %ne3A_394, %ne3A_389 : i1
        %add3A_396 = arith.addi %rem3A_387, %select_n3A_386 : i32
        %select_n3A_397 = arith.select %and3A_395, %add3A_396, %rem3A_387 : i32
        %mul3A_398 = arith.constant 96 : i32
        %mul3A_399 = arith.muli %select_n3A_397, %mul3A_398 : i32
        %jit3A_400 = arith.constant 16 : i32
        %div3A_401 = arith.divsi %add3A_381, %jit3A_400 : i32
        %sign3A_402 = arith.constant 0 : i32
        %sign3A_403 = arith.cmpi sgt, %add3A_381, %sign3A_402 : i32
        %sign3A_404 = arith.extui %sign3A_403 : i1 to i32
        %sign3A_405 = arith.constant 0 : i32
        %sign3A_406 = arith.cmpi slt, %add3A_381, %sign3A_405 : i32
        %sign3A_407 = arith.extui %sign3A_406 : i1 to i32
        %sign3A_408 = arith.subi %sign3A_404, %sign3A_407 : i32
        %sign3A_409 = arith.constant 0 : i32
        %sign3A_410 = arith.cmpi sgt, %jit3A_400, %sign3A_409 : i32
        %sign3A_411 = arith.extui %sign3A_410 : i1 to i32
        %sign3A_412 = arith.constant 0 : i32
        %sign3A_413 = arith.cmpi slt, %jit3A_400, %sign3A_412 : i32
        %sign3A_414 = arith.extui %sign3A_413 : i1 to i32
        %sign3A_415 = arith.subi %sign3A_411, %sign3A_414 : i32
        %ne3A_416 = arith.cmpi ne, %sign3A_408, %sign3A_415 : i32
        %rem3A_417 = arith.remsi %add3A_381, %jit3A_400 : i32
        %ne3A_418 = arith.constant 0 : i32
        %ne3A_419 = arith.cmpi ne, %rem3A_417, %ne3A_418 : i32
        %and3A_420 = arith.andi %ne3A_416, %ne3A_419 : i1
        %sub3A_421 = arith.constant 1 : i32
        %sub3A_422 = arith.subi %div3A_401, %sub3A_421 : i32
        %select_n3A_423 = arith.select %and3A_420, %sub3A_422, %div3A_401 : i32
        %mul3A_424 = arith.constant 16 : i32
        %mul3A_425 = arith.muli %select_n3A_423, %mul3A_424 : i32
        %get3A_426 = arith.index_cast %mul3A_425 : i32 to index
        %get3A_427 = tpu.vector_load %arg15[%get3A_426] {strides = array<i32>} : memref<128xi32, #tpu.memory_space<vmem>>, vector<16xi32>,
        %sub3A_428 = arith.subi %add3A_381, %mul3A_425 : i32
        %eq3A_429 = vector.broadcast %sub3A_428 : i32 to vector<16xi32>
        %eq3A_430 = arith.cmpi eq, %iota3A, %eq3A_429 : vector<16xi32>
        %jit3A_431 = arith.constant 0 : i32
        %broadcast_in_dim3A_432 = vector.broadcast %jit3A_431 : i32 to vector<16xi32>
        %select_n3A_433 = arith.select %eq3A_430, %get3A_427, %broadcast_in_dim3A_432 : vector<16xi1>, vector<16xi32>
        %reduce_sum3A_434 = arith.constant true
        %reduce_sum3A_435 = vector.broadcast %reduce_sum3A_434 : i1 to vector<16xi1>
        %reduce_sum3A_436 = tpu.scan <sum>, %select_n3A_433 masked %reduce_sum3A_435 : vector<16xi32>, vector<16xi1> -> vector<16xi32>
        %reduce_sum3A_437 = vector.extract %reduce_sum3A_436[15] : i32 from vector<16xi32>
        %jit3A_438 = arith.constant 16 : i32
        %div3A_439 = arith.divsi %add3A_381, %jit3A_438 : i32
        %sign3A_440 = arith.constant 0 : i32
        %sign3A_441 = arith.cmpi sgt, %add3A_381, %sign3A_440 : i32
        %sign3A_442 = arith.extui %sign3A_441 : i1 to i32
        %sign3A_443 = arith.constant 0 : i32
        %sign3A_444 = arith.cmpi slt, %add3A_381, %sign3A_443 : i32
        %sign3A_445 = arith.extui %sign3A_444 : i1 to i32
        %sign3A_446 = arith.subi %sign3A_442, %sign3A_445 : i32
        %sign3A_447 = arith.constant 0 : i32
        %sign3A_448 = arith.cmpi sgt, %jit3A_438, %sign3A_447 : i32
        %sign3A_449 = arith.extui %sign3A_448 : i1 to i32
        %sign3A_450 = arith.constant 0 : i32
        %sign3A_451 = arith.cmpi slt, %jit3A_438, %sign3A_450 : i32
        %sign3A_452 = arith.extui %sign3A_451 : i1 to i32
        %sign3A_453 = arith.subi %sign3A_449, %sign3A_452 : i32
        %ne3A_454 = arith.cmpi ne, %sign3A_446, %sign3A_453 : i32
        %rem3A_455 = arith.remsi %add3A_381, %jit3A_438 : i32
        %ne3A_456 = arith.constant 0 : i32
        %ne3A_457 = arith.cmpi ne, %rem3A_455, %ne3A_456 : i32
        %and3A_458 = arith.andi %ne3A_454, %ne3A_457 : i1
        %sub3A_459 = arith.constant 1 : i32
        %sub3A_460 = arith.subi %div3A_439, %sub3A_459 : i32
        %select_n3A_461 = arith.select %and3A_458, %sub3A_460, %div3A_439 : i32
        %mul3A_462 = arith.constant 16 : i32
        %mul3A_463 = arith.muli %select_n3A_461, %mul3A_462 : i32
        %get3A_464 = arith.index_cast %mul3A_463 : i32 to index
        %get3A_465 = tpu.vector_load %arg16[%get3A_464] {strides = array<i32>} : memref<128xi32, #tpu.memory_space<vmem>>, vector<16xi32>,
        %sub3A_466 = arith.subi %add3A_381, %mul3A_463 : i32
        %eq3A_467 = vector.broadcast %sub3A_466 : i32 to vector<16xi32>
        %eq3A_468 = arith.cmpi eq, %iota3A, %eq3A_467 : vector<16xi32>
        %jit3A_469 = arith.constant 0 : i32
        %broadcast_in_dim3A_470 = vector.broadcast %jit3A_469 : i32 to vector<16xi32>
        %select_n3A_471 = arith.select %eq3A_468, %get3A_465, %broadcast_in_dim3A_470 : vector<16xi1>, vector<16xi32>
        %reduce_sum3A_472 = arith.constant true
        %reduce_sum3A_473 = vector.broadcast %reduce_sum3A_472 : i1 to vector<16xi1>
        %reduce_sum3A_474 = tpu.scan <sum>, %select_n3A_471 masked %reduce_sum3A_473 : vector<16xi32>, vector<16xi1> -> vector<16xi32>
        %reduce_sum3A_475 = vector.extract %reduce_sum3A_474[15] : i32 from vector<16xi32>
        %jit3A_476 = arith.constant 16 : i32
        %div3A_477 = arith.divsi %add3A_381, %jit3A_476 : i32
        %sign3A_478 = arith.constant 0 : i32
        %sign3A_479 = arith.cmpi sgt, %add3A_381, %sign3A_478 : i32
        %sign3A_480 = arith.extui %sign3A_479 : i1 to i32
        %sign3A_481 = arith.constant 0 : i32
        %sign3A_482 = arith.cmpi slt, %add3A_381, %sign3A_481 : i32
        %sign3A_483 = arith.extui %sign3A_482 : i1 to i32
        %sign3A_484 = arith.subi %sign3A_480, %sign3A_483 : i32
        %sign3A_485 = arith.constant 0 : i32
        %sign3A_486 = arith.cmpi sgt, %jit3A_476, %sign3A_485 : i32
        %sign3A_487 = arith.extui %sign3A_486 : i1 to i32
        %sign3A_488 = arith.constant 0 : i32
        %sign3A_489 = arith.cmpi slt, %jit3A_476, %sign3A_488 : i32
        %sign3A_490 = arith.extui %sign3A_489 : i1 to i32
        %sign3A_491 = arith.subi %sign3A_487, %sign3A_490 : i32
        %ne3A_492 = arith.cmpi ne, %sign3A_484, %sign3A_491 : i32
        %rem3A_493 = arith.remsi %add3A_381, %jit3A_476 : i32
        %ne3A_494 = arith.constant 0 : i32
        %ne3A_495 = arith.cmpi ne, %rem3A_493, %ne3A_494 : i32
        %and3A_496 = arith.andi %ne3A_492, %ne3A_495 : i1
        %sub3A_497 = arith.constant 1 : i32
        %sub3A_498 = arith.subi %div3A_477, %sub3A_497 : i32
        %select_n3A_499 = arith.select %and3A_496, %sub3A_498, %div3A_477 : i32
        %mul3A_500 = arith.constant 16 : i32
        %mul3A_501 = arith.muli %select_n3A_499, %mul3A_500 : i32
        %get3A_502 = arith.index_cast %mul3A_501 : i32 to index
        %get3A_503 = tpu.vector_load %arg13[%get3A_502] {strides = array<i32>} : memref<128xi32, #tpu.memory_space<vmem>>, vector<16xi32>,
        %sub3A_504 = arith.subi %add3A_381, %mul3A_501 : i32
        %eq3A_505 = vector.broadcast %sub3A_504 : i32 to vector<16xi32>
        %eq3A_506 = arith.cmpi eq, %iota3A, %eq3A_505 : vector<16xi32>
        %jit3A_507 = arith.constant 0 : i32
        %broadcast_in_dim3A_508 = vector.broadcast %jit3A_507 : i32 to vector<16xi32>
        %select_n3A_509 = arith.select %eq3A_506, %get3A_503, %broadcast_in_dim3A_508 : vector<16xi1>, vector<16xi32>
        %reduce_sum3A_510 = arith.constant true
        %reduce_sum3A_511 = vector.broadcast %reduce_sum3A_510 : i1 to vector<16xi1>
        %reduce_sum3A_512 = tpu.scan <sum>, %select_n3A_509 masked %reduce_sum3A_511 : vector<16xi32>, vector<16xi1> -> vector<16xi32>
        %reduce_sum3A_513 = vector.extract %reduce_sum3A_512[15] : i32 from vector<16xi32>
        %jit3A_514 = arith.constant 16 : i32
        %div3A_515 = arith.divsi %add3A_381, %jit3A_514 : i32
        %sign3A_516 = arith.constant 0 : i32
        %sign3A_517 = arith.cmpi sgt, %add3A_381, %sign3A_516 : i32
        %sign3A_518 = arith.extui %sign3A_517 : i1 to i32
        %sign3A_519 = arith.constant 0 : i32
        %sign3A_520 = arith.cmpi slt, %add3A_381, %sign3A_519 : i32
        %sign3A_521 = arith.extui %sign3A_520 : i1 to i32
        %sign3A_522 = arith.subi %sign3A_518, %sign3A_521 : i32
        %sign3A_523 = arith.constant 0 : i32
        %sign3A_524 = arith.cmpi sgt, %jit3A_514, %sign3A_523 : i32
        %sign3A_525 = arith.extui %sign3A_524 : i1 to i32
        %sign3A_526 = arith.constant 0 : i32
        %sign3A_527 = arith.cmpi slt, %jit3A_514, %sign3A_526 : i32
        %sign3A_528 = arith.extui %sign3A_527 : i1 to i32
        %sign3A_529 = arith.subi %sign3A_525, %sign3A_528 : i32
        %ne3A_530 = arith.cmpi ne, %sign3A_522, %sign3A_529 : i32
        %rem3A_531 = arith.remsi %add3A_381, %jit3A_514 : i32
        %ne3A_532 = arith.constant 0 : i32
        %ne3A_533 = arith.cmpi ne, %rem3A_531, %ne3A_532 : i32
        %and3A_534 = arith.andi %ne3A_530, %ne3A_533 : i1
        %sub3A_535 = arith.constant 1 : i32
        %sub3A_536 = arith.subi %div3A_515, %sub3A_535 : i32
        %select_n3A_537 = arith.select %and3A_534, %sub3A_536, %div3A_515 : i32
        %mul3A_538 = arith.constant 16 : i32
        %mul3A_539 = arith.muli %select_n3A_537, %mul3A_538 : i32
        %get3A_540 = arith.index_cast %mul3A_539 : i32 to index
        %get3A_541 = tpu.vector_load %arg14[%get3A_540] {strides = array<i32>} : memref<128xi32, #tpu.memory_space<vmem>>, vector<16xi32>,
        %sub3A_542 = arith.subi %add3A_381, %mul3A_539 : i32
        %eq3A_543 = vector.broadcast %sub3A_542 : i32 to vector<16xi32>
        %eq3A_544 = arith.cmpi eq, %iota3A, %eq3A_543 : vector<16xi32>
        %jit3A_545 = arith.constant 0 : i32
        %broadcast_in_dim3A_546 = vector.broadcast %jit3A_545 : i32 to vector<16xi32>
        %select_n3A_547 = arith.select %eq3A_544, %get3A_541, %broadcast_in_dim3A_546 : vector<16xi1>, vector<16xi32>
        %reduce_sum3A_548 = arith.constant true
        %reduce_sum3A_549 = vector.broadcast %reduce_sum3A_548 : i1 to vector<16xi1>
        %reduce_sum3A_550 = tpu.scan <sum>, %select_n3A_547 masked %reduce_sum3A_549 : vector<16xi32>, vector<16xi1> -> vector<16xi32>
        %reduce_sum3A_551 = vector.extract %reduce_sum3A_550[15] : i32 from vector<16xi32>
        %scan3A_552 = arith.constant 0 : i32
        %scan3A_553 = arith.constant 0 : i32
        %scan3A_554 = arith.constant 6 : i32
        %scan3A_555 = arith.addi %scan3A_553, %scan3A_554 : i32
        %scan3A_556 = arith.constant 1 : i32
        %scan3A_557 = scf.for %scan3A_569 = %scan3A_553 to %scan3A_555 step %scan3A_556 iter_args(%scan3A_570 = %scan3A_552) -> (i32)  : i32 {
          %mul3A_571 = arith.constant 16 : i32
          %mul3A_572 = arith.muli %scan3A_569, %mul3A_571 : i32
          %add3A_573 = arith.addi %reduce_sum3A_437, %mul3A_572 : i32
          %add3A_574 = vector.broadcast %add3A_573 : i32 to vector<16xi32>
          %add3A_575 = arith.addi %add3A_574, %iota3A : vector<16xi32>
          %sub3A_576 = arith.constant 1 : i32
          %sub3A_577 = arith.subi %reduce_sum3A_475, %sub3A_576 : i32
          %min3A = vector.broadcast %sub3A_577 : i32 to vector<16xi32>
          %min3A_578 = arith.minsi %add3A_575, %min3A : vector<16xi32>
          %max3A = arith.constant 0 : i32
          %max3A_579 = vector.broadcast %max3A : i32 to vector<16xi32>
          %max3A_580 = arith.maxsi %max3A_579, %min3A_578 : vector<16xi32>
          %mul3A_581 = arith.constant 16 : i32
          %mul3A_582 = arith.muli %scan3A_569, %mul3A_581 : i32
          %add3A_583 = arith.addi %mul3A_399, %mul3A_582 : i32
          %swap3A = arith.index_cast %add3A_583 : i32 to index
          %swap3A_584 = tpu.vector_load %arg22[%swap3A] {strides = array<i32>} : memref<384xi32, #tpu.memory_space<vmem>>, vector<16xi32>,
          tpu.vector_store %arg22[%swap3A], %max3A_580 {strides = array<i32>} : memref<384xi32, #tpu.memory_space<vmem>>, vector<16xi32>,
          %mul3A_585 = arith.constant 16 : i32
          %mul3A_586 = arith.muli %scan3A_569, %mul3A_585 : i32
          %add3A_587 = arith.addi %reduce_sum3A_513, %mul3A_586 : i32
          %add3A_588 = vector.broadcast %add3A_587 : i32 to vector<16xi32>
          %add3A_589 = arith.addi %add3A_588, %iota3A : vector<16xi32>
          %sub3A_590 = arith.constant 1 : i32
          %sub3A_591 = arith.subi %reduce_sum3A_551, %sub3A_590 : i32
          %min3A_592 = vector.broadcast %sub3A_591 : i32 to vector<16xi32>
          %min3A_593 = arith.minsi %add3A_589, %min3A_592 : vector<16xi32>
          %max3A_594 = arith.constant 0 : i32
          %max3A_595 = vector.broadcast %max3A_594 : i32 to vector<16xi32>
          %max3A_596 = arith.maxsi %max3A_595, %min3A_593 : vector<16xi32>
          %add3A_597 = arith.constant 192 : i32
          %add3A_598 = arith.addi %add3A_597, %mul3A_399 : i32
          %mul3A_599 = arith.constant 16 : i32
          %mul3A_600 = arith.muli %scan3A_569, %mul3A_599 : i32
          %add3A_601 = arith.addi %add3A_598, %mul3A_600 : i32
          %swap3A_602 = arith.index_cast %add3A_601 : i32 to index
          %swap3A_603 = tpu.vector_load %arg22[%swap3A_602] {strides = array<i32>} : memref<384xi32, #tpu.memory_space<vmem>>, vector<16xi32>,
          tpu.vector_store %arg22[%swap3A_602], %max3A_596 {strides = array<i32>} : memref<384xi32, #tpu.memory_space<vmem>>, vector<16xi32>,
          %scan3A_604 = arith.constant 0 : i32
          scf.yield %scan3A_604 : i32
        }
        %scan3A_558 = arith.constant 6 : i32
        %dma_start3A_559 = tpu.memref_slice %arg23[%mul3A_399] : memref<192xi32, #tpu.memory_space<vmem>> -> memref<96xi32, #tpu.memory_space<vmem>>
        %dma_start3A_560 = tpu.memref_slice %arg22[%mul3A_399] : memref<384xi32, #tpu.memory_space<vmem>> -> memref<96xi32, #tpu.memory_space<vmem>>
        %dma_start3A_561 = arith.constant 0 : i32
        %dma_start3A_562 = tpu.memref_slice %arg2[%dma_start3A_561] : memref<320000xi32, #tpu.memory_space<hbm>> -> memref<320000xi32, #tpu.memory_space<hbm>>
        tpu.enqueue_indirect_dma source(%dma_start3A_562 : memref<320000xi32, #tpu.memory_space<hbm>>) target(%dma_start3A_559 : memref<96xi32, #tpu.memory_space<vmem>>) offsets(%dma_start3A_560 : memref<96xi32, #tpu.memory_space<vmem>>) semaphore(%arg29 : memref<!tpu.dma_semaphore, #tpu.memory_space<semaphore_mem>>)
        %add3A_563 = arith.constant 192 : i32
        %add3A_564 = arith.addi %add3A_563, %mul3A_399 : i32
        %dma_start3A_565 = tpu.memref_slice %arg24[%mul3A_399] : memref<192xi32, #tpu.memory_space<vmem>> -> memref<96xi32, #tpu.memory_space<vmem>>
        %dma_start3A_566 = tpu.memref_slice %arg22[%add3A_564] : memref<384xi32, #tpu.memory_space<vmem>> -> memref<96xi32, #tpu.memory_space<vmem>>
        %dma_start3A_567 = arith.constant 0 : i32
        %dma_start3A_568 = tpu.memref_slice %arg2[%dma_start3A_567] : memref<320000xi32, #tpu.memory_space<hbm>> -> memref<320000xi32, #tpu.memory_space<hbm>>
        tpu.enqueue_indirect_dma source(%dma_start3A_568 : memref<320000xi32, #tpu.memory_space<hbm>>) target(%dma_start3A_565 : memref<96xi32, #tpu.memory_space<vmem>>) offsets(%dma_start3A_566 : memref<96xi32, #tpu.memory_space<vmem>>) semaphore(%arg29 : memref<!tpu.dma_semaphore, #tpu.memory_space<semaphore_mem>>)
      } else {
      }
      %jit3A_173 = arith.constant 2 : i32
      %eq3A_174 = arith.constant 0 : i32
      %eq3A_175 = arith.cmpi eq, %jit3A_173, %eq3A_174 : i32
      %jit3A_176 = arith.constant 1 : i32
      %select_n3A_177 = arith.select %eq3A_175, %jit3A_176, %jit3A_173 : i32
      %rem3A_178 = arith.remsi %scan3A_142, %select_n3A_177 : i32
      %ne3A_179 = arith.constant 0 : i32
      %ne3A_180 = arith.cmpi ne, %rem3A_178, %ne3A_179 : i32
      %lt3A_181 = arith.constant 0 : i32
      %lt3A_182 = arith.cmpi slt, %rem3A_178, %lt3A_181 : i32
      %lt3A_183 = arith.constant 0 : i32
      %lt3A_184 = arith.cmpi slt, %select_n3A_177, %lt3A_183 : i32
      %ne3A_185 = arith.xori %lt3A_182, %lt3A_184 : i1
      %and3A_186 = arith.andi %ne3A_185, %ne3A_180 : i1
      %add3A_187 = arith.addi %rem3A_178, %select_n3A_177 : i32
      %select_n3A_188 = arith.select %and3A_186, %add3A_187, %rem3A_178 : i32
      %mul3A_189 = arith.constant 96 : i32
      %mul3A_190 = arith.muli %select_n3A_188, %mul3A_189 : i32
      %jit3A_191 = arith.constant 16 : i32
      %div3A = arith.divsi %scan3A_142, %jit3A_191 : i32
      %sign3A = arith.constant 0 : i32
      %sign3A_192 = arith.cmpi sgt, %scan3A_142, %sign3A : i32
      %sign3A_193 = arith.extui %sign3A_192 : i1 to i32
      %sign3A_194 = arith.constant 0 : i32
      %sign3A_195 = arith.cmpi slt, %scan3A_142, %sign3A_194 : i32
      %sign3A_196 = arith.extui %sign3A_195 : i1 to i32
      %sign3A_197 = arith.subi %sign3A_193, %sign3A_196 : i32
      %sign3A_198 = arith.constant 0 : i32
      %sign3A_199 = arith.cmpi sgt, %jit3A_191, %sign3A_198 : i32
      %sign3A_200 = arith.extui %sign3A_199 : i1 to i32
      %sign3A_201 = arith.constant 0 : i32
      %sign3A_202 = arith.cmpi slt, %jit3A_191, %sign3A_201 : i32
      %sign3A_203 = arith.extui %sign3A_202 : i1 to i32
      %sign3A_204 = arith.subi %sign3A_200, %sign3A_203 : i32
      %ne3A_205 = arith.cmpi ne, %sign3A_197, %sign3A_204 : i32
      %rem3A_206 = arith.remsi %scan3A_142, %jit3A_191 : i32
      %ne3A_207 = arith.constant 0 : i32
      %ne3A_208 = arith.cmpi ne, %rem3A_206, %ne3A_207 : i32
      %and3A_209 = arith.andi %ne3A_205, %ne3A_208 : i1
      %sub3A = arith.constant 1 : i32
      %sub3A_210 = arith.subi %div3A, %sub3A : i32
      %select_n3A_211 = arith.select %and3A_209, %sub3A_210, %div3A : i32
      %mul3A_212 = arith.constant 16 : i32
      %mul3A_213 = arith.muli %select_n3A_211, %mul3A_212 : i32
      %get3A_214 = arith.index_cast %mul3A_213 : i32 to index
      %get3A_215 = tpu.vector_load %arg15[%get3A_214] {strides = array<i32>} : memref<128xi32, #tpu.memory_space<vmem>>, vector<16xi32>,
      %sub3A_216 = arith.subi %scan3A_142, %mul3A_213 : i32
      %eq3A_217 = vector.broadcast %sub3A_216 : i32 to vector<16xi32>
      %eq3A_218 = arith.cmpi eq, %iota3A, %eq3A_217 : vector<16xi32>
      %jit3A_219 = arith.constant 0 : i32
      %broadcast_in_dim3A_220 = vector.broadcast %jit3A_219 : i32 to vector<16xi32>
      %select_n3A_221 = arith.select %eq3A_218, %get3A_215, %broadcast_in_dim3A_220 : vector<16xi1>, vector<16xi32>
      %reduce_sum3A_222 = arith.constant true
      %reduce_sum3A_223 = vector.broadcast %reduce_sum3A_222 : i1 to vector<16xi1>
      %reduce_sum3A_224 = tpu.scan <sum>, %select_n3A_221 masked %reduce_sum3A_223 : vector<16xi32>, vector<16xi1> -> vector<16xi32>
      %reduce_sum3A_225 = vector.extract %reduce_sum3A_224[15] : i32 from vector<16xi32>
      %jit3A_226 = arith.constant 16 : i32
      %div3A_227 = arith.divsi %scan3A_142, %jit3A_226 : i32
      %sign3A_228 = arith.constant 0 : i32
      %sign3A_229 = arith.cmpi sgt, %scan3A_142, %sign3A_228 : i32
      %sign3A_230 = arith.extui %sign3A_229 : i1 to i32
      %sign3A_231 = arith.constant 0 : i32
      %sign3A_232 = arith.cmpi slt, %scan3A_142, %sign3A_231 : i32
      %sign3A_233 = arith.extui %sign3A_232 : i1 to i32
      %sign3A_234 = arith.subi %sign3A_230, %sign3A_233 : i32
      %sign3A_235 = arith.constant 0 : i32
      %sign3A_236 = arith.cmpi sgt, %jit3A_226, %sign3A_235 : i32
      %sign3A_237 = arith.extui %sign3A_236 : i1 to i32
      %sign3A_238 = arith.constant 0 : i32
      %sign3A_239 = arith.cmpi slt, %jit3A_226, %sign3A_238 : i32
      %sign3A_240 = arith.extui %sign3A_239 : i1 to i32
      %sign3A_241 = arith.subi %sign3A_237, %sign3A_240 : i32
      %ne3A_242 = arith.cmpi ne, %sign3A_234, %sign3A_241 : i32
      %rem3A_243 = arith.remsi %scan3A_142, %jit3A_226 : i32
      %ne3A_244 = arith.constant 0 : i32
      %ne3A_245 = arith.cmpi ne, %rem3A_243, %ne3A_244 : i32
      %and3A_246 = arith.andi %ne3A_242, %ne3A_245 : i1
      %sub3A_247 = arith.constant 1 : i32
      %sub3A_248 = arith.subi %div3A_227, %sub3A_247 : i32
      %select_n3A_249 = arith.select %and3A_246, %sub3A_248, %div3A_227 : i32
      %mul3A_250 = arith.constant 16 : i32
      %mul3A_251 = arith.muli %select_n3A_249, %mul3A_250 : i32
      %get3A_252 = arith.index_cast %mul3A_251 : i32 to index
      %get3A_253 = tpu.vector_load %arg16[%get3A_252] {strides = array<i32>} : memref<128xi32, #tpu.memory_space<vmem>>, vector<16xi32>,
      %sub3A_254 = arith.subi %scan3A_142, %mul3A_251 : i32
      %eq3A_255 = vector.broadcast %sub3A_254 : i32 to vector<16xi32>
      %eq3A_256 = arith.cmpi eq, %iota3A, %eq3A_255 : vector<16xi32>
      %jit3A_257 = arith.constant 0 : i32
      %broadcast_in_dim3A_258 = vector.broadcast %jit3A_257 : i32 to vector<16xi32>
      %select_n3A_259 = arith.select %eq3A_256, %get3A_253, %broadcast_in_dim3A_258 : vector<16xi1>, vector<16xi32>
      %reduce_sum3A_260 = arith.constant true
      %reduce_sum3A_261 = vector.broadcast %reduce_sum3A_260 : i1 to vector<16xi1>
      %reduce_sum3A_262 = tpu.scan <sum>, %select_n3A_259 masked %reduce_sum3A_261 : vector<16xi32>, vector<16xi1> -> vector<16xi32>
      %reduce_sum3A_263 = vector.extract %reduce_sum3A_262[15] : i32 from vector<16xi32>
      %jit3A_264 = arith.constant 16 : i32
      %div3A_265 = arith.divsi %scan3A_142, %jit3A_264 : i32
      %sign3A_266 = arith.constant 0 : i32
      %sign3A_267 = arith.cmpi sgt, %scan3A_142, %sign3A_266 : i32
      %sign3A_268 = arith.extui %sign3A_267 : i1 to i32
      %sign3A_269 = arith.constant 0 : i32
      %sign3A_270 = arith.cmpi slt, %scan3A_142, %sign3A_269 : i32
      %sign3A_271 = arith.extui %sign3A_270 : i1 to i32
      %sign3A_272 = arith.subi %sign3A_268, %sign3A_271 : i32
      %sign3A_273 = arith.constant 0 : i32
      %sign3A_274 = arith.cmpi sgt, %jit3A_264, %sign3A_273 : i32
      %sign3A_275 = arith.extui %sign3A_274 : i1 to i32
      %sign3A_276 = arith.constant 0 : i32
      %sign3A_277 = arith.cmpi slt, %jit3A_264, %sign3A_276 : i32
      %sign3A_278 = arith.extui %sign3A_277 : i1 to i32
      %sign3A_279 = arith.subi %sign3A_275, %sign3A_278 : i32
      %ne3A_280 = arith.cmpi ne, %sign3A_272, %sign3A_279 : i32
      %rem3A_281 = arith.remsi %scan3A_142, %jit3A_264 : i32
      %ne3A_282 = arith.constant 0 : i32
      %ne3A_283 = arith.cmpi ne, %rem3A_281, %ne3A_282 : i32
      %and3A_284 = arith.andi %ne3A_280, %ne3A_283 : i1
      %sub3A_285 = arith.constant 1 : i32
      %sub3A_286 = arith.subi %div3A_265, %sub3A_285 : i32
      %select_n3A_287 = arith.select %and3A_284, %sub3A_286, %div3A_265 : i32
      %mul3A_288 = arith.constant 16 : i32
      %mul3A_289 = arith.muli %select_n3A_287, %mul3A_288 : i32
      %get3A_290 = arith.index_cast %mul3A_289 : i32 to index
      %get3A_291 = tpu.vector_load %arg13[%get3A_290] {strides = array<i32>} : memref<128xi32, #tpu.memory_space<vmem>>, vector<16xi32>,
      %sub3A_292 = arith.subi %scan3A_142, %mul3A_289 : i32
      %eq3A_293 = vector.broadcast %sub3A_292 : i32 to vector<16xi32>
      %eq3A_294 = arith.cmpi eq, %iota3A, %eq3A_293 : vector<16xi32>
      %jit3A_295 = arith.constant 0 : i32
      %broadcast_in_dim3A_296 = vector.broadcast %jit3A_295 : i32 to vector<16xi32>
      %select_n3A_297 = arith.select %eq3A_294, %get3A_291, %broadcast_in_dim3A_296 : vector<16xi1>, vector<16xi32>
      %reduce_sum3A_298 = arith.constant true
      %reduce_sum3A_299 = vector.broadcast %reduce_sum3A_298 : i1 to vector<16xi1>
      %reduce_sum3A_300 = tpu.scan <sum>, %select_n3A_297 masked %reduce_sum3A_299 : vector<16xi32>, vector<16xi1> -> vector<16xi32>
      %reduce_sum3A_301 = vector.extract %reduce_sum3A_300[15] : i32 from vector<16xi32>
      %jit3A_302 = arith.constant 16 : i32
      %div3A_303 = arith.divsi %scan3A_142, %jit3A_302 : i32
      %sign3A_304 = arith.constant 0 : i32
      %sign3A_305 = arith.cmpi sgt, %scan3A_142, %sign3A_304 : i32
      %sign3A_306 = arith.extui %sign3A_305 : i1 to i32
      %sign3A_307 = arith.constant 0 : i32
      %sign3A_308 = arith.cmpi slt, %scan3A_142, %sign3A_307 : i32
      %sign3A_309 = arith.extui %sign3A_308 : i1 to i32
      %sign3A_310 = arith.subi %sign3A_306, %sign3A_309 : i32
      %sign3A_311 = arith.constant 0 : i32
      %sign3A_312 = arith.cmpi sgt, %jit3A_302, %sign3A_311 : i32
      %sign3A_313 = arith.extui %sign3A_312 : i1 to i32
      %sign3A_314 = arith.constant 0 : i32
      %sign3A_315 = arith.cmpi slt, %jit3A_302, %sign3A_314 : i32
      %sign3A_316 = arith.extui %sign3A_315 : i1 to i32
      %sign3A_317 = arith.subi %sign3A_313, %sign3A_316 : i32
      %ne3A_318 = arith.cmpi ne, %sign3A_310, %sign3A_317 : i32
      %rem3A_319 = arith.remsi %scan3A_142, %jit3A_302 : i32
      %ne3A_320 = arith.constant 0 : i32
      %ne3A_321 = arith.cmpi ne, %rem3A_319, %ne3A_320 : i32
      %and3A_322 = arith.andi %ne3A_318, %ne3A_321 : i1
      %sub3A_323 = arith.constant 1 : i32
      %sub3A_324 = arith.subi %div3A_303, %sub3A_323 : i32
      %select_n3A_325 = arith.select %and3A_322, %sub3A_324, %div3A_303 : i32
      %mul3A_326 = arith.constant 16 : i32
      %mul3A_327 = arith.muli %select_n3A_325, %mul3A_326 : i32
      %get3A_328 = arith.index_cast %mul3A_327 : i32 to index
      %get3A_329 = tpu.vector_load %arg14[%get3A_328] {strides = array<i32>} : memref<128xi32, #tpu.memory_space<vmem>>, vector<16xi32>,
      %sub3A_330 = arith.subi %scan3A_142, %mul3A_327 : i32
      %eq3A_331 = vector.broadcast %sub3A_330 : i32 to vector<16xi32>
      %eq3A_332 = arith.cmpi eq, %iota3A, %eq3A_331 : vector<16xi32>
      %jit3A_333 = arith.constant 0 : i32
      %broadcast_in_dim3A_334 = vector.broadcast %jit3A_333 : i32 to vector<16xi32>
      %select_n3A_335 = arith.select %eq3A_332, %get3A_329, %broadcast_in_dim3A_334 : vector<16xi1>, vector<16xi32>
      %reduce_sum3A_336 = arith.constant true
      %reduce_sum3A_337 = vector.broadcast %reduce_sum3A_336 : i1 to vector<16xi1>
      %reduce_sum3A_338 = tpu.scan <sum>, %select_n3A_335 masked %reduce_sum3A_337 : vector<16xi32>, vector<16xi1> -> vector<16xi32>
      %reduce_sum3A_339 = vector.extract %reduce_sum3A_338[15] : i32 from vector<16xi32>
      %scan3A_340 = arith.constant 0 : i32
      %scan3A_341 = arith.constant 0 : i32
      %scan3A_342 = arith.constant 6 : i32
      %scan3A_343 = arith.addi %scan3A_341, %scan3A_342 : i32
      %scan3A_344 = arith.constant 1 : i32
      %scan3A_345 = scf.for %scan3A_380 = %scan3A_341 to %scan3A_343 step %scan3A_344 iter_args(%scan3A_381 = %scan3A_340) -> (i32)  : i32 {
        %mul3A_382 = arith.constant 16 : i32
        %mul3A_383 = arith.muli %scan3A_380, %mul3A_382 : i32
        %add3A_384 = arith.addi %mul3A_190, %mul3A_383 : i32
        %get3A_385 = arith.index_cast %add3A_384 : i32 to index
        %get3A_386 = tpu.vector_load %arg23[%get3A_385] {strides = array<i32>} : memref<192xi32, #tpu.memory_space<vmem>>, vector<16xi32>,
        %mul3A_387 = arith.constant 16 : i32
        %mul3A_388 = arith.muli %scan3A_380, %mul3A_387 : i32
        %add3A_389 = arith.addi %reduce_sum3A_225, %mul3A_388 : i32
        %add3A_390 = vector.broadcast %add3A_389 : i32 to vector<16xi32>
        %add3A_391 = arith.addi %add3A_390, %iota3A : vector<16xi32>
        %lt3A_392 = vector.broadcast %reduce_sum3A_263 : i32 to vector<16xi32>
        %lt3A_393 = arith.cmpi slt, %add3A_391, %lt3A_392 : vector<16xi32>
        tpu.vector_store_idx %arg17[%get3A_386], %broadcast_in_dim3A_5 masked %lt3A_393 : memref<10016xi32, #tpu.memory_space<vmem>>[vector<16xi32>], vector<16xi32>, vector<16xi1>
        %scan3A_394 = arith.constant 0 : i32
        scf.yield %scan3A_394 : i32
      }
      %scan3A_346 = arith.constant 6 : i32
      %add3A_347 = arith.constant 96 : i32
      %add3A_348 = arith.addi %reduce_sum3A_225, %add3A_347 : i32
      %lt3A_349 = arith.cmpi slt, %add3A_348, %reduce_sum3A_263 : i32
      %convert_element_type3A_350 = arith.extui %lt3A_349 : i1 to i32
      %cond3A_351 = arith.constant 0 : i32
      %cond3A_352 = arith.cmpi ne, %convert_element_type3A_350, %cond3A_351 : i32
      scf.if %cond3A_352 {
        %add3A_380 = arith.constant 96 : i32
        %add3A_381 = arith.addi %reduce_sum3A_225, %add3A_380 : i32
        %while3A = scf.while (%while3A_382 = %add3A_381) : (i32) -> i32 {
          %lt3A_383 = arith.cmpi slt, %while3A_382, %reduce_sum3A_263 : i32
          scf.condition(%lt3A_383) %while3A_382 : i32
        } do {
        ^bb0(%while3A_382: i32):
          %scan3A_383 = arith.constant 0 : i32
          %scan3A_384 = arith.constant 0 : i32
          %scan3A_385 = arith.constant 6 : i32
          %scan3A_386 = arith.addi %scan3A_384, %scan3A_385 : i32
          %scan3A_387 = arith.constant 1 : i32
          %scan3A_388 = scf.for %scan3A_403 = %scan3A_384 to %scan3A_386 step %scan3A_387 iter_args(%scan3A_404 = %scan3A_383) -> (i32)  : i32 {
            %mul3A_405 = arith.constant 16 : i32
            %mul3A_406 = arith.muli %scan3A_403, %mul3A_405 : i32
            %add3A_407 = arith.addi %while3A_382, %mul3A_406 : i32
            %add3A_408 = vector.broadcast %add3A_407 : i32 to vector<16xi32>
            %add3A_409 = arith.addi %add3A_408, %iota3A : vector<16xi32>
            %sub3A_410 = arith.constant 1 : i32
            %sub3A_411 = arith.subi %reduce_sum3A_263, %sub3A_410 : i32
            %min3A = vector.broadcast %sub3A_411 : i32 to vector<16xi32>
            %min3A_412 = arith.minsi %add3A_409, %min3A : vector<16xi32>
            %max3A = arith.constant 0 : i32
            %max3A_413 = vector.broadcast %max3A : i32 to vector<16xi32>
            %max3A_414 = arith.maxsi %max3A_413, %min3A_412 : vector<16xi32>
            %mul3A_415 = arith.constant 16 : i32
            %mul3A_416 = arith.muli %scan3A_403, %mul3A_415 : i32
            %swap3A = arith.index_cast %mul3A_416 : i32 to index
            %swap3A_417 = tpu.vector_load %arg25[%swap3A] {strides = array<i32>} : memref<96xi32, #tpu.memory_space<vmem>>, vector<16xi32>,
            tpu.vector_store %arg25[%swap3A], %max3A_414 {strides = array<i32>} : memref<96xi32, #tpu.memory_space<vmem>>, vector<16xi32>,
            %scan3A_418 = arith.constant 0 : i32
            scf.yield %scan3A_418 : i32
          }
          %scan3A_389 = arith.constant 6 : i32
          %dma_start3A_390 = arith.constant 0 : i32
          %dma_start3A_391 = tpu.memref_slice %arg2[%dma_start3A_390] : memref<320000xi32, #tpu.memory_space<hbm>> -> memref<320000xi32, #tpu.memory_space<hbm>>
          tpu.enqueue_indirect_dma source(%dma_start3A_391 : memref<320000xi32, #tpu.memory_space<hbm>>) target(%arg26 : memref<96xi32, #tpu.memory_space<vmem>>) offsets(%arg25 : memref<96xi32, #tpu.memory_space<vmem>>) semaphore(%arg27 : memref<!tpu.dma_semaphore, #tpu.memory_space<semaphore_mem>>)
          %dma_wait3A_392 = arith.constant 0 : i32
          %dma_wait3A_393 = tpu.memref_slice %arg2[%dma_wait3A_392] : memref<320000xi32, #tpu.memory_space<hbm>> -> memref<320000xi32, #tpu.memory_space<hbm>>
          tpu.wait_indirect_dma semaphore(%arg27 : memref<!tpu.dma_semaphore, #tpu.memory_space<semaphore_mem>>) src(%dma_wait3A_393 : memref<320000xi32, #tpu.memory_space<hbm>>) dst(%arg26 : memref<96xi32, #tpu.memory_space<vmem>>)
          %scan3A_394 = arith.constant 0 : i32
          %scan3A_395 = arith.constant 0 : i32
          %scan3A_396 = arith.constant 6 : i32
          %scan3A_397 = arith.addi %scan3A_395, %scan3A_396 : i32
          %scan3A_398 = arith.constant 1 : i32
          %scan3A_399 = scf.for %scan3A_403 = %scan3A_395 to %scan3A_397 step %scan3A_398 iter_args(%scan3A_404 = %scan3A_394) -> (i32)  : i32 {
            %mul3A_405 = arith.constant 16 : i32
            %mul3A_406 = arith.muli %scan3A_403, %mul3A_405 : i32
            %get3A_407 = arith.index_cast %mul3A_406 : i32 to index
            %get3A_408 = tpu.vector_load %arg26[%get3A_407] {strides = array<i32>} : memref<96xi32, #tpu.memory_space<vmem>>, vector<16xi32>,
            %mul3A_409 = arith.constant 16 : i32
            %mul3A_410 = arith.muli %scan3A_403, %mul3A_409 : i32
            %add3A_411 = arith.addi %while3A_382, %mul3A_410 : i32
            %add3A_412 = vector.broadcast %add3A_411 : i32 to vector<16xi32>
            %add3A_413 = arith.addi %add3A_412, %iota3A : vector<16xi32>
            %lt3A_414 = vector.broadcast %reduce_sum3A_263 : i32 to vector<16xi32>
            %lt3A_415 = arith.cmpi slt, %add3A_413, %lt3A_414 : vector<16xi32>
            tpu.vector_store_idx %arg17[%get3A_408], %broadcast_in_dim3A_5 masked %lt3A_415 : memref<10016xi32, #tpu.memory_space<vmem>>[vector<16xi32>], vector<16xi32>, vector<16xi1>
            %scan3A_416 = arith.constant 0 : i32
            scf.yield %scan3A_416 : i32
          }
          %scan3A_400 = arith.constant 6 : i32
          %add3A_401 = arith.constant 96 : i32
          %add3A_402 = arith.addi %while3A_382, %add3A_401 : i32
          scf.yield %add3A_402 : i32
        }
      } else {
      }
      %scan3A_353 = arith.constant 0 : i32
      %scan3A_354 = arith.constant 0 : i32
      %scan3A_355 = arith.constant 6 : i32
      %scan3A_356 = arith.addi %scan3A_354, %scan3A_355 : i32
      %scan3A_357 = arith.constant 1 : i32
      %scan3A_358 = scf.for %scan3A_380 = %scan3A_354 to %scan3A_356 step %scan3A_357 iter_args(%scan3A_381 = %scan3A_353) -> (i32)  : i32 {
        %mul3A_382 = arith.constant 16 : i32
        %mul3A_383 = arith.muli %scan3A_380, %mul3A_382 : i32
        %add3A_384 = arith.addi %mul3A_190, %mul3A_383 : i32
        %get3A_385 = arith.index_cast %add3A_384 : i32 to index
        %get3A_386 = tpu.vector_load %arg24[%get3A_385] {strides = array<i32>} : memref<192xi32, #tpu.memory_space<vmem>>, vector<16xi32>,
        %mul3A_387 = arith.constant 16 : i32
        %mul3A_388 = arith.muli %scan3A_380, %mul3A_387 : i32
        %add3A_389 = arith.addi %reduce_sum3A_301, %mul3A_388 : i32
        %add3A_390 = vector.broadcast %add3A_389 : i32 to vector<16xi32>
        %add3A_391 = arith.addi %add3A_390, %iota3A : vector<16xi32>
        %lt3A_392 = vector.broadcast %reduce_sum3A_339 : i32 to vector<16xi32>
        %lt3A_393 = arith.cmpi slt, %add3A_391, %lt3A_392 : vector<16xi32>
        %gather3A = tpu.vector_load_idx %arg17[%get3A_386] : memref<10016xi32, #tpu.memory_space<vmem>>[vector<16xi32>], vector<16xi32>,
        %jit3A_394 = arith.constant 0 : i32
        %broadcast_in_dim3A_395 = vector.broadcast %jit3A_394 : i32 to vector<16xi32>
        %select_n3A_396 = arith.select %lt3A_393, %gather3A, %broadcast_in_dim3A_395 : vector<16xi1>, vector<16xi32>
        %reduce_max3A = arith.constant true
        %reduce_max3A_397 = vector.broadcast %reduce_max3A : i1 to vector<16xi1>
        %reduce_max3A_398 = arith.constant -2147483648 : i32
        %reduce_max3A_399 = vector.broadcast %reduce_max3A_398 : i32 to vector<16xi32>
        %reduce_max3A_400 = arith.xori %select_n3A_396, %reduce_max3A_399 : vector<16xi32>
        %reduce_max3A_401 = tpu.scan <max>, %reduce_max3A_400 masked %reduce_max3A_397 : vector<16xi32>, vector<16xi1> -> vector<16xi32>
        %reduce_max3A_402 = arith.xori %reduce_max3A_401, %reduce_max3A_399 : vector<16xi32>
        %reduce_max3A_403 = vector.extract %reduce_max3A_402[15] : i32 from vector<16xi32>
        %gt3A = arith.constant 0 : i32
        %gt3A_404 = arith.cmpi sgt, %reduce_max3A_403, %gt3A : i32
        %convert_element_type3A_405 = arith.extui %gt3A_404 : i1 to i32
        %cond3A_406 = arith.constant 0 : i32
        %cond3A_407 = arith.cmpi ne, %convert_element_type3A_405, %cond3A_406 : i32
        scf.if %cond3A_407 {
          %scan3A_409 = arith.constant 0 : i32
          %scan3A_410 = arith.constant 0 : i32
          %scan3A_411 = arith.constant 16 : i32
          %scan3A_412 = arith.addi %scan3A_410, %scan3A_411 : i32
          %scan3A_413 = arith.constant 1 : i32
          %scan3A_414 = scf.for %scan3A_416 = %scan3A_410 to %scan3A_412 step %scan3A_413 iter_args(%scan3A_417 = %scan3A_409) -> (i32)  : i32 {
            %eq3A_418 = vector.broadcast %scan3A_416 : i32 to vector<16xi32>
            %eq3A_419 = arith.cmpi eq, %iota3A, %eq3A_418 : vector<16xi32>
            %jit3A_420 = arith.constant 0 : i32
            %broadcast_in_dim3A_421 = vector.broadcast %jit3A_420 : i32 to vector<16xi32>
            %select_n3A_422 = arith.select %eq3A_419, %select_n3A_396, %broadcast_in_dim3A_421 : vector<16xi1>, vector<16xi32>
            %reduce_sum3A_423 = arith.constant true
            %reduce_sum3A_424 = vector.broadcast %reduce_sum3A_423 : i1 to vector<16xi1>
            %reduce_sum3A_425 = tpu.scan <sum>, %select_n3A_422 masked %reduce_sum3A_424 : vector<16xi32>, vector<16xi1> -> vector<16xi32>
            %reduce_sum3A_426 = vector.extract %reduce_sum3A_425[15] : i32 from vector<16xi32>
            %gt3A_427 = arith.constant 0 : i32
            %gt3A_428 = arith.cmpi sgt, %reduce_sum3A_426, %gt3A_427 : i32
            %convert_element_type3A_429 = arith.extui %gt3A_428 : i1 to i32
            %cond3A_430 = arith.constant 0 : i32
            %cond3A_431 = arith.cmpi ne, %convert_element_type3A_429, %cond3A_430 : i32
            scf.if %cond3A_431 {
              %eq3A_433 = vector.broadcast %scan3A_416 : i32 to vector<16xi32>
              %eq3A_434 = arith.cmpi eq, %iota3A, %eq3A_433 : vector<16xi32>
              %jit3A_435 = arith.constant 0 : i32
              %broadcast_in_dim3A_436 = vector.broadcast %jit3A_435 : i32 to vector<16xi32>
              %select_n3A_437 = arith.select %eq3A_434, %get3A_386, %broadcast_in_dim3A_436 : vector<16xi1>, vector<16xi32>
              %reduce_sum3A_438 = arith.constant true
              %reduce_sum3A_439 = vector.broadcast %reduce_sum3A_438 : i1 to vector<16xi1>
              %reduce_sum3A_440 = tpu.scan <sum>, %select_n3A_437 masked %reduce_sum3A_439 : vector<16xi32>, vector<16xi1> -> vector<16xi32>
              %reduce_sum3A_441 = vector.extract %reduce_sum3A_440[15] : i32 from vector<16xi32>
              %mul3A_442 = arith.constant 128 : i32
              %mul3A_443 = arith.muli %reduce_sum3A_441, %mul3A_442 : i32
              %multiple_of3A = tpu.assume_multiple %mul3A_443, 128 : i32
              "tpu.region"() ({
                %run_scoped3A = tpu.sem_alloc : memref<!tpu.dma_semaphore, #tpu.memory_space<semaphore_mem>>
                %dma_start3A_451 = tpu.memref_slice %arg7[%multiple_of3A] : memref<1281024xf32, #tpu.memory_space<hbm>> -> memref<128xf32, #tpu.memory_space<hbm>>
                %dma_start3A_452 = tpu.memref_slice %arg7[%multiple_of3A] : memref<1281024xf32, #tpu.memory_space<hbm>> -> memref<128xf32, #tpu.memory_space<hbm>>
                tpu.enqueue_dma source(%dma_start3A_452 : memref<128xf32, #tpu.memory_space<hbm>>) target(%arg21 : memref<128xf32, #tpu.memory_space<vmem>>) target_semaphore(%run_scoped3A : memref<!tpu.dma_semaphore, #tpu.memory_space<semaphore_mem>>)
                %dma_wait3A_453 = tpu.memref_slice %arg7[%multiple_of3A] : memref<1281024xf32, #tpu.memory_space<hbm>> -> memref<128xf32, #tpu.memory_space<hbm>>
                %dma_wait3A_454 = tpu.memref_slice %arg7[%multiple_of3A] : memref<1281024xf32, #tpu.memory_space<hbm>> -> memref<128xf32, #tpu.memory_space<hbm>>
                tpu.wait_dma2 semaphore(%run_scoped3A : memref<!tpu.dma_semaphore, #tpu.memory_space<semaphore_mem>>) src(%dma_wait3A_454 : memref<128xf32, #tpu.memory_space<hbm>>) dst(%arg21 : memref<128xf32, #tpu.memory_space<vmem>>)
                tpu.yield
              }) : () -> ()
              %scan3A_444 = arith.constant 0 : i32
              %scan3A_445 = arith.constant 0 : i32
              %scan3A_446 = arith.constant 8 : i32
              %scan3A_447 = arith.addi %scan3A_445, %scan3A_446 : i32
              %scan3A_448 = arith.constant 1 : i32
              %scan3A_449 = scf.for %scan3A_451 = %scan3A_445 to %scan3A_447 step %scan3A_448 iter_args(%scan3A_452 = %scan3A_444) -> (i32)  : i32 {
                %mul3A_453 = arith.constant 16 : i32
                %mul3A_454 = arith.muli %scan3A_451, %mul3A_453 : i32
                %get3A_455 = arith.index_cast %scan3A_142 : i32 to index
                %get3A_456 = arith.index_cast %mul3A_454 : i32 to index
                %get3A_457 = tpu.vector_load %arg18[%get3A_455, %get3A_456] {strides = array<i32>} : memref<128x128xf32, #tpu.memory_space<vmem>>, vector<16xf32>,
                %mul3A_458 = arith.constant 16 : i32
                %mul3A_459 = arith.muli %scan3A_451, %mul3A_458 : i32
                %get3A_460 = arith.index_cast %mul3A_459 : i32 to index
                %get3A_461 = tpu.vector_load %arg21[%get3A_460] {strides = array<i32>} : memref<128xf32, #tpu.memory_space<vmem>>, vector<16xf32>,
                %add3A_462 = arith.addf %get3A_457, %get3A_461 : vector<16xf32>
                %mul3A_463 = arith.constant 16 : i32
                %mul3A_464 = arith.muli %scan3A_451, %mul3A_463 : i32
                %swap3A = arith.index_cast %scan3A_142 : i32 to index
                %swap3A_465 = arith.index_cast %mul3A_464 : i32 to index
                %swap3A_466 = tpu.vector_load %arg18[%swap3A, %swap3A_465] {strides = array<i32>} : memref<128x128xf32, #tpu.memory_space<vmem>>, vector<16xf32>,
                tpu.vector_store %arg18[%swap3A, %swap3A_465], %add3A_462 {strides = array<i32>} : memref<128x128xf32, #tpu.memory_space<vmem>>, vector<16xf32>,
                %scan3A_467 = arith.constant 0 : i32
                scf.yield %scan3A_467 : i32
              }
              %scan3A_450 = arith.constant 8 : i32
            } else {
            }
            %scan3A_432 = arith.constant 0 : i32
            scf.yield %scan3A_432 : i32
          }
          %scan3A_415 = arith.constant 16 : i32
        } else {
        }
        %scan3A_408 = arith.constant 0 : i32
        scf.yield %scan3A_408 : i32
      }
      %scan3A_359 = arith.constant 6 : i32
      %add3A_360 = arith.constant 96 : i32
      %add3A_361 = arith.addi %reduce_sum3A_301, %add3A_360 : i32
      %lt3A_362 = arith.cmpi slt, %add3A_361, %reduce_sum3A_339 : i32
      %convert_element_type3A_363 = arith.extui %lt3A_362 : i1 to i32
      %cond3A_364 = arith.constant 0 : i32
      %cond3A_365 = arith.cmpi ne, %convert_element_type3A_363, %cond3A_364 : i32
      scf.if %cond3A_365 {
        %add3A_380 = arith.constant 96 : i32
        %add3A_381 = arith.addi %reduce_sum3A_301, %add3A_380 : i32
        %while3A = scf.while (%while3A_382 = %add3A_381) : (i32) -> i32 {
          %lt3A_383 = arith.cmpi slt, %while3A_382, %reduce_sum3A_339 : i32
          scf.condition(%lt3A_383) %while3A_382 : i32
        } do {
        ^bb0(%while3A_382: i32):
          %scan3A_383 = arith.constant 0 : i32
          %scan3A_384 = arith.constant 0 : i32
          %scan3A_385 = arith.constant 6 : i32
          %scan3A_386 = arith.addi %scan3A_384, %scan3A_385 : i32
          %scan3A_387 = arith.constant 1 : i32
          %scan3A_388 = scf.for %scan3A_403 = %scan3A_384 to %scan3A_386 step %scan3A_387 iter_args(%scan3A_404 = %scan3A_383) -> (i32)  : i32 {
            %mul3A_405 = arith.constant 16 : i32
            %mul3A_406 = arith.muli %scan3A_403, %mul3A_405 : i32
            %add3A_407 = arith.addi %while3A_382, %mul3A_406 : i32
            %add3A_408 = vector.broadcast %add3A_407 : i32 to vector<16xi32>
            %add3A_409 = arith.addi %add3A_408, %iota3A : vector<16xi32>
            %sub3A_410 = arith.constant 1 : i32
            %sub3A_411 = arith.subi %reduce_sum3A_339, %sub3A_410 : i32
            %min3A = vector.broadcast %sub3A_411 : i32 to vector<16xi32>
            %min3A_412 = arith.minsi %add3A_409, %min3A : vector<16xi32>
            %max3A = arith.constant 0 : i32
            %max3A_413 = vector.broadcast %max3A : i32 to vector<16xi32>
            %max3A_414 = arith.maxsi %max3A_413, %min3A_412 : vector<16xi32>
            %mul3A_415 = arith.constant 16 : i32
            %mul3A_416 = arith.muli %scan3A_403, %mul3A_415 : i32
            %swap3A = arith.index_cast %mul3A_416 : i32 to index
            %swap3A_417 = tpu.vector_load %arg25[%swap3A] {strides = array<i32>} : memref<96xi32, #tpu.memory_space<vmem>>, vector<16xi32>,
            tpu.vector_store %arg25[%swap3A], %max3A_414 {strides = array<i32>} : memref<96xi32, #tpu.memory_space<vmem>>, vector<16xi32>,
            %scan3A_418 = arith.constant 0 : i32
            scf.yield %scan3A_418 : i32
          }
          %scan3A_389 = arith.constant 6 : i32
          %dma_start3A_390 = arith.constant 0 : i32
          %dma_start3A_391 = tpu.memref_slice %arg2[%dma_start3A_390] : memref<320000xi32, #tpu.memory_space<hbm>> -> memref<320000xi32, #tpu.memory_space<hbm>>
          tpu.enqueue_indirect_dma source(%dma_start3A_391 : memref<320000xi32, #tpu.memory_space<hbm>>) target(%arg26 : memref<96xi32, #tpu.memory_space<vmem>>) offsets(%arg25 : memref<96xi32, #tpu.memory_space<vmem>>) semaphore(%arg27 : memref<!tpu.dma_semaphore, #tpu.memory_space<semaphore_mem>>)
          %dma_wait3A_392 = arith.constant 0 : i32
          %dma_wait3A_393 = tpu.memref_slice %arg2[%dma_wait3A_392] : memref<320000xi32, #tpu.memory_space<hbm>> -> memref<320000xi32, #tpu.memory_space<hbm>>
          tpu.wait_indirect_dma semaphore(%arg27 : memref<!tpu.dma_semaphore, #tpu.memory_space<semaphore_mem>>) src(%dma_wait3A_393 : memref<320000xi32, #tpu.memory_space<hbm>>) dst(%arg26 : memref<96xi32, #tpu.memory_space<vmem>>)
          %scan3A_394 = arith.constant 0 : i32
          %scan3A_395 = arith.constant 0 : i32
          %scan3A_396 = arith.constant 6 : i32
          %scan3A_397 = arith.addi %scan3A_395, %scan3A_396 : i32
          %scan3A_398 = arith.constant 1 : i32
          %scan3A_399 = scf.for %scan3A_403 = %scan3A_395 to %scan3A_397 step %scan3A_398 iter_args(%scan3A_404 = %scan3A_394) -> (i32)  : i32 {
            %mul3A_405 = arith.constant 16 : i32
            %mul3A_406 = arith.muli %scan3A_403, %mul3A_405 : i32
            %get3A_407 = arith.index_cast %mul3A_406 : i32 to index
            %get3A_408 = tpu.vector_load %arg26[%get3A_407] {strides = array<i32>} : memref<96xi32, #tpu.memory_space<vmem>>, vector<16xi32>,
            %mul3A_409 = arith.constant 16 : i32
            %mul3A_410 = arith.muli %scan3A_403, %mul3A_409 : i32
            %add3A_411 = arith.addi %while3A_382, %mul3A_410 : i32
            %add3A_412 = vector.broadcast %add3A_411 : i32 to vector<16xi32>
            %add3A_413 = arith.addi %add3A_412, %iota3A : vector<16xi32>
            %lt3A_414 = vector.broadcast %reduce_sum3A_339 : i32 to vector<16xi32>
            %lt3A_415 = arith.cmpi slt, %add3A_413, %lt3A_414 : vector<16xi32>
            %gather3A = tpu.vector_load_idx %arg17[%get3A_408] : memref<10016xi32, #tpu.memory_space<vmem>>[vector<16xi32>], vector<16xi32>,
            %jit3A_416 = arith.constant 0 : i32
            %broadcast_in_dim3A_417 = vector.broadcast %jit3A_416 : i32 to vector<16xi32>
            %select_n3A_418 = arith.select %lt3A_415, %gather3A, %broadcast_in_dim3A_417 : vector<16xi1>, vector<16xi32>
            %reduce_max3A = arith.constant true
            %reduce_max3A_419 = vector.broadcast %reduce_max3A : i1 to vector<16xi1>
            %reduce_max3A_420 = arith.constant -2147483648 : i32
            %reduce_max3A_421 = vector.broadcast %reduce_max3A_420 : i32 to vector<16xi32>
            %reduce_max3A_422 = arith.xori %select_n3A_418, %reduce_max3A_421 : vector<16xi32>
            %reduce_max3A_423 = tpu.scan <max>, %reduce_max3A_422 masked %reduce_max3A_419 : vector<16xi32>, vector<16xi1> -> vector<16xi32>
            %reduce_max3A_424 = arith.xori %reduce_max3A_423, %reduce_max3A_421 : vector<16xi32>
            %reduce_max3A_425 = vector.extract %reduce_max3A_424[15] : i32 from vector<16xi32>
            %gt3A = arith.constant 0 : i32
            %gt3A_426 = arith.cmpi sgt, %reduce_max3A_425, %gt3A : i32
            %convert_element_type3A_427 = arith.extui %gt3A_426 : i1 to i32
            %cond3A_428 = arith.constant 0 : i32
            %cond3A_429 = arith.cmpi ne, %convert_element_type3A_427, %cond3A_428 : i32
            scf.if %cond3A_429 {
              %scan3A_431 = arith.constant 0 : i32
              %scan3A_432 = arith.constant 0 : i32
              %scan3A_433 = arith.constant 16 : i32
              %scan3A_434 = arith.addi %scan3A_432, %scan3A_433 : i32
              %scan3A_435 = arith.constant 1 : i32
              %scan3A_436 = scf.for %scan3A_438 = %scan3A_432 to %scan3A_434 step %scan3A_435 iter_args(%scan3A_439 = %scan3A_431) -> (i32)  : i32 {
                %eq3A_440 = vector.broadcast %scan3A_438 : i32 to vector<16xi32>
                %eq3A_441 = arith.cmpi eq, %iota3A, %eq3A_440 : vector<16xi32>
                %jit3A_442 = arith.constant 0 : i32
                %broadcast_in_dim3A_443 = vector.broadcast %jit3A_442 : i32 to vector<16xi32>
                %select_n3A_444 = arith.select %eq3A_441, %select_n3A_418, %broadcast_in_dim3A_443 : vector<16xi1>, vector<16xi32>
                %reduce_sum3A_445 = arith.constant true
                %reduce_sum3A_446 = vector.broadcast %reduce_sum3A_445 : i1 to vector<16xi1>
                %reduce_sum3A_447 = tpu.scan <sum>, %select_n3A_444 masked %reduce_sum3A_446 : vector<16xi32>, vector<16xi1> -> vector<16xi32>
                %reduce_sum3A_448 = vector.extract %reduce_sum3A_447[15] : i32 from vector<16xi32>
                %gt3A_449 = arith.constant 0 : i32
                %gt3A_450 = arith.cmpi sgt, %reduce_sum3A_448, %gt3A_449 : i32
                %convert_element_type3A_451 = arith.extui %gt3A_450 : i1 to i32
                %cond3A_452 = arith.constant 0 : i32
                %cond3A_453 = arith.cmpi ne, %convert_element_type3A_451, %cond3A_452 : i32
                scf.if %cond3A_453 {
                  %eq3A_455 = vector.broadcast %scan3A_438 : i32 to vector<16xi32>
                  %eq3A_456 = arith.cmpi eq, %iota3A, %eq3A_455 : vector<16xi32>
                  %jit3A_457 = arith.constant 0 : i32
                  %broadcast_in_dim3A_458 = vector.broadcast %jit3A_457 : i32 to vector<16xi32>
                  %select_n3A_459 = arith.select %eq3A_456, %get3A_408, %broadcast_in_dim3A_458 : vector<16xi1>, vector<16xi32>
                  %reduce_sum3A_460 = arith.constant true
                  %reduce_sum3A_461 = vector.broadcast %reduce_sum3A_460 : i1 to vector<16xi1>
                  %reduce_sum3A_462 = tpu.scan <sum>, %select_n3A_459 masked %reduce_sum3A_461 : vector<16xi32>, vector<16xi1> -> vector<16xi32>
                  %reduce_sum3A_463 = vector.extract %reduce_sum3A_462[15] : i32 from vector<16xi32>
                  %mul3A_464 = arith.constant 128 : i32
                  %mul3A_465 = arith.muli %reduce_sum3A_463, %mul3A_464 : i32
                  %multiple_of3A = tpu.assume_multiple %mul3A_465, 128 : i32
                  "tpu.region"() ({
                    %run_scoped3A = tpu.sem_alloc : memref<!tpu.dma_semaphore, #tpu.memory_space<semaphore_mem>>
                    %dma_start3A_473 = tpu.memref_slice %arg7[%multiple_of3A] : memref<1281024xf32, #tpu.memory_space<hbm>> -> memref<128xf32, #tpu.memory_space<hbm>>
                    %dma_start3A_474 = tpu.memref_slice %arg7[%multiple_of3A] : memref<1281024xf32, #tpu.memory_space<hbm>> -> memref<128xf32, #tpu.memory_space<hbm>>
                    tpu.enqueue_dma source(%dma_start3A_474 : memref<128xf32, #tpu.memory_space<hbm>>) target(%arg21 : memref<128xf32, #tpu.memory_space<vmem>>) target_semaphore(%run_scoped3A : memref<!tpu.dma_semaphore, #tpu.memory_space<semaphore_mem>>)
                    %dma_wait3A_475 = tpu.memref_slice %arg7[%multiple_of3A] : memref<1281024xf32, #tpu.memory_space<hbm>> -> memref<128xf32, #tpu.memory_space<hbm>>
                    %dma_wait3A_476 = tpu.memref_slice %arg7[%multiple_of3A] : memref<1281024xf32, #tpu.memory_space<hbm>> -> memref<128xf32, #tpu.memory_space<hbm>>
                    tpu.wait_dma2 semaphore(%run_scoped3A : memref<!tpu.dma_semaphore, #tpu.memory_space<semaphore_mem>>) src(%dma_wait3A_476 : memref<128xf32, #tpu.memory_space<hbm>>) dst(%arg21 : memref<128xf32, #tpu.memory_space<vmem>>)
                    tpu.yield
                  }) : () -> ()
                  %scan3A_466 = arith.constant 0 : i32
                  %scan3A_467 = arith.constant 0 : i32
                  %scan3A_468 = arith.constant 8 : i32
                  %scan3A_469 = arith.addi %scan3A_467, %scan3A_468 : i32
                  %scan3A_470 = arith.constant 1 : i32
                  %scan3A_471 = scf.for %scan3A_473 = %scan3A_467 to %scan3A_469 step %scan3A_470 iter_args(%scan3A_474 = %scan3A_466) -> (i32)  : i32 {
                    %mul3A_475 = arith.constant 16 : i32
                    %mul3A_476 = arith.muli %scan3A_473, %mul3A_475 : i32
                    %get3A_477 = arith.index_cast %scan3A_142 : i32 to index
                    %get3A_478 = arith.index_cast %mul3A_476 : i32 to index
                    %get3A_479 = tpu.vector_load %arg18[%get3A_477, %get3A_478] {strides = array<i32>} : memref<128x128xf32, #tpu.memory_space<vmem>>, vector<16xf32>,
                    %mul3A_480 = arith.constant 16 : i32
                    %mul3A_481 = arith.muli %scan3A_473, %mul3A_480 : i32
                    %get3A_482 = arith.index_cast %mul3A_481 : i32 to index
                    %get3A_483 = tpu.vector_load %arg21[%get3A_482] {strides = array<i32>} : memref<128xf32, #tpu.memory_space<vmem>>, vector<16xf32>,
                    %add3A_484 = arith.addf %get3A_479, %get3A_483 : vector<16xf32>
                    %mul3A_485 = arith.constant 16 : i32
                    %mul3A_486 = arith.muli %scan3A_473, %mul3A_485 : i32
                    %swap3A = arith.index_cast %scan3A_142 : i32 to index
                    %swap3A_487 = arith.index_cast %mul3A_486 : i32 to index
                    %swap3A_488 = tpu.vector_load %arg18[%swap3A, %swap3A_487] {strides = array<i32>} : memref<128x128xf32, #tpu.memory_space<vmem>>, vector<16xf32>,
                    tpu.vector_store %arg18[%swap3A, %swap3A_487], %add3A_484 {strides = array<i32>} : memref<128x128xf32, #tpu.memory_space<vmem>>, vector<16xf32>,
                    %scan3A_489 = arith.constant 0 : i32
                    scf.yield %scan3A_489 : i32
                  }
                  %scan3A_472 = arith.constant 8 : i32
                } else {
                }
                %scan3A_454 = arith.constant 0 : i32
                scf.yield %scan3A_454 : i32
              }
              %scan3A_437 = arith.constant 16 : i32
            } else {
            }
            %scan3A_430 = arith.constant 0 : i32
            scf.yield %scan3A_430 : i32
          }
          %scan3A_400 = arith.constant 6 : i32
          %add3A_401 = arith.constant 96 : i32
          %add3A_402 = arith.addi %while3A_382, %add3A_401 : i32
          scf.yield %add3A_402 : i32
        }
      } else {
      }
      %scan3A_366 = arith.constant 0 : i32
      %scan3A_367 = arith.constant 0 : i32
      %scan3A_368 = arith.constant 6 : i32
      %scan3A_369 = arith.addi %scan3A_367, %scan3A_368 : i32
      %scan3A_370 = arith.constant 1 : i32
      %scan3A_371 = scf.for %scan3A_380 = %scan3A_367 to %scan3A_369 step %scan3A_370 iter_args(%scan3A_381 = %scan3A_366) -> (i32)  : i32 {
        %mul3A_382 = arith.constant 16 : i32
        %mul3A_383 = arith.muli %scan3A_380, %mul3A_382 : i32
        %add3A_384 = arith.addi %mul3A_190, %mul3A_383 : i32
        %get3A_385 = arith.index_cast %add3A_384 : i32 to index
        %get3A_386 = tpu.vector_load %arg23[%get3A_385] {strides = array<i32>} : memref<192xi32, #tpu.memory_space<vmem>>, vector<16xi32>,
        %mul3A_387 = arith.constant 16 : i32
        %mul3A_388 = arith.muli %scan3A_380, %mul3A_387 : i32
        %add3A_389 = arith.addi %reduce_sum3A_225, %mul3A_388 : i32
        %add3A_390 = vector.broadcast %add3A_389 : i32 to vector<16xi32>
        %add3A_391 = arith.addi %add3A_390, %iota3A : vector<16xi32>
        %lt3A_392 = vector.broadcast %reduce_sum3A_263 : i32 to vector<16xi32>
        %lt3A_393 = arith.cmpi slt, %add3A_391, %lt3A_392 : vector<16xi32>
        tpu.vector_store_idx %arg17[%get3A_386], %broadcast_in_dim3A_3 masked %lt3A_393 : memref<10016xi32, #tpu.memory_space<vmem>>[vector<16xi32>], vector<16xi32>, vector<16xi1>
        %scan3A_394 = arith.constant 0 : i32
        scf.yield %scan3A_394 : i32
      }
      %scan3A_372 = arith.constant 6 : i32
      %add3A_373 = arith.constant 96 : i32
      %add3A_374 = arith.addi %reduce_sum3A_225, %add3A_373 : i32
      %lt3A_375 = arith.cmpi slt, %add3A_374, %reduce_sum3A_263 : i32
      %convert_element_type3A_376 = arith.extui %lt3A_375 : i1 to i32
      %cond3A_377 = arith.constant 0 : i32
      %cond3A_378 = arith.cmpi ne, %convert_element_type3A_376, %cond3A_377 : i32
      scf.if %cond3A_378 {
        %add3A_380 = arith.constant 96 : i32
        %add3A_381 = arith.addi %reduce_sum3A_225, %add3A_380 : i32
        %while3A = scf.while (%while3A_382 = %add3A_381) : (i32) -> i32 {
          %lt3A_383 = arith.cmpi slt, %while3A_382, %reduce_sum3A_263 : i32
          scf.condition(%lt3A_383) %while3A_382 : i32
        } do {
        ^bb0(%while3A_382: i32):
          %scan3A_383 = arith.constant 0 : i32
          %scan3A_384 = arith.constant 0 : i32
          %scan3A_385 = arith.constant 6 : i32
          %scan3A_386 = arith.addi %scan3A_384, %scan3A_385 : i32
          %scan3A_387 = arith.constant 1 : i32
          %scan3A_388 = scf.for %scan3A_403 = %scan3A_384 to %scan3A_386 step %scan3A_387 iter_args(%scan3A_404 = %scan3A_383) -> (i32)  : i32 {
            %mul3A_405 = arith.constant 16 : i32
            %mul3A_406 = arith.muli %scan3A_403, %mul3A_405 : i32
            %add3A_407 = arith.addi %while3A_382, %mul3A_406 : i32
            %add3A_408 = vector.broadcast %add3A_407 : i32 to vector<16xi32>
            %add3A_409 = arith.addi %add3A_408, %iota3A : vector<16xi32>
            %sub3A_410 = arith.constant 1 : i32
            %sub3A_411 = arith.subi %reduce_sum3A_263, %sub3A_410 : i32
            %min3A = vector.broadcast %sub3A_411 : i32 to vector<16xi32>
            %min3A_412 = arith.minsi %add3A_409, %min3A : vector<16xi32>
            %max3A = arith.constant 0 : i32
            %max3A_413 = vector.broadcast %max3A : i32 to vector<16xi32>
            %max3A_414 = arith.maxsi %max3A_413, %min3A_412 : vector<16xi32>
            %mul3A_415 = arith.constant 16 : i32
            %mul3A_416 = arith.muli %scan3A_403, %mul3A_415 : i32
            %swap3A = arith.index_cast %mul3A_416 : i32 to index
            %swap3A_417 = tpu.vector_load %arg25[%swap3A] {strides = array<i32>} : memref<96xi32, #tpu.memory_space<vmem>>, vector<16xi32>,
            tpu.vector_store %arg25[%swap3A], %max3A_414 {strides = array<i32>} : memref<96xi32, #tpu.memory_space<vmem>>, vector<16xi32>,
            %scan3A_418 = arith.constant 0 : i32
            scf.yield %scan3A_418 : i32
          }
          %scan3A_389 = arith.constant 6 : i32
          %dma_start3A_390 = arith.constant 0 : i32
          %dma_start3A_391 = tpu.memref_slice %arg2[%dma_start3A_390] : memref<320000xi32, #tpu.memory_space<hbm>> -> memref<320000xi32, #tpu.memory_space<hbm>>
          tpu.enqueue_indirect_dma source(%dma_start3A_391 : memref<320000xi32, #tpu.memory_space<hbm>>) target(%arg26 : memref<96xi32, #tpu.memory_space<vmem>>) offsets(%arg25 : memref<96xi32, #tpu.memory_space<vmem>>) semaphore(%arg27 : memref<!tpu.dma_semaphore, #tpu.memory_space<semaphore_mem>>)
          %dma_wait3A_392 = arith.constant 0 : i32
          %dma_wait3A_393 = tpu.memref_slice %arg2[%dma_wait3A_392] : memref<320000xi32, #tpu.memory_space<hbm>> -> memref<320000xi32, #tpu.memory_space<hbm>>
          tpu.wait_indirect_dma semaphore(%arg27 : memref<!tpu.dma_semaphore, #tpu.memory_space<semaphore_mem>>) src(%dma_wait3A_393 : memref<320000xi32, #tpu.memory_space<hbm>>) dst(%arg26 : memref<96xi32, #tpu.memory_space<vmem>>)
          %scan3A_394 = arith.constant 0 : i32
          %scan3A_395 = arith.constant 0 : i32
          %scan3A_396 = arith.constant 6 : i32
          %scan3A_397 = arith.addi %scan3A_395, %scan3A_396 : i32
          %scan3A_398 = arith.constant 1 : i32
          %scan3A_399 = scf.for %scan3A_403 = %scan3A_395 to %scan3A_397 step %scan3A_398 iter_args(%scan3A_404 = %scan3A_394) -> (i32)  : i32 {
            %mul3A_405 = arith.constant 16 : i32
            %mul3A_406 = arith.muli %scan3A_403, %mul3A_405 : i32
            %get3A_407 = arith.index_cast %mul3A_406 : i32 to index
            %get3A_408 = tpu.vector_load %arg26[%get3A_407] {strides = array<i32>} : memref<96xi32, #tpu.memory_space<vmem>>, vector<16xi32>,
            %mul3A_409 = arith.constant 16 : i32
            %mul3A_410 = arith.muli %scan3A_403, %mul3A_409 : i32
            %add3A_411 = arith.addi %while3A_382, %mul3A_410 : i32
            %add3A_412 = vector.broadcast %add3A_411 : i32 to vector<16xi32>
            %add3A_413 = arith.addi %add3A_412, %iota3A : vector<16xi32>
            %lt3A_414 = vector.broadcast %reduce_sum3A_263 : i32 to vector<16xi32>
            %lt3A_415 = arith.cmpi slt, %add3A_413, %lt3A_414 : vector<16xi32>
            tpu.vector_store_idx %arg17[%get3A_408], %broadcast_in_dim3A_3 masked %lt3A_415 : memref<10016xi32, #tpu.memory_space<vmem>>[vector<16xi32>], vector<16xi32>, vector<16xi1>
            %scan3A_416 = arith.constant 0 : i32
            scf.yield %scan3A_416 : i32
          }
          %scan3A_400 = arith.constant 6 : i32
          %add3A_401 = arith.constant 96 : i32
          %add3A_402 = arith.addi %while3A_382, %add3A_401 : i32
          scf.yield %add3A_402 : i32
        }
      } else {
      }
      %scan3A_379 = arith.constant 0 : i32
      scf.yield %scan3A_379 : i32
    }
    %scan3A_141 = arith.constant 128 : i32
    "tpu.region"() ({
      %run_scoped3A = tpu.sem_alloc : memref<!tpu.dma_semaphore, #tpu.memory_space<semaphore_mem>>
      %dma_start3A_142 = arith.constant 0 : i32
      %dma_start3A_143 = tpu.memref_slice %arg8[%mul3A_2, %dma_start3A_142] : memref<4096x128xf32, #tpu.memory_space<hbm>> -> memref<128x128xf32, #tpu.memory_space<hbm>>
      %dma_start3A_144 = arith.constant 0 : i32
      %dma_start3A_145 = tpu.memref_slice %arg8[%mul3A_2, %dma_start3A_144] : memref<4096x128xf32, #tpu.memory_space<hbm>> -> memref<128x128xf32, #tpu.memory_space<hbm>>
      tpu.enqueue_dma source(%arg18 : memref<128x128xf32, #tpu.memory_space<vmem>>) target(%dma_start3A_145 : memref<128x128xf32, #tpu.memory_space<hbm>>) target_semaphore(%run_scoped3A : memref<!tpu.dma_semaphore, #tpu.memory_space<semaphore_mem>>)
      %dma_wait3A_146 = arith.constant 0 : i32
      %dma_wait3A_147 = tpu.memref_slice %arg8[%mul3A_2, %dma_wait3A_146] : memref<4096x128xf32, #tpu.memory_space<hbm>> -> memref<128x128xf32, #tpu.memory_space<hbm>>
      %dma_wait3A_148 = arith.constant 0 : i32
      %dma_wait3A_149 = tpu.memref_slice %arg8[%mul3A_2, %dma_wait3A_148] : memref<4096x128xf32, #tpu.memory_space<hbm>> -> memref<128x128xf32, #tpu.memory_space<hbm>>
      tpu.wait_dma2 semaphore(%run_scoped3A : memref<!tpu.dma_semaphore, #tpu.memory_space<semaphore_mem>>) src(%arg18 : memref<128x128xf32, #tpu.memory_space<vmem>>) dst(%dma_wait3A_149 : memref<128x128xf32, #tpu.memory_space<hbm>>)
      tpu.yield
    }) : () -> ()
    return
  }
}

module attributes {stable_mosaic.version = 14 : i64} {
  func.func @_mlp_body(%arg0: i32, %arg1: memref<512x128xf32, #tpu.memory_space<vmem>>, %arg2: memref<512x128xf32, #tpu.memory_space<vmem>>, %arg3: memref<128x256xf32, #tpu.memory_space<vmem>>, %arg4: memref<1x256xf32, #tpu.memory_space<vmem>>, %arg5: memref<256x256xf32, #tpu.memory_space<vmem>>, %arg6: memref<1x256xf32, #tpu.memory_space<vmem>>, %arg7: memref<256x256xf32, #tpu.memory_space<vmem>>, %arg8: memref<1x256xf32, #tpu.memory_space<vmem>>, %arg9: memref<128x256xf32, #tpu.memory_space<vmem>>, %arg10: memref<1x256xf32, #tpu.memory_space<vmem>>, %arg11: memref<256x256xf32, #tpu.memory_space<vmem>>, %arg12: memref<1x256xf32, #tpu.memory_space<vmem>>, %arg13: memref<256x256xf32, #tpu.memory_space<vmem>>, %arg14: memref<1x256xf32, #tpu.memory_space<vmem>>, %arg15: memref<256x1xf32, #tpu.memory_space<vmem>>, %arg16: memref<1x1xf32, #tpu.memory_space<vmem>>, %arg17: memref<1x1xf32, #tpu.memory_space<smem>>, %arg18: memref<512x1xf32, #tpu.memory_space<vmem>>) attributes {dimension_semantics = [#tpu.dimension_semantics<arbitrary>], iteration_bounds = array<i64: 8>, scalar_prefetch = 0 : i64, scratch_operands = 0 : i64, tpu.core_type = #tpu.core_type<tc>, window_params = [{transform_indices = @transform_0, window_bounds = array<i64: 512, 128>}, {transform_indices = @transform_1, window_bounds = array<i64: 512, 128>}, {pipeline_mode = #tpu.pipeline_mode<synchronous>, transform_indices = @transform_2, window_bounds = array<i64: 128, 256>}, {pipeline_mode = #tpu.pipeline_mode<synchronous>, transform_indices = @transform_3, window_bounds = array<i64: 1, 256>}, {pipeline_mode = #tpu.pipeline_mode<synchronous>, transform_indices = @transform_4, window_bounds = array<i64: 256, 256>}, {pipeline_mode = #tpu.pipeline_mode<synchronous>, transform_indices = @transform_5, window_bounds = array<i64: 1, 256>}, {pipeline_mode = #tpu.pipeline_mode<synchronous>, transform_indices = @transform_6, window_bounds = array<i64: 256, 256>}, {pipeline_mode = #tpu.pipeline_mode<synchronous>, transform_indices = @transform_7, window_bounds = array<i64: 1, 256>}, {pipeline_mode = #tpu.pipeline_mode<synchronous>, transform_indices = @transform_8, window_bounds = array<i64: 128, 256>}, {pipeline_mode = #tpu.pipeline_mode<synchronous>, transform_indices = @transform_9, window_bounds = array<i64: 1, 256>}, {pipeline_mode = #tpu.pipeline_mode<synchronous>, transform_indices = @transform_10, window_bounds = array<i64: 256, 256>}, {pipeline_mode = #tpu.pipeline_mode<synchronous>, transform_indices = @transform_11, window_bounds = array<i64: 1, 256>}, {pipeline_mode = #tpu.pipeline_mode<synchronous>, transform_indices = @transform_12, window_bounds = array<i64: 256, 256>}, {pipeline_mode = #tpu.pipeline_mode<synchronous>, transform_indices = @transform_13, window_bounds = array<i64: 1, 256>}, {pipeline_mode = #tpu.pipeline_mode<synchronous>, transform_indices = @transform_14, window_bounds = array<i64: 256, 1>}, {pipeline_mode = #tpu.pipeline_mode<synchronous>, transform_indices = @transform_15, window_bounds = array<i64: 1, 1>}, {transform_indices = @transform_16, window_bounds = array<i64: 1, 1>}, {transform_indices = @transform_17, window_bounds = array<i64: 512, 1>}]} {
    %get3A = arith.constant 0 : index
    %get3A_0 = arith.constant 0 : index
    %get3A_1 = vector.load %arg1[%get3A, %get3A_0] : memref<512x128xf32, #tpu.memory_space<vmem>>, vector<512x128xf32>
    %get3A_2 = arith.constant 0 : index
    %get3A_3 = arith.constant 0 : index
    %get3A_4 = vector.load %arg3[%get3A_2, %get3A_3] : memref<128x256xf32, #tpu.memory_space<vmem>>, vector<128x256xf32>
    %dot_general3A = arith.constant dense<0.000000e+00> : vector<512x256xf32>
    %dot_general3A_5 = tpu.matmul %get3A_1, %get3A_4, %dot_general3A {dimension_numbers = #tpu.dot_dimension_numbers<[1], [0], [0], [1], [0, 0, 1, 1], [], []>, transpose_lhs_hint = false} : vector<512x128xf32>, vector<128x256xf32>, vector<512x256xf32> -> vector<512x256xf32>
    %get3A_6 = arith.constant 0 : index
    %get3A_7 = arith.constant 0 : index
    %get3A_8 = vector.load %arg4[%get3A_6, %get3A_7] : memref<1x256xf32, #tpu.memory_space<vmem>>, vector<1x256xf32>
    %add3A = vector.broadcast %get3A_8 : vector<1x256xf32> to vector<512x256xf32>
    %add3A_9 = arith.addf %dot_general3A_5, %add3A : vector<512x256xf32>
    %max3A = arith.constant 0.000000e+00 : f32
    %max3A_10 = vector.broadcast %max3A : f32 to vector<512x256xf32>
    %max3A_11 = arith.maximumf %add3A_9, %max3A_10 : vector<512x256xf32>
    %get3A_12 = arith.constant 0 : index
    %get3A_13 = arith.constant 0 : index
    %get3A_14 = vector.load %arg5[%get3A_12, %get3A_13] : memref<256x256xf32, #tpu.memory_space<vmem>>, vector<256x256xf32>
    %dot_general3A_15 = arith.constant dense<0.000000e+00> : vector<512x256xf32>
    %dot_general3A_16 = tpu.matmul %max3A_11, %get3A_14, %dot_general3A_15 {dimension_numbers = #tpu.dot_dimension_numbers<[1], [0], [0], [1], [0, 0, 1, 1], [], []>, transpose_lhs_hint = false} : vector<512x256xf32>, vector<256x256xf32>, vector<512x256xf32> -> vector<512x256xf32>
    %get3A_17 = arith.constant 0 : index
    %get3A_18 = arith.constant 0 : index
    %get3A_19 = vector.load %arg6[%get3A_17, %get3A_18] : memref<1x256xf32, #tpu.memory_space<vmem>>, vector<1x256xf32>
    %add3A_20 = vector.broadcast %get3A_19 : vector<1x256xf32> to vector<512x256xf32>
    %add3A_21 = arith.addf %dot_general3A_16, %add3A_20 : vector<512x256xf32>
    %max3A_22 = arith.constant 0.000000e+00 : f32
    %max3A_23 = vector.broadcast %max3A_22 : f32 to vector<512x256xf32>
    %max3A_24 = arith.maximumf %add3A_21, %max3A_23 : vector<512x256xf32>
    %get3A_25 = arith.constant 0 : index
    %get3A_26 = arith.constant 0 : index
    %get3A_27 = vector.load %arg7[%get3A_25, %get3A_26] : memref<256x256xf32, #tpu.memory_space<vmem>>, vector<256x256xf32>
    %dot_general3A_28 = arith.constant dense<0.000000e+00> : vector<512x256xf32>
    %dot_general3A_29 = tpu.matmul %max3A_24, %get3A_27, %dot_general3A_28 {dimension_numbers = #tpu.dot_dimension_numbers<[1], [0], [0], [1], [0, 0, 1, 1], [], []>, transpose_lhs_hint = false} : vector<512x256xf32>, vector<256x256xf32>, vector<512x256xf32> -> vector<512x256xf32>
    %get3A_30 = arith.constant 0 : index
    %get3A_31 = arith.constant 0 : index
    %get3A_32 = vector.load %arg8[%get3A_30, %get3A_31] : memref<1x256xf32, #tpu.memory_space<vmem>>, vector<1x256xf32>
    %add3A_33 = vector.broadcast %get3A_32 : vector<1x256xf32> to vector<512x256xf32>
    %add3A_34 = arith.addf %dot_general3A_29, %add3A_33 : vector<512x256xf32>
    %get3A_35 = arith.constant 0 : index
    %get3A_36 = arith.constant 0 : index
    %get3A_37 = vector.load %arg2[%get3A_35, %get3A_36] : memref<512x128xf32, #tpu.memory_space<vmem>>, vector<512x128xf32>
    %get3A_38 = arith.constant 0 : index
    %get3A_39 = arith.constant 0 : index
    %get3A_40 = vector.load %arg9[%get3A_38, %get3A_39] : memref<128x256xf32, #tpu.memory_space<vmem>>, vector<128x256xf32>
    %dot_general3A_41 = arith.constant dense<0.000000e+00> : vector<512x256xf32>
    %dot_general3A_42 = tpu.matmul %get3A_37, %get3A_40, %dot_general3A_41 {dimension_numbers = #tpu.dot_dimension_numbers<[1], [0], [0], [1], [0, 0, 1, 1], [], []>, transpose_lhs_hint = false} : vector<512x128xf32>, vector<128x256xf32>, vector<512x256xf32> -> vector<512x256xf32>
    %get3A_43 = arith.constant 0 : index
    %get3A_44 = arith.constant 0 : index
    %get3A_45 = vector.load %arg10[%get3A_43, %get3A_44] : memref<1x256xf32, #tpu.memory_space<vmem>>, vector<1x256xf32>
    %add3A_46 = vector.broadcast %get3A_45 : vector<1x256xf32> to vector<512x256xf32>
    %add3A_47 = arith.addf %dot_general3A_42, %add3A_46 : vector<512x256xf32>
    %max3A_48 = arith.constant 0.000000e+00 : f32
    %max3A_49 = vector.broadcast %max3A_48 : f32 to vector<512x256xf32>
    %max3A_50 = arith.maximumf %add3A_47, %max3A_49 : vector<512x256xf32>
    %get3A_51 = arith.constant 0 : index
    %get3A_52 = arith.constant 0 : index
    %get3A_53 = vector.load %arg11[%get3A_51, %get3A_52] : memref<256x256xf32, #tpu.memory_space<vmem>>, vector<256x256xf32>
    %dot_general3A_54 = arith.constant dense<0.000000e+00> : vector<512x256xf32>
    %dot_general3A_55 = tpu.matmul %max3A_50, %get3A_53, %dot_general3A_54 {dimension_numbers = #tpu.dot_dimension_numbers<[1], [0], [0], [1], [0, 0, 1, 1], [], []>, transpose_lhs_hint = false} : vector<512x256xf32>, vector<256x256xf32>, vector<512x256xf32> -> vector<512x256xf32>
    %get3A_56 = arith.constant 0 : index
    %get3A_57 = arith.constant 0 : index
    %get3A_58 = vector.load %arg12[%get3A_56, %get3A_57] : memref<1x256xf32, #tpu.memory_space<vmem>>, vector<1x256xf32>
    %add3A_59 = vector.broadcast %get3A_58 : vector<1x256xf32> to vector<512x256xf32>
    %add3A_60 = arith.addf %dot_general3A_55, %add3A_59 : vector<512x256xf32>
    %get3A_61 = arith.constant 0 : index
    %get3A_62 = arith.constant 0 : index
    %get3A_63 = memref.load %arg17[%get3A_61, %get3A_62] : memref<1x1xf32, #tpu.memory_space<smem>>
    %mul3A = vector.broadcast %get3A_63 : f32 to vector<512x256xf32>
    %mul3A_64 = arith.mulf %add3A_34, %mul3A : vector<512x256xf32>
    %add3A_65 = arith.addf %mul3A_64, %add3A_60 : vector<512x256xf32>
    %get3A_66 = arith.constant 0 : index
    %get3A_67 = arith.constant 0 : index
    %get3A_68 = vector.load %arg13[%get3A_66, %get3A_67] : memref<256x256xf32, #tpu.memory_space<vmem>>, vector<256x256xf32>
    %dot_general3A_69 = arith.constant dense<0.000000e+00> : vector<512x256xf32>
    %dot_general3A_70 = tpu.matmul %add3A_65, %get3A_68, %dot_general3A_69 {dimension_numbers = #tpu.dot_dimension_numbers<[1], [0], [0], [1], [0, 0, 1, 1], [], []>, transpose_lhs_hint = false} : vector<512x256xf32>, vector<256x256xf32>, vector<512x256xf32> -> vector<512x256xf32>
    %get3A_71 = arith.constant 0 : index
    %get3A_72 = arith.constant 0 : index
    %get3A_73 = vector.load %arg14[%get3A_71, %get3A_72] : memref<1x256xf32, #tpu.memory_space<vmem>>, vector<1x256xf32>
    %add3A_74 = vector.broadcast %get3A_73 : vector<1x256xf32> to vector<512x256xf32>
    %add3A_75 = arith.addf %dot_general3A_70, %add3A_74 : vector<512x256xf32>
    %max3A_76 = arith.constant 0.000000e+00 : f32
    %max3A_77 = vector.broadcast %max3A_76 : f32 to vector<512x256xf32>
    %max3A_78 = arith.maximumf %add3A_75, %max3A_77 : vector<512x256xf32>
    %get3A_79 = arith.constant 0 : index
    %get3A_80 = arith.constant 0 : index
    %get3A_81 = vector.load %arg15[%get3A_79, %get3A_80] : memref<256x1xf32, #tpu.memory_space<vmem>>, vector<256x1xf32>
    %dot_general3A_82 = arith.constant dense<0.000000e+00> : vector<512x1xf32>
    %dot_general3A_83 = tpu.matmul %max3A_78, %get3A_81, %dot_general3A_82 {dimension_numbers = #tpu.dot_dimension_numbers<[1], [0], [0], [1], [0, 0, 1, 1], [], []>, transpose_lhs_hint = false} : vector<512x256xf32>, vector<256x1xf32>, vector<512x1xf32> -> vector<512x1xf32>
    %get3A_84 = arith.constant 0 : index
    %get3A_85 = arith.constant 0 : index
    %get3A_86 = vector.load %arg16[%get3A_84, %get3A_85] : memref<1x1xf32, #tpu.memory_space<vmem>>, vector<1x1xf32>
    %get3A_87 = vector.extract %get3A_86[0, 0] : f32 from vector<1x1xf32>
    %add3A_88 = vector.broadcast %get3A_87 : f32 to vector<512x1xf32>
    %add3A_89 = arith.addf %dot_general3A_83, %add3A_88 : vector<512x1xf32>
    %swap3A = arith.constant 0 : index
    %swap3A_90 = arith.constant 0 : index
    %swap3A_91 = vector.load %arg18[%swap3A, %swap3A_90] : memref<512x1xf32, #tpu.memory_space<vmem>>, vector<512x1xf32>
    tpu.vector_store %arg18[%swap3A, %swap3A_90], %add3A_89 {strides = array<i32>} : memref<512x1xf32, #tpu.memory_space<vmem>>, vector<512x1xf32>,
    return
  }
  func.func @transform_0(%arg0: i32) -> (i32, i32) {
    %c0_i32 = arith.constant 0 : i32
    %c0_i32_0 = arith.constant 0 : i32
    return %arg0, %c0_i32 : i32, i32
  }
  func.func @transform_1(%arg0: i32) -> (i32, i32) {
    %c0_i32 = arith.constant 0 : i32
    %c0_i32_0 = arith.constant 0 : i32
    return %arg0, %c0_i32 : i32, i32
  }
  func.func @transform_2(%arg0: i32) -> (i32, i32) {
    %c0_i32 = arith.constant 0 : i32
    %c0_i32_0 = arith.constant 0 : i32
    %c0_i32_1 = arith.constant 0 : i32
    return %c0_i32, %c0_i32_0 : i32, i32
  }
  func.func @transform_3(%arg0: i32) -> (i32, i32) {
    %c0_i32 = arith.constant 0 : i32
    %c0_i32_0 = arith.constant 0 : i32
    %c0_i32_1 = arith.constant 0 : i32
    return %c0_i32, %c0_i32_0 : i32, i32
  }
  func.func @transform_4(%arg0: i32) -> (i32, i32) {
    %c0_i32 = arith.constant 0 : i32
    %c0_i32_0 = arith.constant 0 : i32
    %c0_i32_1 = arith.constant 0 : i32
    return %c0_i32, %c0_i32_0 : i32, i32
  }
  func.func @transform_5(%arg0: i32) -> (i32, i32) {
    %c0_i32 = arith.constant 0 : i32
    %c0_i32_0 = arith.constant 0 : i32
    %c0_i32_1 = arith.constant 0 : i32
    return %c0_i32, %c0_i32_0 : i32, i32
  }
  func.func @transform_6(%arg0: i32) -> (i32, i32) {
    %c0_i32 = arith.constant 0 : i32
    %c0_i32_0 = arith.constant 0 : i32
    %c0_i32_1 = arith.constant 0 : i32
    return %c0_i32, %c0_i32_0 : i32, i32
  }
  func.func @transform_7(%arg0: i32) -> (i32, i32) {
    %c0_i32 = arith.constant 0 : i32
    %c0_i32_0 = arith.constant 0 : i32
    %c0_i32_1 = arith.constant 0 : i32
    return %c0_i32, %c0_i32_0 : i32, i32
  }
  func.func @transform_8(%arg0: i32) -> (i32, i32) {
    %c0_i32 = arith.constant 0 : i32
    %c0_i32_0 = arith.constant 0 : i32
    %c0_i32_1 = arith.constant 0 : i32
    return %c0_i32, %c0_i32_0 : i32, i32
  }
  func.func @transform_9(%arg0: i32) -> (i32, i32) {
    %c0_i32 = arith.constant 0 : i32
    %c0_i32_0 = arith.constant 0 : i32
    %c0_i32_1 = arith.constant 0 : i32
    return %c0_i32, %c0_i32_0 : i32, i32
  }
  func.func @transform_10(%arg0: i32) -> (i32, i32) {
    %c0_i32 = arith.constant 0 : i32
    %c0_i32_0 = arith.constant 0 : i32
    %c0_i32_1 = arith.constant 0 : i32
    return %c0_i32, %c0_i32_0 : i32, i32
  }
  func.func @transform_11(%arg0: i32) -> (i32, i32) {
    %c0_i32 = arith.constant 0 : i32
    %c0_i32_0 = arith.constant 0 : i32
    %c0_i32_1 = arith.constant 0 : i32
    return %c0_i32, %c0_i32_0 : i32, i32
  }
  func.func @transform_12(%arg0: i32) -> (i32, i32) {
    %c0_i32 = arith.constant 0 : i32
    %c0_i32_0 = arith.constant 0 : i32
    %c0_i32_1 = arith.constant 0 : i32
    return %c0_i32, %c0_i32_0 : i32, i32
  }
  func.func @transform_13(%arg0: i32) -> (i32, i32) {
    %c0_i32 = arith.constant 0 : i32
    %c0_i32_0 = arith.constant 0 : i32
    %c0_i32_1 = arith.constant 0 : i32
    return %c0_i32, %c0_i32_0 : i32, i32
  }
  func.func @transform_14(%arg0: i32) -> (i32, i32) {
    %c0_i32 = arith.constant 0 : i32
    %c0_i32_0 = arith.constant 0 : i32
    %c0_i32_1 = arith.constant 0 : i32
    return %c0_i32, %c0_i32_0 : i32, i32
  }
  func.func @transform_15(%arg0: i32) -> (i32, i32) {
    %c0_i32 = arith.constant 0 : i32
    %c0_i32_0 = arith.constant 0 : i32
    %c0_i32_1 = arith.constant 0 : i32
    return %c0_i32, %c0_i32_0 : i32, i32
  }
  func.func @transform_16(%arg0: i32) -> (i32, i32) {
    %c0_i32 = arith.constant 0 : i32
    %c0_i32_0 = arith.constant 0 : i32
    %c0_i32_1 = arith.constant 0 : i32
    return %c0_i32, %c0_i32_0 : i32, i32
  }
  func.func @transform_17(%arg0: i32) -> (i32, i32) {
    %c0_i32 = arith.constant 0 : i32
    %c0_i32_0 = arith.constant 0 : i32
    return %arg0, %c0_i32 : i32, i32
  }
}

</mosaic_0001>

<sc_bundles>
// kernel: kernel.4.cloned.1.call-start
scs
__scs_entry_jumppad:
0x0: {  	(pc) =	sbr.rel $0x88, $3  }
0x1: {  	(tag) =	ssettag $0x0;
	lr =	simm.s32 $0x1  }
0x2: {  	[smem:$0x3F8F] =	sst lr;
	_ =	strace $0xD0000000  }
0x3: {  	_ = 	snop  }
0x4: {  	_ = 	snop  }
0x5: {  	_ = 	snop  }
0x6: {  	_ = 	snop  }
0x7: {  	_ = 	snop  }
__scs_overlays_trampoline_lowered:
0x8: {  	[smem:$0x3F9E] =	sst s0  }
0x9: {  	[smem:$0x3F9F] =	sst s1  }
0xa: {  	[smem:$0x3FA0] =	sst s2  }
0xb: {  	[smem:$0x3FA1] =	sst s3  }
0xc: {  	[smem:$0x3FA2] =	sst s4  }
0xd: {  	[smem:$0x3FA3] =	sst s5  }
0xe: {  	[smem:$0x3FA4] =	sst s6  }
0xf: {  	[smem:$0x3FA5] =	sst s7  }
0x10: {  	[smem:$0x3FA6] =	sst s8  }
0x11: {  	[smem:$0x3FA7] =	sst s9;
	s0 =	simm.s32 @!p0 $0x0  }
0x12: {  	s1 =	sld [smem:$0x3F8D];
	s0 =	simm.s32 @p0 $0x1  }
0x13: {  	[smem:$0x3FA8] =	sst s0;
	s0 =	simm.s32 @!p1 $0x0  }
0x14: {  	s2 =	sld [smem:$0x3F8C];
	s0 =	simm.s32 @p1 $0x1  }
0x15: {  	[smem:$0x3FA9] =	sst s0;
	s0 =	simm.s32 @!p2 $0x0  }
0x16: {  	s3 =	sld [smem:$0x3FDB];
	s0 =	simm.s32 @p2 $0x1  }
0x17: {  	s4 =	simm.s32 $0x1BF5;
	[smem:$0x3FAB] =	sst s0  }
0x18: {  	s0 =	sld [smem:$0x3F8E];
	_ =	swait.ge [sflag:s4], $0x0  }
0x19: {  	s7 =	sld [smem:$0x3F8F]  }
0x1a: {  	s8 =	sadd.s32 $0xFFFFE003, lr  }
0x1b: {  	s9 =	sadd.s32 $0xFFFFFEF7, lr;
	s5 =	simm.s32 $0xFFFFFFFF;
	p2 =	slt.u32 s8, $0xFFFFF086  }
0x1c: {  	p1 =	slt.u32 s9, $0xF7A;
	s5 =	simm.s32 @!p2 $0x0  }
0x1d: {  	s5 =	simm.s32 @p1 $0x1;
	p0 =	seq.s32 s7, s2  }
0x1e: {  	s7 =	smul.u32 @!p0 $0xF7A, s2;
	p2 =	seq.s32 @!p0 s5, $0x0  }
0x1f: {  	s9 =	smul.u32 $0xF7A, s1;
	s8 =	simm.s32 @!p0 $0x1BF5;
	p2 =	por !p2, p0  }
0x20: {  	[sflag:s8] =	ssyncset.s32 @!p0 $0xFFFFF086;
	s6 =	sadd.s32 @!p0 s3, s7;
	s7 =	simm.s32 @!p0 $0x108  }
0x21: {  	s3 =	sadd.s32 s3, s9;
	s6 =	sadd.s32 @!p0 $0x88, s6;
	s7 =	simm.s32 @p2 $0x1082  }
0x22: {  	[simem:s7], [sflag:s8] =	dma.local @!p0 [hbm:s6], $0xF7A  }
0x23: {  	s9 =	sor.u32 $0xD0000000, s2;
	s6 =	simm.s32 $0x108;
	_ =	swait.ge @!p0 [sflag:s8], $0x0  }
0x24: {  	s3 =	sadd.s32 $0x88, s3;
	s6 =	simm.s32 @!p1 $0x1082;
	[sflag:s4] =	ssyncset.s32 $0xFFFFF086  }
0x25: {  	[simem:s6], [sflag:s4] =	dma.local [hbm:s3], $0xF7A  }
0x26: {  	[smem:$0x3F8F] =	sst s1;
	(tag) =	ssettag s2;
	_ =	strace s9  }
0x27: {  	s1 =	sld [smem:$0x3F9F]  }
0x28: {  	s2 =	sld [smem:$0x3FA0]  }
0x29: {  	s4 =	sld [smem:$0x3FA2]  }
0x2a: {  	p0 =	seq.s32 s5, $0x0;
	s5 =	sld [smem:$0x3FA3]  }
0x2b: {  	s6 =	sld [smem:$0x3FA4]  }
0x2c: {  	s7 =	sld [smem:$0x3FA5]  }
0x2d: {  	s3 =	simm.s32 $0x108;
	s8 =	sld [smem:$0x3FA6]  }
0x2e: {  	s3 =	simm.s32 @!p0 $0x1082;
	s9 =	sld [smem:$0x3FA7]  }
0x2f: {  	lr =	sadd.s32 s0, s3;
	s0 =	sld [smem:$0x3F9E]  }
0x30: {  	s3 =	sld [smem:$0x3FA1]  }
0x31: {  	[smem:$0x3FAA] =	sst s10  }
0x32: {  	s10 =	sld [smem:$0x3FA8];
	_ =	sdelay $0x3  }
0x33: {  	p0 =	seq.s32 s10, $0x1;
	s10 =	sld [smem:$0x3FAA];
	_ =	sdelay $0x3  }
0x34: {  	[smem:$0x3FAA] =	sst s10  }
0x35: {  	s10 =	sld [smem:$0x3FA9];
	_ =	sdelay $0x3  }
0x36: {  	p1 =	seq.s32 s10, $0x1;
	s10 =	sld [smem:$0x3FAA];
	_ =	sdelay $0x3  }
0x37: {  	[smem:$0x3FAA] =	sst s10  }
0x38: {  	s10 =	sld [smem:$0x3FAB]  }
0x39: {  	_ = 	snop;
	(pc) =	sbr.ind lr, $3  }
0x3a: {  	_ = 	snop  }
0x3b: {  	_ = 	snop  }
0x3c: {  	p2 =	seq.s32 s10, $0x1;
	s10 =	sld [smem:$0x3FAA]  }
0x3d: {  	_ =	shalt  }
0x3e: {  	_ =	shalt  }
0x3f: {  	_ =	shalt  }
0x40: {  	_ =	shalt  }
0x41: {  	_ =	shalt  }
0x42: {  	_ =	shalt  }
0x43: {  	_ =	shalt  }
0x44: {  	_ =	shalt  }
0x45: {  	_ =	shalt  }
0x46: {  	_ =	shalt  }
0x47: {  	_ =	shalt  }
0x48: {  	_ =	shalt  }
0x49: {  	_ =	shalt  }
0x4a: {  	_ =	shalt  }
0x4b: {  	_ =	shalt  }
0x4c: {  	_ =	shalt  }
0x4d: {  	_ =	shalt  }
0x4e: {  	_ =	shalt  }
0x4f: {  	_ =	shalt  }
0x50: {  	_ =	shalt  }
0x51: {  	_ =	shalt  }
0x52: {  	_ =	shalt  }
0x53: {  	_ =	shalt  }
0x54: {  	_ =	shalt  }
0x55: {  	_ =	shalt  }
0x56: {  	_ =	shalt  }
0x57: {  	_ =	shalt  }
0x58: {  	_ =	shalt  }
0x59: {  	_ =	shalt  }
0x5a: {  	_ =	shalt  }
0x5b: {  	_ =	shalt  }
0x5c: {  	_ =	shalt  }
0x5d: {  	_ =	shalt  }
0x5e: {  	_ =	shalt  }
0x5f: {  	_ =	shalt  }
0x60: {  	_ =	shalt  }
0x61: {  	_ =	shalt  }
0x62: {  	_ =	shalt  }
0x63: {  	_ =	shalt  }
0x64: {  	_ =	shalt  }
0x65: {  	_ =	shalt  }
0x66: {  	_ =	shalt  }
0x67: {  	_ =	shalt  }
0x68: {  	_ =	shalt  }
0x69: {  	_ =	shalt  }
0x6a: {  	_ =	shalt  }
0x6b: {  	_ =	shalt  }
0x6c: {  	_ =	shalt  }
0x6d: {  	_ =	shalt  }
0x6e: {  	_ =	shalt  }
0x6f: {  	_ =	shalt  }
0x70: {  	_ =	shalt  }
0x71: {  	_ =	shalt  }
0x72: {  	_ =	shalt  }
0x73: {  	_ =	shalt  }
0x74: {  	_ =	shalt  }
0x75: {  	_ =	shalt  }
0x76: {  	_ =	shalt  }
0x77: {  	_ =	shalt  }
0x78: {  	_ =	shalt  }
0x79: {  	_ =	shalt  }
0x7a: {  	_ =	shalt  }
0x7b: {  	_ =	shalt  }
0x7c: {  	_ =	shalt  }
0x7d: {  	_ =	shalt  }
0x7e: {  	_ =	shalt  }
0x7f: {  	_ =	shalt  }
0x80: {  	_ =	shalt  }
0x81: {  	_ =	shalt  }
0x82: {  	_ =	shalt  }
0x83: {  	_ =	shalt  }
0x84: {  	_ =	shalt  }
0x85: {  	_ =	shalt  }
0x86: {  	_ =	shalt  }
0x87: {  	_ =	shalt  }
.Lfunc_end0:
.L_simem_size_0:
called_computation.1_lowered:
.L_overlay_start_0:
0x88: {  	s2 =	sld [smem:$0x3FD9]  }
0x89: {  	s3 =	sld [smem:$0x3FFE];
	_ =	sdelay $0x1  }
0x8a: {  	s1 =	srdreg.scid  }
0x8b: {  	s0 =	sand.u32 $0x1, s1  }
0x8c: {  	s17 =	sshll.u32 s0, $0xA;
	s2 =	sadd.s32 s3, s2  }
0x8d: {  	s2 =	sadd.s32 s2, s17  }
0x8e: {  	[smem:$0x3FB6] =	sst s2  }
0x8f: {  	_ = 	snop  }
0x90: {  	s2 =	sld [smem:$0x3FC9]  }
0x91: {  	s18 =	sld [smem:$0x3FD0];
	(tm) =	ssettm $0x1  }
0x92: {  	s4 =	sld [smem:$0x3FFB];
	_ =	sdelay $0x3  }
0x93: {  	_ =	strace s4  }
0x94: {  	s4 =	sld [smem:$0x3FFC];
	_ =	sdelay $0x3  }
0x95: {  	_ =	strace s4  }
0x96: {  	s4 =	sld [smem:$0x3FFD];
	_ =	sdelay $0x3  }
0x97: {  	_ =	strace s4  }
0x98: {  	_ =	strace $0x8FFFFFFF  }
0x99: {  	s19 =	sld [smem:$0x3FDB];
	_ =	sdelay $0x1  }
0x9a: {  	s5 =	simm.s32 $_scs_section_size  }
0x9b: {  	s6 =	simm.s32 $_size__tile_overlayer_lowered;
	s7 =	simm.s32 $_tile_overlayer_lowered  }
0x9c: {  	s22 =	simm.s32 $0x1BFF;
	s21 =	sshll.u32 s7, $0x1;
	s4 =	sadd.s32 s5, s19  }
0x9d: {  	s8 =	simm.s32 $0x0;
	s20 =	sshll.u32 s6, $0x1;
	s6 =	sadd.s32 s21, s4  }
0x9e: {  	[timem:s8], [sflag:s22] =	dma.local [hbm:s6], s20  }
0x9f: {  	_ =	swait.ge [sflag:s22], s20  }
0xa0: {  	s5 =	ssub.s32 $0x0, s20;
	[sflag:s22] =	ssyncset.done $0x0  }
0xa1: {  	[sflag:s22] =	ssyncadd.s32 s5;
	_ =	sdelay $0x1  }
0xa2: {  	s23 =	simm.s32 $0x1B8B  }
0xa3: {  	_ =	swait.ge [sflag:s23], $0x1  }
0xa4: {  	[sflag:s23] =	ssyncset.done $0x0  }
0xa5: {  	s25 =	simm.s32 $0x1B8E;
	s24 =	sld [smem:$0x3FFE];
	[sflag:s23] =	ssyncadd.s32 $0xFFFFFFFF  }
0xa6: {  	s26 =	simm.s32 $execute0_lowered;
	[smem:$0x3FD2] =	sst s25  }
0xa7: {  	s6 =	sshll.u32 s26, $0x1;
	_ =	strace $0x80000049;
	[dreg:$0x1] =	wrdreg $0xFFFFFFFF  }
0xa8: {  	s28 =	simm.s32 $_size_execute0_lowered;
	s4 =	sadd.s32 s4, s6;
	[dreg:$0x0] =	wrdreg $0x0  }
0xa9: {  	s6 =	sshll.u32 s28, $0x1;
	[dreg:$0x2] =	wrdreg s4  }
0xaa: {  	[dreg:$0x3] =	wrdreg s6  }
0xab: {  	[dreg:$0x4] =	wrdreg $0xC0  }
0xac: {  	_ =	task [dreg:s8], $0x5FFFF  }
0xad: {  	[dreg:$0x1] =	wrdreg $0xFFFFFFFF  }
0xae: {  	[dreg:$0x0] =	wrdreg $0x60  }
0xaf: {  	[dreg:$0x2] =	wrdreg s24  }
0xb0: {  	[dreg:$0x3] =	wrdreg s18  }
0xb1: {  	[dreg:$0x4] =	wrdreg s2  }
0xb2: {  	[dreg:$0x5] =	wrdreg $0x9  }
0xb3: {  	_ =	task.clear_ibuf [dreg:s8], $0x6FFFF;
	_ =	strace $0x90000049  }
0xb4: {  	s29 =	simm.s32 $0x9;
	_ =	strace $0x8000004B  }
0xb5: {  	_ =	swait.ge [sflag:s29], $0x1  }
0xb6: {  	[sflag:s29] =	ssyncadd.s32 $0xFFFFFFFF  }
0xb7: {  	_ =	strace $0x9000004B  }
0xb8: {  	_ =	sfence  }
0xb9: {  	s30 =	sld [smem:$0x0];
	_ =	sdelay $0x2  }
0xba: {  	s31 =	sshll.u32 s1, $0xD;
	s1 =	sshrl.u32 s1, $0x2  }
0xbb: {  	s3 =	sand.u32 $0x4000, s31;
	s1 =	sadd.s32 s1, s30  }
0xbc: {  	s0 =	sor.u32 s3, s0;
	s1 =	sshll.u32 s1, $0x11  }
0xbd: {  	s0 =	sor.u32 s1, s0  }
0xbe: {  	s0 =	sadd.s32 $0x8F2B, s0  }
0xbf: {  	[sflag:s0] =	ssyncadd.remote.s32 $0x1  }
0xc0: {  	_ =	sfence.sel $0xFFFF  }
0xc1: {  	[dreg:$0x0] =	wrdreg $0xFFFFFFFF;
	(pc) =	sbr.abs _section_cstart, $3  }
0xc2: {  	[dreg:$0x1] =	wrdreg $0xFFFFFFFF  }
0xc3: {  	_ =	task.clear_ibuf [dreg:s8], $0x2FFFF;
	_ =	strace $0x9FFFFFFF  }
0xc4: {  	(tm) =	ssettm $0x7FFFFFFF  }
0xc5: {  	_ =	shalt  }
tec
execute0_lowered:
.L_overlay_start_1:
0x0: {  	(tag) =	ssettag $0x1  }
0x1: {  	s1 =	rddreg [dreg:$0x0]  }
0x2: {  	s0 =	rddreg [dreg:$0x1];
	s2 =	srdreg.scid;
	s4 =	simm.s32 $0x0  }
0x3: {  	s3 =	stileid.u32;
	s12 =	simm.s32 $0x4;
	s13 =	simm.s32 $0x80  }
0x4: {  	s15 =	simm.s32 $0x1;
	s22 =	simm.s32 $0x2;
	s23 =	simm.s32 $0x60  }
0x5: {  	s29 =	simm.s32 $0x3;
	s30 =	simm.s32 $0x380;
	s31 =	simm.s32 $0xEF00  }
0x6: {  	s14 =	simm.s32 $0x0;
	s2 =	sand.u32 $0x1, s2;
	[smem:$0x7FF] =	sst s4  }
0x7: {  	s3 =	sshll.u32 s3, $0x8;
	s6 =	sadd.s32 $0x1E200, s1;
	s5 =	sshll.u32 s2, $0x7  }
0x8: {  	_ =	strace $0x8000004A;
	s2 =	ssub.s32 $0x2, s2;
	s3 =	sor.u32 s5, s3  }
0x9: {  	s5 =	sadd.s32 $0xA000, s1;
	s9 =	sshrl.u32 s2, $0x1;
	s8 =	sshrl.u32 s3, $0x3  }
.Ltmp0:
0xa: {  	s3 =	sshll.u32 s3, $0x4;
	s2 =	ssub.s32 s2, s9;
	(pc) =	sbr.rel .LBB2_1-.Ltmp0, $4  }
0xb: {  	s7 =	sadd.s32 s8, s1;
	s3 =	sadd.s32 s3, s1;
	s0 =	sadd.s32 s0, s8  }
0xc: {  	s11 =	smax.u32 s2, $0x1;
	s7 =	sadd.s32 $0x9E00, s7;
	[dreg:$0x5] =	wrdreg s0  }
0xd: {  	v0 =	vimm.s32 $0x0;
	v1 =	vimm.f32 $0.0e+00;
	s28 =	sadd.s32 $0x55400, s3;
	s10 =	sadd.s32 $0x45400, s3;
	[dreg:$0x4] =	wrdreg s7  }
0xe: {  	vm0 =	vmmov $0x1;
	v2 =	vlaneseq.u32;
	v3 =	vimm.s32 $0x1;
	s0 =	simm.s32 $0xEF80;
	[dreg:$0x6] =	wrdreg s28;
	s7 =	simm.s32 $0x6B00  }
.LBB2_35:
0xf: {  	s14 =	sadd.s32 $0x1, s14  }
0x10: {  	p0 =	sne.s32 s14, s11  }
.Ltmp1:
0x11: {  	s2 =	simm.s32 $0x2B00;
	(pc) =	sbr.rel @!p0 .LBB2_36-.Ltmp1, $4  }
0x12: {  	[hbm4b:s10+s4] =	stream.linear.scatter [tilespmem:s2], [sflag:$0x4], $0x4000, $0x38;
	[tilespmem:$0xF000] =	vst v63  }
0x13: {  	_ =	swait.ge [sflag:s12], $0x4000  }
0x14: {  	[sflag:s12] =	ssyncset.done $0x0  }
0x15: {  	s7 =	simm.s32 $0x6B00;
	[sflag:s12] =	ssyncadd.s32 $0xFFFFC000  }
.LBB2_1:
0x16: {  	s2 =	rddreg [dreg:$0x4]  }
0x17: {  	[tilespmem:s4], [sflag:$0x4] =	stream.linear.gather [hbm4b:s2+s4], $0x80, $0x38;
	[tilespmem:$0xF000] =	vst v63  }
0x18: {  	_ =	swait.ge [sflag:s12], $0x80  }
0x19: {  	[sflag:s12] =	ssyncset.done $0x0  }
0x1a: {  	s19 =	rddreg [dreg:$0x5];
	[sflag:s12] =	ssyncadd.s32 $0xFFFFFF80  }
0x1b: {  	[tilespmem:s13], [sflag:$0x4] =	stream.linear.gather [hbm4b:s19+s4], $0x80, $0x38;
	[tilespmem:$0xF000] =	vst v63  }
0x1c: {  	_ =	swait.ge [sflag:s12], $0x80  }
0x1d: {  	[sflag:s12] =	ssyncset.done $0x0  }
0x1e: {  	s20 =	simm.s32 $0x180;
	[sflag:s12] =	ssyncadd.s32 $0xFFFFFF80  }
0x1f: {  	[tilespmem:s20], [sflag:$0x1] =	stream.indirect.gather [hbm4b:s1+s13], $0x1, s4, s13, $0xb8;
	[tilespmem:$0xF000] =	vst v63  }
0x20: {  	_ =	swait.ge [sflag:s15], $0x80  }
0x21: {  	[sflag:s15] =	ssyncset.done $0x0  }
0x22: {  	s21 =	simm.s32 $0x280;
	[sflag:s15] =	ssyncadd.s32 $0xFFFFFF80  }
0x23: {  	[tilespmem:s21], [sflag:$0x1] =	stream.indirect.gather [hbm4b:s1+s13], $0x1, s13, s13, $0xb8;
	[tilespmem:$0xF000] =	vst v63  }
0x24: {  	_ =	swait.ge [sflag:s15], $0x80  }
0x25: {  	[sflag:s15] =	ssyncset.done $0x0  }
0x26: {  	[sflag:s15] =	ssyncadd.s32 $0xFFFFFF80  }
0x27: {  	v4 =	vld [tilespmem:$0x0]  }
0x28: {  	v5 =	vld [tilespmem:$0x10]  }
0x29: {  	v6 =	vld [tilespmem:$0x20]  }
0x2a: {  	v7 =	vld [tilespmem:$0x30]  }
0x2b: {  	v8 =	vld [tilespmem:$0x40]  }
0x2c: {  	v9 =	vld [tilespmem:$0x50];
	v4 =	vadd.s32 $0x1, v4  }
0x2d: {  	[tilespmem:$0x100] =	vst v4;
	v4 =	vadd.s32 $0x1, v5;
	v5 =	vld [tilespmem:$0x60]  }
0x2e: {  	[tilespmem:$0x110] =	vst v4;
	v4 =	vadd.s32 $0x1, v6;
	v6 =	vld [tilespmem:$0x70]  }
0x2f: {  	[tilespmem:$0x120] =	vst v4;
	v4 =	vadd.s32 $0x1, v7  }
0x30: {  	[tilespmem:$0x130] =	vst v4;
	v4 =	vadd.s32 $0x1, v8  }
0x31: {  	[tilespmem:$0x140] =	vst v4;
	v4 =	vadd.s32 $0x1, v9  }
0x32: {  	[tilespmem:$0x150] =	vst v4;
	v4 =	vadd.s32 $0x1, v5  }
0x33: {  	[tilespmem:$0x160] =	vst v4;
	v4 =	vadd.s32 $0x1, v6  }
0x34: {  	s24 =	simm.s32 $0x100;
	s3 =	simm.s32 $0x200;
	[tilespmem:$0x170] =	vst v4  }
0x35: {  	[tilespmem:s3], [sflag:$0x1] =	stream.indirect.gather [hbm4b:s1+s13], $0x1, s24, s13, $0xb8;
	[tilespmem:$0xF000] =	vst v63  }
0x36: {  	_ =	swait.ge [sflag:s15], $0x80  }
0x37: {  	[sflag:s15] =	ssyncset.done $0x0  }
0x38: {  	[sflag:s15] =	ssyncadd.s32 $0xFFFFFF80  }
0x39: {  	v4 =	vld [tilespmem:$0x80]  }
0x3a: {  	v5 =	vld [tilespmem:$0x90]  }
0x3b: {  	v6 =	vld [tilespmem:$0xA0]  }
0x3c: {  	v7 =	vld [tilespmem:$0xB0]  }
0x3d: {  	v62 =	vld [tilespmem:$0xC0]  }
0x3e: {  	v63 =	vld [tilespmem:$0xD0];
	v4 =	vadd.s32 $0x1, v4  }
0x3f: {  	[tilespmem:$0x100] =	vst v4;
	v4 =	vadd.s32 $0x1, v5;
	v5 =	vld [tilespmem:$0xE0]  }
0x40: {  	[tilespmem:$0x110] =	vst v4;
	v4 =	vadd.s32 $0x1, v6;
	v6 =	vld [tilespmem:$0xF0]  }
0x41: {  	[tilespmem:$0x120] =	vst v4;
	v4 =	vadd.s32 $0x1, v7  }
0x42: {  	[tilespmem:$0x130] =	vst v4;
	v4 =	vadd.s32 $0x1, v62  }
0x43: {  	[tilespmem:$0x140] =	vst v4;
	v4 =	vadd.s32 $0x1, v63  }
0x44: {  	[tilespmem:$0x150] =	vst v4;
	v4 =	vadd.s32 $0x1, v5  }
0x45: {  	[tilespmem:$0x160] =	vst v4;
	v4 =	vadd.s32 $0x1, v6  }
0x46: {  	s25 =	simm.s32 $0x300;
	[tilespmem:$0x170] =	vst v4  }
0x47: {  	[tilespmem:s25], [sflag:$0x1] =	stream.indirect.gather [hbm4b:s1+s13], $0x1, s24, s13, $0xb8;
	[tilespmem:$0xF000] =	vst v63  }
0x48: {  	_ =	swait.ge [sflag:s15], $0x80  }
0x49: {  	[sflag:s15] =	ssyncset.done $0x0  }
0x4a: {  	[sflag:s15] =	ssyncadd.s32 $0xFFFFFF80  }
0x4b: {  	s26 =	rddreg [dreg:$0x2]  }
0x4c: {  	[tilespmem:s7], [sflag:$0x1] =	stream.indirect.gather [hbm4b:s26+s13], $0x80, s4, s13, $0xb8;
	[tilespmem:$0xF000] =	vst v63  }
0x4d: {  	s28 =	simm.s32 $0xAB00  }
0x4e: {  	[tilespmem:s28], [sflag:$0x2] =	stream.indirect.gather [hbm4b:s26+s13], $0x80, s13, s13, $0xb8;
	[tilespmem:$0xF000] =	vst v63  }
0x4f: {  	_ =	swait.ge [sflag:s15], $0x4000  }
0x50: {  	[sflag:s15] =	ssyncset.done $0x0  }
0x51: {  	[sflag:s15] =	ssyncadd.s32 $0xFFFFC000  }
0x52: {  	_ =	swait.ge [sflag:s22], $0x4000  }
0x53: {  	[sflag:s22] =	ssyncset.done $0x0  }
0x54: {  	s2 =	simm.s32 $0x0;
	[sflag:s22] =	ssyncadd.s32 $0xFFFFC000  }
0x55: {  	s3 =	simm.s32 $0x40;
	v4 =	vld [tilespmem:s2+$0xAB00]  }
.LBB2_2:
0x56: {  	p0 =	sne.s32 s3, $0xFFC0;
	v5 =	vld [tilespmem:s2+$0x6B00];
	_ =	sdelay $0x2  }
.Ltmp2:
0x57: {  	(pc) =	sbr.rel @p0 .LBB2_2-.Ltmp2, $4  }
0x58: {  	_ = 	snop  }
0x59: {  	v5 =	vmul.f32 v4, v5  }
0x5a: {  	s16 =	sshra.s32 s3, $0x2  }
0x5b: {  	s3 =	sadd.s32 $0x40, s3;
	v4 =	vld [tilespmem:s16+$0xAB00];
	[tilespmem:s2+$0x6B00] =	vst v5;
	s2 =	smov.u32 s16  }
0x5c: {  	v5 =	vld [tilespmem:s2+$0x6B00];
	_ =	sdelay $0x4  }
0x5d: {  	v4 =	vmul.f32 v4, v5;
	_ =	sdelay $0x1  }
0x5e: {  	s3 =	rddreg [dreg:$0x6];
	[tilespmem:s2+$0x6B00] =	vst v4;
	s2 =	simm.s32 $0x0  }
0x5f: {  	[hbm4b:s3+s2] =	stream.linear.scatter [tilespmem:s7], [sflag:$0x4], $0x4000, $0x38;
	[tilespmem:$0xF000] =	vst v63  }
0x60: {  	_ =	swait.ge [sflag:s12], $0x4000  }
0x61: {  	[sflag:s12] =	ssyncset.done $0x0  }
0x62: {  	[sflag:s12] =	ssyncadd.s32 $0xFFFFC000  }
0x63: {  	[tilespmem:$0xEB80] =	vst v0  }
0x64: {  	[tilespmem:$0xEB90] =	vst v0  }
0x65: {  	[tilespmem:$0xEBA0] =	vst v0  }
0x66: {  	[tilespmem:$0xEBB0] =	vst v0  }
0x67: {  	[tilespmem:$0xEBC0] =	vst v0  }
0x68: {  	[tilespmem:$0xEBD0] =	vst v0  }
0x69: {  	[tilespmem:$0xEBE0] =	vst v0  }
0x6a: {  	[tilespmem:$0xEBF0] =	vst v0  }
0x6b: {  	[tilespmem:$0xEC00] =	vst v0  }
0x6c: {  	[tilespmem:$0xEC10] =	vst v0  }
0x6d: {  	[tilespmem:$0xEC20] =	vst v0  }
0x6e: {  	[tilespmem:$0xEC30] =	vst v0  }
0x6f: {  	[tilespmem:$0xEC40] =	vst v0  }
0x70: {  	[tilespmem:$0xEC50] =	vst v0  }
0x71: {  	[tilespmem:$0xEC60] =	vst v0  }
0x72: {  	[tilespmem:$0xEC70] =	vst v0  }
0x73: {  	[tilespmem:$0xEC80] =	vst v0  }
0x74: {  	[tilespmem:$0xEC90] =	vst v0  }
0x75: {  	[tilespmem:$0xECA0] =	vst v0  }
0x76: {  	[tilespmem:$0xECB0] =	vst v0  }
0x77: {  	[tilespmem:$0xECC0] =	vst v0  }
0x78: {  	[tilespmem:$0xECD0] =	vst v0  }
0x79: {  	[tilespmem:$0xECE0] =	vst v0  }
0x7a: {  	s16 =	simm.s32 $0x0;
	s3 =	simm.s32 $0x40;
	[tilespmem:$0xECF0] =	vst v0  }
.LBB2_4:
0x7b: {  	p0 =	sne.s32 s3, $0x9C40;
	[tilespmem:s16+$0x380] =	vst v0;
	s16 =	smov.u32 s3;
	s3 =	sadd.s32 $0x40, s3  }
.Ltmp3:
0x7c: {  	(pc) =	sbr.rel @p0 .LBB2_4-.Ltmp3, $2  }
0x7d: {  	_ =	sdelay $0x2  }
0x7e: {  	s16 =	sshra.s32 s16, $0x2  }
0x7f: {  	s3 =	sand.u32 $0xFE00, s2  }
0x80: {  	s17 =	sand.u32 $0x70, s2;
	s18 =	sshrl.u32 s3, $0x2  }
0x81: {  	[tilespmem:s16+$0x380] =	vst v0;
	s3 =	simm.s32 $0x40;
	s16 =	sor.u32 s17, s18  }
.LBB2_6:
0x82: {  	p0 =	sne.s32 s3, $0xFFC0  }
0x83: {  	[tilespmem:s16+$0x2B00] =	vst v1;
	s2 =	sadd.s32 $0x10, s2;
	s16 =	smov.u32 s3;
	s3 =	sadd.s32 $0x40, s3  }
.Ltmp4:
0x84: {  	(pc) =	sbr.rel @p0 .LBB2_6-.Ltmp4, $4  }
0x85: {  	_ = 	snop  }
0x86: {  	s16 =	sand.u32 $0xFE00, s16  }
0x87: {  	s17 =	sand.u32 $0x70, s2;
	s16 =	sshrl.u32 s16, $0x2  }
0x88: {  	s16 =	sor.u32 s17, s16  }
0x89: {  	[tilespmem:s16+$0x2B00] =	vst v1  }
0x8a: {  	v4 =	vld [tilespmem:$0x280]  }
0x8b: {  	v5 =	vld [tilespmem:$0x300]  }
0x8c: {  	v6 =	vld [tilespmem:$0x180]  }
0x8d: {  	v7 =	vld [tilespmem:$0x200];
	_ =	sdelay $0x1  }
0x8e: {  	v4 =	vnsel vm0, $0x0, v4  }
0x8f: {  	(xrf0) =	vadd.scan.msk.s32 $0xffff, v4;
	v4 =	vnsel vm0, $0x0, v5  }
0x90: {  	(xrf0) =	vadd.scan.msk.s32 $0xffff, v4;
	v4 =	vnsel vm0, $0x0, v6  }
0x91: {  	(xrf0) =	vadd.scan.msk.s32 $0xffff, v4;
	v4 =	vnsel vm0, $0x0, v7  }
0x92: {  	(xrf0) =	vadd.scan.msk.s32 $0xffff, v4;
	_ =	sdelay $0x2  }
0x93: {  	v4, _, _ =	vpop (xrf0)  }
0x94: {  	v5, _, _ =	vpop (xrf0);
	(v2sf) =	vpush v4, $0xF  }
0x95: {  	v4, _, _ =	vpop (xrf0);
	(v2sf) =	vpush v5, $0xF  }
0x96: {  	(v2sf) =	vpush v4, $0xF;
	v4, _, _ =	vpop (xrf0)  }
0x97: {  	(v2sf) =	vpush v4, $0xF;
	_ =	sdelay $0xb  }
0x98: {  	s2 =	spop (v2sf)  }
0x99: {  	s26 =	spop (v2sf)  }
0x9a: {  	s3 =	spop (v2sf)  }
0x9b: {  	s17 =	spop (v2sf)  }
0x9c: {  	s18 =	sadd.s32 $0x0, s3;
	s17 =	sadd.s32 $0xFFFFFFFF, s17  }
0x9d: {  	s28 =	sadd.s32 $0x0, s2;
	s16 =	sadd.s32 $0xFFFFFFFF, s26;
	v6 =	vadd.s32 s18, v2;
	v4 =	vmov s17  }
0x9e: {  	v7 =	vadd.s32 s28, v2;
	v5 =	vmov s16;
	vm1 =	vlt.s32 v6, v4  }
0x9f: {  	vm2 =	vlt.s32 v7, v5;
	v8 =	vsel vm1, v6, v4  }
0xa0: {  	v6 =	vsel vm2, v7, v5;
	vm2 =	vgt.s32 v8, $0x0  }
0xa1: {  	s16 =	simm.s32 $0xEC40;
	s18 =	simm.s32 $0x10;
	vm1 =	vgt.s32 v6, $0x0;
	v7 =	vnsel vm2, $0x0, v8  }
.LBB2_8:
0xa2: {  	s17 =	sadd.s32 s18, s3  }
0xa3: {  	p0 =	sne.s32 s18, $0x50;
	v6 =	vnsel vm1, $0x0, v6;
	[tilespmem:s16+$0x0] =	vst v7;
	s19 =	smov.u32 s18;
	s18 =	sadd.s32 $0x10, s18  }
.Ltmp5:
0xa4: {  	s19 =	sadd.s32 s19, s2;
	v7 =	vadd.s32 s17, v2;
	[tilespmem:s16+$0xFFFFFF40] =	vst v6;
	(pc) =	sbr.rel @p0 .LBB2_8-.Ltmp5, $4  }
0xa5: {  	v6 =	vadd.s32 s19, v2;
	vm1 =	vlt.s32 v7, v4  }
0xa6: {  	vm2 =	vlt.s32 v6, v5;
	v7 =	vsel vm1, v7, v4  }
0xa7: {  	v6 =	vsel vm2, v6, v5;
	vm2 =	vgt.s32 v7, $0x0  }
0xa8: {  	s16 =	sadd.s32 $0x10, s16;
	vm1 =	vgt.s32 v6, $0x0;
	v7 =	vnsel vm2, $0x0, v7  }
.Ltmp6:
0xa9: {  	v4 =	vnsel vm1, $0x0, v6;
	[tilespmem:s16+$0x0] =	vst v7;
	(pc) =	sbr.rel .LBB2_10-.Ltmp6, $4  }
0xaa: {  	s2 =	simm.s32 $0xEB80;
	s3 =	simm.s32 $0xED00;
	[tilespmem:s16+$0xFFFFFF40] =	vst v4  }
0xab: {  	[tilespmem:s3], [sflag:$0x3] =	stream.indirect.gather [hbm4b:s5+s23], $0x1, s2, s23, $0xb8;
	[tilespmem:$0xF000] =	vst v63  }
0xac: {  	s26 =	simm.s32 $0xEC40;
	s28 =	simm.s32 $0xEE00;
	s2 =	simm.s32 $0x0  }
0xad: {  	[tilespmem:s28], [sflag:$0x3] =	stream.indirect.gather [hbm4b:s5+s23], $0x1, s26, s23, $0xb8;
	[tilespmem:$0xF000] =	vst v63  }
.LBB2_34:
0xae: {  	p0 =	sne.s32 s16, $0x80  }
.Ltmp7:
0xaf: {  	_ = 	snop;
	(pc) =	sbr.rel @!p0 .LBB2_35-.Ltmp7, $2  }
0xb0: {  	_ =	sdelay $0x2  }
0xb1: {  	s2 =	smov.u32 s16  }
.LBB2_10:
0xb2: {  	_ =	swait.ge [sflag:s29], $0x60;
	p0 =	seq.s32 s2, $0x7F  }
.Ltmp8:
0xb3: {  	[sflag:s29] =	ssyncset.done $0x0;
	(pc) =	sbr.rel @p0 .LBB2_14-.Ltmp8, $4  }
0xb4: {  	[sflag:s29] =	ssyncadd.s32 $0xFFFFFFA0  }
0xb5: {  	_ =	swait.ge [sflag:s29], $0x60  }
0xb6: {  	[sflag:s29] =	ssyncset.done $0x0  }
0xb7: {  	s16 =	sadd.s32 $0x1, s2;
	[sflag:s29] =	ssyncadd.s32 $0xFFFFFFA0  }
0xb8: {  	s3 =	sand.u32 $0xF0, s16  }
0xb9: {  	v4 =	vld [tilespmem:s3+$0x280]  }
0xba: {  	v5 =	vld [tilespmem:s3+$0x300]  }
0xbb: {  	s17 =	sand.u32 $0xF, s16;
	v6 =	vld [tilespmem:s3+$0x180]  }
0xbc: {  	v7 =	vmov s17;
	v8 =	vld [tilespmem:s3+$0x200]  }
0xbd: {  	vm1 =	veq.s32 v7, v2  }
0xbe: {  	v4 =	vnsel vm1, $0x0, v4  }
0xbf: {  	(xrf0) =	vadd.scan.msk.s32 $0xffff, v4;
	v4 =	vnsel vm1, $0x0, v5  }
0xc0: {  	(xrf0) =	vadd.scan.msk.s32 $0xffff, v4;
	v4 =	vnsel vm1, $0x0, v6  }
0xc1: {  	(xrf0) =	vadd.scan.msk.s32 $0xffff, v4;
	v4 =	vnsel vm1, $0x0, v8  }
0xc2: {  	(xrf0) =	vadd.scan.msk.s32 $0xffff, v4;
	_ =	sdelay $0x2  }
0xc3: {  	v4, _, _ =	vpop (xrf0)  }
0xc4: {  	v5, _, _ =	vpop (xrf0);
	(v2sf) =	vpush v4, $0xF  }
0xc5: {  	v4, _, _ =	vpop (xrf0);
	(v2sf) =	vpush v5, $0xF  }
0xc6: {  	(v2sf) =	vpush v4, $0xF;
	v4, _, _ =	vpop (xrf0)  }
0xc7: {  	(v2sf) =	vpush v4, $0xF;
	_ =	sdelay $0xb  }
0xc8: {  	s3 =	spop (v2sf)  }
0xc9: {  	s28 =	spop (v2sf)  }
0xca: {  	s18 =	spop (v2sf)  }
0xcb: {  	s19 =	spop (v2sf)  }
0xcc: {  	s21 =	sadd.s32 $0x0, s18;
	s19 =	sadd.s32 $0xFFFFFFFF, s19  }
0xcd: {  	s24 =	sand.u32 $0x1, s16;
	s25 =	sadd.s32 $0x0, s3;
	s17 =	sadd.s32 $0xFFFFFFFF, s28;
	v6 =	vadd.s32 s21, v2;
	v4 =	vmov s19  }
0xce: {  	p0 =	seq.s32 s24, $0x1;
	v7 =	vadd.s32 s25, v2;
	v5 =	vmov s17;
	s19 =	simm.s32 $0x60;
	vm1 =	vlt.s32 v6, v4  }
0xcf: {  	vm2 =	vlt.s32 v7, v5;
	s19 =	simm.s32 @!p0 $0x0;
	v8 =	vsel vm1, v6, v4  }
0xd0: {  	s21 =	sadd.s32 $0xEC40, s19;
	v6 =	vsel vm2, v7, v5;
	vm2 =	vgt.s32 v8, $0x0  }
0xd1: {  	s26 =	simm.s32 $0x10;
	s24 =	sor.u32 $0xEB80, s19;
	vm1 =	vgt.s32 v6, $0x0;
	s25 =	smov.u32 s21;
	v7 =	vnsel vm2, $0x0, v8  }
.LBB2_12:
0xd2: {  	s17 =	sadd.s32 s26, s18  }
0xd3: {  	p0 =	sne.s32 s26, $0x50;
	v6 =	vnsel vm1, $0x0, v6;
	[tilespmem:s25+$0x0] =	vst v7;
	s28 =	smov.u32 s26;
	s26 =	sadd.s32 $0x10, s26  }
.Ltmp9:
0xd4: {  	s28 =	sadd.s32 s28, s3;
	v7 =	vadd.s32 s17, v2;
	[tilespmem:s25+$0xFFFFFF40] =	vst v6;
	(pc) =	sbr.rel @p0 .LBB2_12-.Ltmp9, $4  }
0xd5: {  	v6 =	vadd.s32 s28, v2;
	vm1 =	vlt.s32 v7, v4  }
0xd6: {  	vm2 =	vlt.s32 v6, v5;
	v7 =	vsel vm1, v7, v4  }
0xd7: {  	v6 =	vsel vm2, v6, v5;
	vm2 =	vgt.s32 v7, $0x0  }
0xd8: {  	s25 =	sadd.s32 $0x10, s25;
	vm1 =	vgt.s32 v6, $0x0;
	v7 =	vnsel vm2, $0x0, v7  }
0xd9: {  	v4 =	vnsel vm1, $0x0, v6;
	[tilespmem:s25+$0x0] =	vst v7  }
0xda: {  	s3 =	sor.u32 $0xED00, s19;
	[tilespmem:s25+$0xFFFFFF40] =	vst v4  }
0xdb: {  	[tilespmem:s3], [sflag:$0x3] =	stream.indirect.gather [hbm4b:s5+s23], $0x1, s24, s23, $0xb8;
	[tilespmem:$0xF000] =	vst v63  }
0xdc: {  	s28 =	sor.u32 $0xEE00, s19  }
0xdd: {  	[tilespmem:s28], [sflag:$0x3] =	stream.indirect.gather [hbm4b:s5+s23], $0x1, s21, s23, $0xb8;
	[tilespmem:$0xF000] =	vst v63  }
.LBB2_14:
0xde: {  	s3 =	sand.u32 $0x70, s2  }
0xdf: {  	v4 =	vld [tilespmem:s3+$0x280];
	_ =	sdelay $0x1  }
0xe0: {  	s17 =	sand.u32 $0xF, s2  }
0xe1: {  	v5 =	vmov s17  }
0xe2: {  	vm5 =	veq.s32 v5, v2  }
0xe3: {  	v4 =	vnsel vm5, $0x0, v4  }
0xe4: {  	(xrf0) =	vadd.scan.msk.s32 $0xffff, v4  }
0xe5: {  	v4 =	vld [tilespmem:s3+$0x300];
	_ =	sdelay $0x4  }
0xe6: {  	v4 =	vnsel vm5, $0x0, v4;
	v5, _, _ =	vpop (xrf0)  }
0xe7: {  	(xrf0) =	vadd.scan.msk.s32 $0xffff, v4;
	(v2sf) =	vpush v5, $0xF;
	_ =	sdelay $0x3  }
0xe8: {  	s8 =	sand.u32 $0x1, s2  }
0xe9: {  	s21 =	simm.s32 $0x60;
	p0 =	seq.s32 s8, $0x1  }
0xea: {  	s21 =	simm.s32 @!p0 $0x0;
	v5 =	vbroadcast v5, $0xF;
	v6, _, _ =	vpop (xrf0)  }
0xeb: {  	v7 =	vld [tilespmem:s21+$0xED00];
	v4 =	vbroadcast v6, $0xF  }
0xec: {  	v5 =	vadd.s32 v2, v5  }
0xed: {  	vm1 =	vlt.s32 v5, v4;
	_ =	sdelay $0x4  }
0xee: {  	v8 =	vld [tilespmem:s3+$0x200]  }
0xef: {  	v5 =	vld [tilespmem:s3+$0x180];
	[tilespmem:v7+s30+$0x0] =	vst.idx.msk vm1, v3;
	s9 =	spop (v2sf)  }
0xf0: {  	v7 =	vld [tilespmem:s21+$0xED10];
	s19 =	sadd.s32 $0x10, s9  }
0xf1: {  	v9 =	vadd.s32 s19, v2  }
0xf2: {  	vm2 =	vlt.s32 v9, v4;
	_ =	sdelay $0x5  }
0xf3: {  	[tilespmem:v7+s30+$0x0] =	vst.idx.msk vm2, v3  }
0xf4: {  	s20 =	sadd.s32 $0x20, s9;
	v7 =	vld [tilespmem:s21+$0xED20]  }
0xf5: {  	v62 =	vadd.s32 s20, v2  }
0xf6: {  	vm3 =	vlt.s32 v62, v4;
	_ =	sdelay $0x5  }
0xf7: {  	[tilespmem:v7+s30+$0x0] =	vst.idx.msk vm3, v3  }
0xf8: {  	s24 =	sadd.s32 $0x30, s9;
	v7 =	vld [tilespmem:s21+$0xED30]  }
0xf9: {  	v63 =	vadd.s32 s24, v2  }
0xfa: {  	v5 =	vnsel vm5, $0x0, v5;
	vm4 =	vlt.s32 v63, v4  }
0xfb: {  	(xrf0) =	vadd.scan.msk.s32 $0xffff, v5;
	v5 =	vnsel vm5, $0x0, v8  }
0xfc: {  	(xrf0) =	vadd.scan.msk.s32 $0xffff, v5  }
0xfd: {  	(v2sf) =	vpush v6, $0xF;
	_ =	sdelay $0x2  }
0xfe: {  	[tilespmem:v7+s30+$0x0] =	vst.idx.msk vm4, v3  }
0xff: {  	s25 =	sadd.s32 $0x40, s9;
	v5, _, _ =	vpop (xrf0);
	v7 =	vld [tilespmem:s21+$0xED40]  }
0x100: {  	v8 =	vadd.s32 s25, v2;
	(v2sf) =	vpush v5, $0xF;
	v6, _, _ =	vpop (xrf0)  }
0x101: {  	vm5 =	vlt.s32 v8, v4;
	(v2sf) =	vpush v6, $0xF;
	_ =	sdelay $0x5  }
0x102: {  	[tilespmem:v7+s30+$0x0] =	vst.idx.msk vm5, v3  }
0x103: {  	s26 =	sadd.s32 $0x50, s9;
	v5 =	vld [tilespmem:s21+$0xED50]  }
0x104: {  	v7 =	vadd.s32 s26, v2  }
0x105: {  	s19 =	sadd.s32 $0x60, s9;
	s18 =	spop (v2sf);
	vm6 =	vlt.s32 v7, v4  }
0x106: {  	p0 =	sge.s32 s19, s18  }
.Ltmp10:
0x107: {  	_ = 	snop;
	(pc) =	sbr.rel @p0 .LBB2_17-.Ltmp10, $3  }
0x108: {  	_ =	sdelay $0x1  }
0x109: {  	s28 =	sadd.s32 $0xFFFFFFFF, s18;
	s26 =	spop (v2sf)  }
0x10a: {  	s24 =	spop (v2sf);
	[tilespmem:v5+s30+$0x0] =	vst.idx.msk vm6, v3;
	v5 =	vmov s28  }
0x10b: {  	s3 =	smov.u32 s19  }
.LBB2_16:
0x10c: {  	v7 =	vadd.s32 s3, v2;
	s17 =	sadd.s32 $0x10, s3  }
0x10d: {  	s9 =	sadd.s32 $0x20, s3;
	vm7 =	vlt.s32 v7, v5;
	v8 =	vadd.s32 s17, v2  }
0x10e: {  	s20 =	sadd.s32 $0x30, s3;
	v10 =	vadd.s32 s9, v2;
	v9 =	vsel vm7, v7, v5;
	vm7 =	vlt.s32 v8, v5  }
0x10f: {  	s25 =	sadd.s32 $0x40, s3;
	v13 =	vadd.s32 s20, v2;
	v11 =	vsel vm7, v8, v5;
	vm7 =	vlt.s32 v10, v5  }
0x110: {  	s28 =	sadd.s32 $0x50, s3;
	v14 =	vadd.s32 s25, v2;
	vm8 =	vgt.s32 v9, $0x0;
	v12 =	vsel vm7, v10, v5  }
0x111: {  	v15 =	vadd.s32 s28, v2;
	v9 =	vnsel vm8, $0x0, v9;
	vm7 =	vgt.s32 v12, $0x0  }
0x112: {  	vm8 =	vgt.s32 v11, $0x0;
	v12 =	vnsel vm7, $0x0, v12;
	vm7 =	vlt.s32 v13, v5  }
0x113: {  	v11 =	vnsel vm8, $0x0, v11;
	[tilespmem:$0xEF00] =	vst v9;
	v58 =	vsel vm7, v13, v5;
	vm7 =	vlt.s32 v14, v5  }
0x114: {  	[tilespmem:$0xEF10] =	vst v11;
	vm8 =	vgt.s32 v58, $0x0;
	v59 =	vsel vm7, v14, v5;
	vm7 =	vlt.s32 v15, v5  }
0x115: {  	[tilespmem:$0xEF20] =	vst v12;
	v9 =	vnsel vm8, $0x0, v58;
	v60 =	vsel vm7, v15, v5;
	vm7 =	vgt.s32 v59, $0x0  }
0x116: {  	[tilespmem:$0xEF30] =	vst v9;
	v61 =	vnsel vm7, $0x0, v59;
	vm7 =	vgt.s32 v60, $0x0  }
0x117: {  	[tilespmem:$0xEF40] =	vst v61;
	v62 =	vnsel vm7, $0x0, v60  }
0x118: {  	[tilespmem:$0xEF50] =	vst v62  }
0x119: {  	[tilespmem:s0], [sflag:$0x1] =	stream.indirect.gather [hbm4b:s5+s23], $0x1, s31, s23, $0xb8;
	[tilespmem:$0xF000] =	vst v63  }
0x11a: {  	_ =	swait.ge [sflag:s15], $0x60  }
0x11b: {  	[sflag:s15] =	ssyncset.done $0x0  }
0x11c: {  	[sflag:s15] =	ssyncadd.s32 $0xFFFFFFA0  }
0x11d: {  	v63 =	vld [tilespmem:$0xEF80];
	_ =	sdelay $0x1  }
0x11e: {  	vm7 =	vlt.s32 v7, v4;
	_ =	sdelay $0x5  }
0x11f: {  	[tilespmem:v63+s30+$0x0] =	vst.idx.msk vm7, v3  }
0x120: {  	v7 =	vld [tilespmem:$0xEF90];
	_ =	sdelay $0x1  }
0x121: {  	vm7 =	vlt.s32 v8, v4;
	_ =	sdelay $0x5  }
0x122: {  	[tilespmem:v7+s30+$0x0] =	vst.idx.msk vm7, v3  }
0x123: {  	v7 =	vld [tilespmem:$0xEFA0];
	_ =	sdelay $0x1  }
0x124: {  	vm7 =	vlt.s32 v10, v4;
	_ =	sdelay $0x5  }
0x125: {  	[tilespmem:v7+s30+$0x0] =	vst.idx.msk vm7, v3  }
0x126: {  	v7 =	vld [tilespmem:$0xEFB0];
	_ =	sdelay $0x1  }
0x127: {  	vm7 =	vlt.s32 v13, v4;
	_ =	sdelay $0x5  }
0x128: {  	[tilespmem:v7+s30+$0x0] =	vst.idx.msk vm7, v3  }
0x129: {  	v7 =	vld [tilespmem:$0xEFC0];
	_ =	sdelay $0x1  }
0x12a: {  	vm7 =	vlt.s32 v14, v4;
	_ =	sdelay $0x5  }
0x12b: {  	[tilespmem:v7+s30+$0x0] =	vst.idx.msk vm7, v3  }
0x12c: {  	v7 =	vld [tilespmem:$0xEFD0];
	_ =	sdelay $0x1  }
0x12d: {  	s3 =	sadd.s32 $0x60, s3;
	vm7 =	vlt.s32 v15, v4  }
0x12e: {  	p1 =	slt.s32 s3, s18  }
.Ltmp11:
0x12f: {  	_ = 	snop;
	(pc) =	sbr.rel @p1 .LBB2_16-.Ltmp11, $2  }
0x130: {  	_ =	sdelay $0x2  }
0x131: {  	[tilespmem:v7+s30+$0x0] =	vst.idx.msk vm7, v3  }
.LBB2_17:
.Ltmp12:
0x132: {  	(pc) =	sbr.rel .LBB2_18-.Ltmp12, $3  }
0x133: {  	_ =	sdelay $0x1  }
0x134: {  	s3 =	sor.u32 $0xEE00, s21;
	s2 =	sshll.u32 s2, $0x7  }
0x135: {  	v6 =	vbroadcast v6, $0xF;
	s28 =	simm.s32 $0x0;
	s25 =	sand.u32 $0x3FFFFF80, s2;
	v7 =	vmov s3;
	s2 =	simm.s32 $0x0  }
.LBB2_22:
0x136: {  	s2 =	sadd.s32 $0x1, s2  }
0x137: {  	p1 =	sne.s32 s2, $0x6  }
.Ltmp13:
0x138: {  	_ = 	snop;
	(pc) =	sbr.rel @!p1 .LBB2_23-.Ltmp13, $1  }
0x139: {  	_ =	sdelay $0x3  }
.LBB2_18:
0x13a: {  	_ =	sdelay $0x2  }
0x13b: {  	s3 =	sshll.u32 s2, $0x4  }
0x13c: {  	v8 =	vld.idx.msk [tilespmem:v7+s3+$0x0 ss:$0x1], $0xffff;
	_ =	sdelay $0x7  }
0x13d: {  	v9 =	vld.idx.msk [tilespmem:v8+s30+$0x0], $0xffff;
	_ =	sdelay $0x1  }
0x13e: {  	s3 =	sadd.s32 s26, s3  }
0x13f: {  	v10 =	vadd.s32 s3, v2  }
0x140: {  	vm7 =	vlt.s32 v10, v6  }
0x141: {  	v9 =	vnsel vm7, $0x0, v9  }
0x142: {  	v10 =	vxor.u32 $0x80000000, v9  }
0x143: {  	(xrf0) =	vmax.scan.msk.u32 $0xffff, v10;
	_ =	sdelay $0x5  }
0x144: {  	v10, _, _ =	vpop (xrf0)  }
0x145: {  	(v2sf) =	vpush v10, $0xF;
	_ =	sdelay $0xe  }
0x146: {  	s20 =	spop (v2sf)  }
0x147: {  	p1 =	slt.u32 s20, $0x80000001  }
.Ltmp14:
0x148: {  	_ = 	snop;
	(pc) =	sbr.rel @p1 .LBB2_22-.Ltmp14, $1  }
0x149: {  	_ =	sdelay $0x3  }
0x14a: {  	v10 =	vmov s28  }
0x14b: {  	vm7 =	veq.s32 v10, v2  }
0x14c: {  	v11 =	vnsel vm7, $0x0, v9  }
0x14d: {  	(xrf0) =	vadd.scan.msk.s32 $0xffff, v11;
	_ =	sdelay $0x5  }
0x14e: {  	v11, _, _ =	vpop (xrf0)  }
0x14f: {  	(v2sf) =	vpush v11, $0xF;
	_ =	sdelay $0xe  }
0x150: {  	s3 =	spop (v2sf)  }
0x151: {  	p1 =	slt.s32 s3, $0x1  }
0x152: {  	v11 =	vlaneseq.u32 @!p1  }
0x153: {  	vm7 =	veq.s32 @!p1 v10, v11  }
0x154: {  	v10 =	vnsel @!p1 vm7, $0x0, v8  }
0x155: {  	(xrf0) =	vadd.scan.msk.s32 @!p1 $0xffff, v10;
	_ =	sdelay $0x5  }
0x156: {  	v10, _, _ =	vpop @!p1 (xrf0)  }
0x157: {  	(v2sf) =	vpush @!p1 v10, $0xF;
	_ =	sdelay $0xe  }
0x158: {  	s3 =	spop @!p1 (v2sf)  }
0x159: {  	s3 =	sshll.u32 @!p1 s3, $0x4  }
0x15a: {  	s17 =	simm.s32 @!p1 $0x4;
	s3 =	sand.u32 @!p1 $0x1FFFFFF0, s3  }
0x15b: {  	s20 =	simm.s32 @!p1 $0x0;
	s7 =	simm.s32 @!p1 $0xEB00;
	s3 =	sadd.s32 @!p1 s6, s3  }
0x15c: {  	[tilespmem:s7], [sflag:$0x4] =	stream.linear.gather @!p1 [hbm4b:s3+s20], $0x80, $0x38;
	[tilespmem:$0xF000] =	vst v63  }
0x15d: {  	_ =	swait.ge @!p1 [sflag:s17], $0x80;
	p1 =	por p1, p1  }
0x15e: {  	[sflag:s17] =	ssyncset.done @!p1 $0x0  }
0x15f: {  	[sflag:s17] =	ssyncadd.s32 @!p1 $0xFFFFFF80  }
0x160: {  	v10 =	vld @!p1 [tilespmem:s25+$0x2B00]  }
0x161: {  	v11 =	vld @!p1 [tilespmem:$0xEB00];
	_ =	sdelay $0x4  }
0x162: {  	v10 =	vadd.f32 @!p1 v11, v10;
	_ =	sdelay $0x1  }
0x163: {  	s17 =	simm.s32 $0x1;
	v11 =	vld @!p1 [tilespmem:s25+$0x2B10];
	[tilespmem:s25+$0x2B00] =	vst @!p1 v10  }
0x164: {  	v10 =	vmov s17;
	v12 =	vld @!p1 [tilespmem:$0xEB10]  }
0x165: {  	vm7 =	veq.s32 v10, v2  }
0x166: {  	v13 =	vnsel vm7, $0x0, v9  }
0x167: {  	(xrf0) =	vadd.scan.msk.s32 $0xffff, v13;
	_ =	sdelay $0x1  }
0x168: {  	v11 =	vadd.f32 @!p1 v12, v11;
	_ =	sdelay $0x1  }
0x169: {  	v12 =	vld @!p1 [tilespmem:s25+$0x2B20];
	[tilespmem:s25+$0x2B10] =	vst @!p1 v11  }
0x16a: {  	v11 =	vld @!p1 [tilespmem:$0xEB20]  }
0x16b: {  	v13, _, _ =	vpop (xrf0)  }
0x16c: {  	(v2sf) =	vpush v13, $0xF;
	_ =	sdelay $0x2  }
0x16d: {  	v11 =	vadd.f32 @!p1 v11, v12;
	_ =	sdelay $0x1  }
0x16e: {  	v12 =	vld @!p1 [tilespmem:s25+$0x2B30];
	[tilespmem:s25+$0x2B20] =	vst @!p1 v11  }
0x16f: {  	v11 =	vld @!p1 [tilespmem:$0xEB30];
	_ =	sdelay $0x4  }
0x170: {  	v11 =	vadd.f32 @!p1 v11, v12;
	_ =	sdelay $0x1  }
0x171: {  	v12 =	vld @!p1 [tilespmem:s25+$0x2B40];
	[tilespmem:s25+$0x2B30] =	vst @!p1 v11  }
0x172: {  	v11 =	vld @!p1 [tilespmem:$0xEB40]  }
0x173: {  	s20 =	spop (v2sf)  }
0x174: {  	p3 =	slt.s32 s20, $0x1  }
0x175: {  	v13 =	vlaneseq.u32 @!p3  }
0x176: {  	vm7 =	veq.s32 @!p3 v10, v13  }
0x177: {  	v10 =	vnsel @!p3 vm7, $0x0, v8;
	v11 =	vadd.f32 @!p1 v11, v12  }
0x178: {  	(xrf0) =	vadd.scan.msk.s32 @!p3 $0xffff, v10  }
0x179: {  	v10 =	vld @!p1 [tilespmem:s25+$0x2B50];
	[tilespmem:s25+$0x2B40] =	vst @!p1 v11  }
0x17a: {  	v11 =	vld @!p1 [tilespmem:$0xEB50];
	_ =	sdelay $0x3  }
0x17b: {  	v12, _, _ =	vpop @!p3 (xrf0)  }
0x17c: {  	(v2sf) =	vpush @!p3 v12, $0xF;
	v10 =	vadd.f32 @!p1 v11, v10;
	_ =	sdelay $0x1  }
0x17d: {  	v11 =	vld @!p1 [tilespmem:s25+$0x2B60];
	[tilespmem:s25+$0x2B50] =	vst @!p1 v10  }
0x17e: {  	v10 =	vld @!p1 [tilespmem:$0xEB60];
	_ =	sdelay $0x4  }
0x17f: {  	v10 =	vadd.f32 @!p1 v10, v11;
	_ =	sdelay $0x1  }
0x180: {  	v11 =	vld @!p1 [tilespmem:s25+$0x2B70];
	[tilespmem:s25+$0x2B60] =	vst @!p1 v10  }
0x181: {  	v10 =	vld @!p1 [tilespmem:$0xEB70];
	_ =	sdelay $0x3  }
0x182: {  	s7 =	spop @!p3 (v2sf)  }
0x183: {  	s3 =	simm.s32 $0x2;
	s17 =	sshll.u32 @!p3 s7, $0x4;
	v10 =	vadd.f32 @!p1 v10, v11  }
.LBB2_20:
0x184: {  	s7 =	sand.u32 @!p3 $0x1FFFFFF0, s17  }
0x185: {  	s17 =	simm.s32 @!p3 $0x4;
	s20 =	smov.u32 s3;
	s3 =	sadd.s32 $0x1, s3  }
0x186: {  	s8 =	simm.s32 @!p3 $0x0;
	s9 =	simm.s32 @!p3 $0xEB00;
	s7 =	sadd.s32 @!p3 s6, s7;
	[tilespmem:s25+$0x2B70] =	vst @!p1 v10  }
0x187: {  	[tilespmem:s9], [sflag:$0x4] =	stream.linear.gather @!p3 [hbm4b:s7+s8], $0x80, $0x38;
	[tilespmem:$0xF000] =	vst v63  }
0x188: {  	p2 =	sne.s32 s3, $0x10;
	p1 =	por p3, p3;
	_ =	swait.ge @!p3 [sflag:s17], $0x80  }
0x189: {  	[sflag:s17] =	ssyncset.done @!p1 $0x0  }
0x18a: {  	[sflag:s17] =	ssyncadd.s32 @!p1 $0xFFFFFF80  }
0x18b: {  	v10 =	vld @!p1 [tilespmem:s25+$0x2B00]  }
0x18c: {  	v11 =	vld @!p1 [tilespmem:$0xEB00]  }
0x18d: {  	v12 =	vld @!p1 [tilespmem:s25+$0x2B10]  }
0x18e: {  	v13 =	vld @!p1 [tilespmem:s25+$0x2B20]  }
0x18f: {  	v14 =	vld @!p1 [tilespmem:s25+$0x2B30]  }
0x190: {  	v15 =	vld @!p1 [tilespmem:s25+$0x2B40]  }
0x191: {  	v10 =	vadd.f32 @!p1 v11, v10;
	v11 =	vld @!p1 [tilespmem:s25+$0x2B50]  }
0x192: {  	v16 =	vld @!p1 [tilespmem:s25+$0x2B60]  }
0x193: {  	[tilespmem:s25+$0x2B00] =	vst @!p1 v10;
	v10 =	vld @!p1 [tilespmem:s25+$0x2B70]  }
0x194: {  	v17 =	vmov s20;
	v18 =	vld @!p1 [tilespmem:$0xEB10]  }
0x195: {  	vm7 =	veq.s32 v17, v2  }
0x196: {  	v19 =	vnsel vm7, $0x0, v9  }
0x197: {  	(xrf0) =	vadd.scan.msk.s32 $0xffff, v19;
	_ =	sdelay $0x1  }
0x198: {  	v12 =	vadd.f32 @!p1 v18, v12;
	_ =	sdelay $0x1  }
0x199: {  	[tilespmem:s25+$0x2B10] =	vst @!p1 v12  }
0x19a: {  	v12 =	vld @!p1 [tilespmem:$0xEB20]  }
0x19b: {  	v18, _, _ =	vpop (xrf0)  }
0x19c: {  	(v2sf) =	vpush v18, $0xF;
	_ =	sdelay $0x2  }
0x19d: {  	v12 =	vadd.f32 @!p1 v12, v13;
	_ =	sdelay $0x1  }
0x19e: {  	[tilespmem:s25+$0x2B20] =	vst @!p1 v12  }
0x19f: {  	v12 =	vld @!p1 [tilespmem:$0xEB30];
	_ =	sdelay $0x4  }
0x1a0: {  	v12 =	vadd.f32 @!p1 v12, v14;
	_ =	sdelay $0x1  }
0x1a1: {  	[tilespmem:s25+$0x2B30] =	vst @!p1 v12  }
0x1a2: {  	v12 =	vld @!p1 [tilespmem:$0xEB40]  }
0x1a3: {  	s7 =	spop (v2sf)  }
0x1a4: {  	p3 =	slt.s32 s7, $0x1  }
0x1a5: {  	v13 =	vlaneseq.u32 @!p3  }
0x1a6: {  	vm7 =	veq.s32 @!p3 v17, v13  }
0x1a7: {  	v13 =	vnsel @!p3 vm7, $0x0, v8;
	v12 =	vadd.f32 @!p1 v12, v15  }
0x1a8: {  	(xrf0) =	vadd.scan.msk.s32 @!p3 $0xffff, v13  }
0x1a9: {  	[tilespmem:s25+$0x2B40] =	vst @!p1 v12  }
0x1aa: {  	v12 =	vld @!p1 [tilespmem:$0xEB50];
	_ =	sdelay $0x3  }
0x1ab: {  	v13, _, _ =	vpop @!p3 (xrf0)  }
0x1ac: {  	(v2sf) =	vpush @!p3 v13, $0xF;
	v11 =	vadd.f32 @!p1 v12, v11;
	_ =	sdelay $0x1  }
0x1ad: {  	[tilespmem:s25+$0x2B50] =	vst @!p1 v11  }
0x1ae: {  	v11 =	vld @!p1 [tilespmem:$0xEB60];
	_ =	sdelay $0x4  }
0x1af: {  	v11 =	vadd.f32 @!p1 v11, v16;
	_ =	sdelay $0x1  }
0x1b0: {  	[tilespmem:s25+$0x2B60] =	vst @!p1 v11  }
0x1b1: {  	v11 =	vld @!p1 [tilespmem:$0xEB70]  }
.Ltmp15:
0x1b2: {  	(pc) =	sbr.rel @p2 .LBB2_20-.Ltmp15, $3  }
0x1b3: {  	_ =	sdelay $0x1  }
0x1b4: {  	s7 =	spop @!p3 (v2sf)  }
0x1b5: {  	s17 =	sshll.u32 @!p3 s7, $0x4;
	v10 =	vadd.f32 @!p1 v11, v10  }
0x1b6: {  	s3 =	sand.u32 @!p3 $0x1FFFFFF0, s17;
	s7 =	simm.s32 @!p3 $0x4  }
0x1b7: {  	s8 =	simm.s32 @!p3 $0x0;
	s9 =	simm.s32 @!p3 $0xEB00;
	s3 =	sadd.s32 @!p3 s6, s3;
	[tilespmem:s25+$0x2B70] =	vst @!p1 v10  }
0x1b8: {  	[tilespmem:s9], [sflag:$0x4] =	stream.linear.gather @!p3 [hbm4b:s3+s8], $0x80, $0x38;
	[tilespmem:$0xF000] =	vst v63  }
0x1b9: {  	p1 =	por p3, p3;
	_ =	swait.ge @!p3 [sflag:s7], $0x80  }
0x1ba: {  	[sflag:s7] =	ssyncset.done @!p1 $0x0  }
0x1bb: {  	[sflag:s7] =	ssyncadd.s32 @!p1 $0xFFFFFF80  }
0x1bc: {  	v8 =	vld @!p1 [tilespmem:s25+$0x2B00]  }
0x1bd: {  	v9 =	vld @!p1 [tilespmem:$0xEB00];
	_ =	sdelay $0x4  }
0x1be: {  	v8 =	vadd.f32 @!p1 v9, v8;
	_ =	sdelay $0x1  }
0x1bf: {  	v9 =	vld @!p1 [tilespmem:s25+$0x2B10];
	[tilespmem:s25+$0x2B00] =	vst @!p1 v8  }
0x1c0: {  	v8 =	vld @!p1 [tilespmem:$0xEB10];
	_ =	sdelay $0x4  }
0x1c1: {  	v8 =	vadd.f32 @!p1 v8, v9;
	_ =	sdelay $0x1  }
0x1c2: {  	v9 =	vld @!p1 [tilespmem:s25+$0x2B20];
	[tilespmem:s25+$0x2B10] =	vst @!p1 v8  }
0x1c3: {  	v8 =	vld @!p1 [tilespmem:$0xEB20];
	_ =	sdelay $0x4  }
0x1c4: {  	v8 =	vadd.f32 @!p1 v8, v9;
	_ =	sdelay $0x1  }
0x1c5: {  	v9 =	vld @!p1 [tilespmem:s25+$0x2B30];
	[tilespmem:s25+$0x2B20] =	vst @!p1 v8  }
0x1c6: {  	v8 =	vld @!p1 [tilespmem:$0xEB30];
	_ =	sdelay $0x4  }
0x1c7: {  	v8 =	vadd.f32 @!p1 v8, v9;
	_ =	sdelay $0x1  }
0x1c8: {  	v9 =	vld @!p1 [tilespmem:s25+$0x2B40];
	[tilespmem:s25+$0x2B30] =	vst @!p1 v8  }
0x1c9: {  	v8 =	vld @!p1 [tilespmem:$0xEB40];
	_ =	sdelay $0x4  }
0x1ca: {  	v8 =	vadd.f32 @!p1 v8, v9;
	_ =	sdelay $0x1  }
0x1cb: {  	v9 =	vld @!p1 [tilespmem:s25+$0x2B50];
	[tilespmem:s25+$0x2B40] =	vst @!p1 v8  }
0x1cc: {  	v8 =	vld @!p1 [tilespmem:$0xEB50];
	_ =	sdelay $0x4  }
0x1cd: {  	v8 =	vadd.f32 @!p1 v8, v9;
	_ =	sdelay $0x1  }
0x1ce: {  	v9 =	vld @!p1 [tilespmem:s25+$0x2B60];
	[tilespmem:s25+$0x2B50] =	vst @!p1 v8  }
0x1cf: {  	v8 =	vld @!p1 [tilespmem:$0xEB60];
	_ =	sdelay $0x4  }
0x1d0: {  	v8 =	vadd.f32 @!p1 v8, v9;
	_ =	sdelay $0x1  }
0x1d1: {  	v9 =	vld @!p1 [tilespmem:s25+$0x2B70];
	[tilespmem:s25+$0x2B60] =	vst @!p1 v8  }
0x1d2: {  	v8 =	vld @!p1 [tilespmem:$0xEB70];
	_ =	sdelay $0x2  }
.Ltmp16:
0x1d3: {  	_ = 	snop;
	(pc) =	sbr.rel .LBB2_22-.Ltmp16, $3  }
0x1d4: {  	_ = 	snop  }
0x1d5: {  	v8 =	vadd.f32 @!p1 v8, v9;
	_ =	sdelay $0x1  }
0x1d6: {  	[tilespmem:s25+$0x2B70] =	vst @!p1 v8  }
.LBB2_23:
0x1d7: {  	s26 =	sadd.s32 $0x60, s26  }
0x1d8: {  	p1 =	sge.s32 s26, s24  }
.Ltmp17:
0x1d9: {  	_ = 	snop;
	(pc) =	sbr.rel @p1 .LBB2_32-.Ltmp17, $1  }
0x1da: {  	_ =	sdelay $0x3  }
.Ltmp18:
0x1db: {  	(pc) =	sbr.rel .LBB2_25-.Ltmp18, $3  }
0x1dc: {  	_ =	sdelay $0x1  }
0x1dd: {  	s2 =	sadd.s32 $0xFFFFFFFF, s24  }
0x1de: {  	v7 =	vmov s2  }
.LBB2_31:
0x1df: {  	s26 =	sadd.s32 $0x60, s26  }
0x1e0: {  	p1 =	slt.s32 s26, s24  }
.Ltmp19:
0x1e1: {  	_ = 	snop;
	(pc) =	sbr.rel @!p1 .LBB2_32-.Ltmp19, $1  }
0x1e2: {  	_ =	sdelay $0x3  }
.LBB2_25:
0x1e3: {  	v8 =	vadd.s32 s26, v2;
	s2 =	sadd.s32 $0x10, s26  }
0x1e4: {  	s8 =	sadd.s32 $0x20, s26;
	vm7 =	vlt.s32 v8, v7;
	v9 =	vadd.s32 s2, v2  }
0x1e5: {  	s9 =	sadd.s32 $0x30, s26;
	v10 =	vadd.s32 s8, v2;
	v8 =	vsel vm7, v8, v7;
	vm7 =	vlt.s32 v9, v7  }
0x1e6: {  	s17 =	sadd.s32 $0x40, s26;
	v11 =	vadd.s32 s9, v2;
	v9 =	vsel vm7, v9, v7;
	vm7 =	vlt.s32 v10, v7  }
0x1e7: {  	s20 =	sadd.s32 $0x50, s26;
	v12 =	vadd.s32 s17, v2;
	vm8 =	vgt.s32 v8, $0x0;
	v10 =	vsel vm7, v10, v7  }
0x1e8: {  	v61 =	vadd.s32 s20, v2;
	v8 =	vnsel vm8, $0x0, v8;
	vm7 =	vgt.s32 v10, $0x0  }
0x1e9: {  	vm8 =	vgt.s32 v9, $0x0;
	v10 =	vnsel vm7, $0x0, v10;
	vm7 =	vlt.s32 v11, v7  }
0x1ea: {  	v9 =	vnsel vm8, $0x0, v9;
	[tilespmem:$0xEF00] =	vst v8;
	v8 =	vsel vm7, v11, v7;
	vm7 =	vlt.s32 v12, v7  }
0x1eb: {  	[tilespmem:$0xEF10] =	vst v9;
	vm8 =	vgt.s32 v8, $0x0;
	v62 =	vsel vm7, v12, v7;
	vm7 =	vlt.s32 v61, v7  }
0x1ec: {  	[tilespmem:$0xEF20] =	vst v10;
	v8 =	vnsel vm8, $0x0, v8;
	v63 =	vsel vm7, v61, v7;
	vm7 =	vgt.s32 v62, $0x0  }
0x1ed: {  	[tilespmem:$0xEF30] =	vst v8;
	v8 =	vnsel vm7, $0x0, v62;
	vm7 =	vgt.s32 v63, $0x0  }
0x1ee: {  	[tilespmem:$0xEF40] =	vst v8;
	v8 =	vnsel vm7, $0x0, v63  }
.Ltmp20:
0x1ef: {  	[tilespmem:$0xEF50] =	vst v8;
	(pc) =	sbr.rel .LBB2_26-.Ltmp20, $4  }
0x1f0: {  	[tilespmem:s0], [sflag:$0x1] =	stream.indirect.gather [hbm4b:s5+s23], $0x1, s31, s23, $0xb8;
	[tilespmem:$0xF000] =	vst v63  }
0x1f1: {  	_ =	swait.ge [sflag:s15], $0x60  }
0x1f2: {  	[sflag:s15] =	ssyncset.done $0x0  }
0x1f3: {  	s28 =	simm.s32 $0x0;
	s2 =	simm.s32 $0x0;
	[sflag:s15] =	ssyncadd.s32 $0xFFFFFFA0  }
.LBB2_30:
0x1f4: {  	s2 =	sadd.s32 $0x1, s2  }
0x1f5: {  	p1 =	sne.s32 s2, $0x6  }
.Ltmp21:
0x1f6: {  	_ = 	snop;
	(pc) =	sbr.rel @!p1 .LBB2_31-.Ltmp21, $1  }
0x1f7: {  	_ =	sdelay $0x3  }
.LBB2_26:
0x1f8: {  	s3 =	sshll.u32 s2, $0x4  }
0x1f9: {  	v8 =	vld [tilespmem:s3+$0xEF80];
	_ =	sdelay $0x7  }
0x1fa: {  	v9 =	vld.idx.msk [tilespmem:v8+s30+$0x0], $0xffff;
	_ =	sdelay $0x1  }
0x1fb: {  	s3 =	sadd.s32 s26, s3  }
0x1fc: {  	v10 =	vadd.s32 s3, v2  }
0x1fd: {  	vm7 =	vlt.s32 v10, v6  }
0x1fe: {  	v9 =	vnsel vm7, $0x0, v9  }
0x1ff: {  	v10 =	vxor.u32 $0x80000000, v9  }
0x200: {  	(xrf0) =	vmax.scan.msk.u32 $0xffff, v10;
	_ =	sdelay $0x5  }
0x201: {  	v10, _, _ =	vpop (xrf0)  }
0x202: {  	(v2sf) =	vpush v10, $0xF;
	_ =	sdelay $0xe  }
0x203: {  	s20 =	spop (v2sf)  }
0x204: {  	p1 =	slt.u32 s20, $0x80000001  }
.Ltmp22:
0x205: {  	_ = 	snop;
	(pc) =	sbr.rel @p1 .LBB2_30-.Ltmp22, $1  }
0x206: {  	_ =	sdelay $0x3  }
0x207: {  	v10 =	vmov s28  }
0x208: {  	vm7 =	veq.s32 v10, v2  }
0x209: {  	v11 =	vnsel vm7, $0x0, v9  }
0x20a: {  	(xrf0) =	vadd.scan.msk.s32 $0xffff, v11;
	_ =	sdelay $0x5  }
0x20b: {  	v11, _, _ =	vpop (xrf0)  }
0x20c: {  	(v2sf) =	vpush v11, $0xF;
	_ =	sdelay $0xe  }
0x20d: {  	s3 =	spop (v2sf)  }
0x20e: {  	p1 =	slt.s32 s3, $0x1  }
0x20f: {  	v11 =	vlaneseq.u32 @!p1  }
0x210: {  	vm7 =	veq.s32 @!p1 v10, v11  }
0x211: {  	v10 =	vnsel @!p1 vm7, $0x0, v8  }
0x212: {  	(xrf0) =	vadd.scan.msk.s32 @!p1 $0xffff, v10;
	_ =	sdelay $0x5  }
0x213: {  	v10, _, _ =	vpop @!p1 (xrf0)  }
0x214: {  	(v2sf) =	vpush @!p1 v10, $0xF;
	_ =	sdelay $0xe  }
0x215: {  	s3 =	spop @!p1 (v2sf)  }
0x216: {  	s3 =	sshll.u32 @!p1 s3, $0x4  }
0x217: {  	s7 =	simm.s32 @!p1 $0x4;
	s3 =	sand.u32 @!p1 $0x1FFFFFF0, s3  }
0x218: {  	s8 =	simm.s32 @!p1 $0x0;
	s9 =	simm.s32 @!p1 $0xEB00;
	s3 =	sadd.s32 @!p1 s6, s3  }
0x219: {  	[tilespmem:s9], [sflag:$0x4] =	stream.linear.gather @!p1 [hbm4b:s3+s8], $0x80, $0x38;
	[tilespmem:$0xF000] =	vst v63  }
0x21a: {  	_ =	swait.ge @!p1 [sflag:s7], $0x80;
	p1 =	por p1, p1  }
0x21b: {  	[sflag:s7] =	ssyncset.done @!p1 $0x0  }
0x21c: {  	[sflag:s7] =	ssyncadd.s32 @!p1 $0xFFFFFF80  }
0x21d: {  	v10 =	vld @!p1 [tilespmem:s25+$0x2B00]  }
0x21e: {  	v11 =	vld @!p1 [tilespmem:$0xEB00];
	_ =	sdelay $0x4  }
0x21f: {  	v10 =	vadd.f32 @!p1 v11, v10;
	_ =	sdelay $0x1  }
0x220: {  	s17 =	simm.s32 $0x1;
	v11 =	vld @!p1 [tilespmem:s25+$0x2B10];
	[tilespmem:s25+$0x2B00] =	vst @!p1 v10  }
0x221: {  	v10 =	vmov s17;
	v12 =	vld @!p1 [tilespmem:$0xEB10]  }
0x222: {  	vm7 =	veq.s32 v10, v2  }
0x223: {  	v13 =	vnsel vm7, $0x0, v9  }
0x224: {  	(xrf0) =	vadd.scan.msk.s32 $0xffff, v13;
	_ =	sdelay $0x1  }
0x225: {  	v11 =	vadd.f32 @!p1 v12, v11;
	_ =	sdelay $0x1  }
0x226: {  	v12 =	vld @!p1 [tilespmem:s25+$0x2B20];
	[tilespmem:s25+$0x2B10] =	vst @!p1 v11  }
0x227: {  	v11 =	vld @!p1 [tilespmem:$0xEB20]  }
0x228: {  	v13, _, _ =	vpop (xrf0)  }
0x229: {  	(v2sf) =	vpush v13, $0xF;
	_ =	sdelay $0x2  }
0x22a: {  	v11 =	vadd.f32 @!p1 v11, v12;
	_ =	sdelay $0x1  }
0x22b: {  	v12 =	vld @!p1 [tilespmem:s25+$0x2B30];
	[tilespmem:s25+$0x2B20] =	vst @!p1 v11  }
0x22c: {  	v11 =	vld @!p1 [tilespmem:$0xEB30];
	_ =	sdelay $0x4  }
0x22d: {  	v11 =	vadd.f32 @!p1 v11, v12;
	_ =	sdelay $0x1  }
0x22e: {  	v12 =	vld @!p1 [tilespmem:s25+$0x2B40];
	[tilespmem:s25+$0x2B30] =	vst @!p1 v11  }
0x22f: {  	v11 =	vld @!p1 [tilespmem:$0xEB40]  }
0x230: {  	s20 =	spop (v2sf)  }
0x231: {  	p3 =	slt.s32 s20, $0x1  }
0x232: {  	v13 =	vlaneseq.u32 @!p3  }
0x233: {  	vm7 =	veq.s32 @!p3 v10, v13  }
0x234: {  	v10 =	vnsel @!p3 vm7, $0x0, v8;
	v11 =	vadd.f32 @!p1 v11, v12  }
0x235: {  	(xrf0) =	vadd.scan.msk.s32 @!p3 $0xffff, v10  }
0x236: {  	v10 =	vld @!p1 [tilespmem:s25+$0x2B50];
	[tilespmem:s25+$0x2B40] =	vst @!p1 v11  }
0x237: {  	v11 =	vld @!p1 [tilespmem:$0xEB50];
	_ =	sdelay $0x3  }
0x238: {  	v12, _, _ =	vpop @!p3 (xrf0)  }
0x239: {  	(v2sf) =	vpush @!p3 v12, $0xF;
	v10 =	vadd.f32 @!p1 v11, v10;
	_ =	sdelay $0x1  }
0x23a: {  	v11 =	vld @!p1 [tilespmem:s25+$0x2B60];
	[tilespmem:s25+$0x2B50] =	vst @!p1 v10  }
0x23b: {  	v10 =	vld @!p1 [tilespmem:$0xEB60];
	_ =	sdelay $0x4  }
0x23c: {  	v10 =	vadd.f32 @!p1 v10, v11;
	_ =	sdelay $0x1  }
0x23d: {  	v11 =	vld @!p1 [tilespmem:s25+$0x2B70];
	[tilespmem:s25+$0x2B60] =	vst @!p1 v10  }
0x23e: {  	v10 =	vld @!p1 [tilespmem:$0xEB70];
	_ =	sdelay $0x3  }
0x23f: {  	s7 =	spop @!p3 (v2sf)  }
0x240: {  	s3 =	simm.s32 $0x2;
	s17 =	sshll.u32 @!p3 s7, $0x4;
	v10 =	vadd.f32 @!p1 v10, v11  }
.LBB2_28:
0x241: {  	s7 =	sand.u32 @!p3 $0x1FFFFFF0, s17  }
0x242: {  	s8 =	simm.s32 @!p3 $0x4;
	s9 =	smov.u32 s3;
	s3 =	sadd.s32 $0x1, s3  }
0x243: {  	s17 =	simm.s32 @!p3 $0x0;
	s20 =	simm.s32 @!p3 $0xEB00;
	s7 =	sadd.s32 @!p3 s6, s7;
	[tilespmem:s25+$0x2B70] =	vst @!p1 v10  }
0x244: {  	[tilespmem:s20], [sflag:$0x4] =	stream.linear.gather @!p3 [hbm4b:s7+s17], $0x80, $0x38;
	[tilespmem:$0xF000] =	vst v63  }
0x245: {  	p2 =	sne.s32 s3, $0x10;
	p1 =	por p3, p3;
	_ =	swait.ge @!p3 [sflag:s8], $0x80  }
0x246: {  	[sflag:s8] =	ssyncset.done @!p1 $0x0  }
0x247: {  	[sflag:s8] =	ssyncadd.s32 @!p1 $0xFFFFFF80  }
0x248: {  	v10 =	vld @!p1 [tilespmem:s25+$0x2B00]  }
0x249: {  	v11 =	vld @!p1 [tilespmem:$0xEB00]  }
0x24a: {  	v12 =	vld @!p1 [tilespmem:s25+$0x2B10]  }
0x24b: {  	v13 =	vld @!p1 [tilespmem:s25+$0x2B20]  }
0x24c: {  	v14 =	vld @!p1 [tilespmem:s25+$0x2B30]  }
0x24d: {  	v15 =	vld @!p1 [tilespmem:s25+$0x2B40]  }
0x24e: {  	v10 =	vadd.f32 @!p1 v11, v10;
	v11 =	vld @!p1 [tilespmem:s25+$0x2B50]  }
0x24f: {  	v16 =	vld @!p1 [tilespmem:s25+$0x2B60]  }
0x250: {  	[tilespmem:s25+$0x2B00] =	vst @!p1 v10;
	v10 =	vld @!p1 [tilespmem:s25+$0x2B70]  }
0x251: {  	v17 =	vmov s9;
	v18 =	vld @!p1 [tilespmem:$0xEB10]  }
0x252: {  	vm7 =	veq.s32 v17, v2  }
0x253: {  	v19 =	vnsel vm7, $0x0, v9  }
0x254: {  	(xrf0) =	vadd.scan.msk.s32 $0xffff, v19;
	_ =	sdelay $0x1  }
0x255: {  	v12 =	vadd.f32 @!p1 v18, v12;
	_ =	sdelay $0x1  }
0x256: {  	[tilespmem:s25+$0x2B10] =	vst @!p1 v12  }
0x257: {  	v12 =	vld @!p1 [tilespmem:$0xEB20]  }
0x258: {  	v18, _, _ =	vpop (xrf0)  }
0x259: {  	(v2sf) =	vpush v18, $0xF;
	_ =	sdelay $0x2  }
0x25a: {  	v12 =	vadd.f32 @!p1 v12, v13;
	_ =	sdelay $0x1  }
0x25b: {  	[tilespmem:s25+$0x2B20] =	vst @!p1 v12  }
0x25c: {  	v12 =	vld @!p1 [tilespmem:$0xEB30];
	_ =	sdelay $0x4  }
0x25d: {  	v12 =	vadd.f32 @!p1 v12, v14;
	_ =	sdelay $0x1  }
0x25e: {  	[tilespmem:s25+$0x2B30] =	vst @!p1 v12  }
0x25f: {  	v12 =	vld @!p1 [tilespmem:$0xEB40]  }
0x260: {  	s7 =	spop (v2sf)  }
0x261: {  	p3 =	slt.s32 s7, $0x1  }
0x262: {  	v13 =	vlaneseq.u32 @!p3  }
0x263: {  	vm7 =	veq.s32 @!p3 v17, v13  }
0x264: {  	v13 =	vnsel @!p3 vm7, $0x0, v8;
	v12 =	vadd.f32 @!p1 v12, v15  }
0x265: {  	(xrf0) =	vadd.scan.msk.s32 @!p3 $0xffff, v13  }
0x266: {  	[tilespmem:s25+$0x2B40] =	vst @!p1 v12  }
0x267: {  	v12 =	vld @!p1 [tilespmem:$0xEB50];
	_ =	sdelay $0x3  }
0x268: {  	v13, _, _ =	vpop @!p3 (xrf0)  }
0x269: {  	(v2sf) =	vpush @!p3 v13, $0xF;
	v11 =	vadd.f32 @!p1 v12, v11;
	_ =	sdelay $0x1  }
0x26a: {  	[tilespmem:s25+$0x2B50] =	vst @!p1 v11  }
0x26b: {  	v11 =	vld @!p1 [tilespmem:$0xEB60];
	_ =	sdelay $0x4  }
0x26c: {  	v11 =	vadd.f32 @!p1 v11, v16;
	_ =	sdelay $0x1  }
0x26d: {  	[tilespmem:s25+$0x2B60] =	vst @!p1 v11  }
0x26e: {  	v11 =	vld @!p1 [tilespmem:$0xEB70]  }
.Ltmp23:
0x26f: {  	(pc) =	sbr.rel @p2 .LBB2_28-.Ltmp23, $3  }
0x270: {  	_ =	sdelay $0x1  }
0x271: {  	s7 =	spop @!p3 (v2sf)  }
0x272: {  	s17 =	sshll.u32 @!p3 s7, $0x4;
	v10 =	vadd.f32 @!p1 v11, v10  }
0x273: {  	s3 =	sand.u32 @!p3 $0x1FFFFFF0, s17;
	s7 =	simm.s32 @!p3 $0x4  }
0x274: {  	s8 =	simm.s32 @!p3 $0x0;
	s9 =	simm.s32 @!p3 $0xEB00;
	s3 =	sadd.s32 @!p3 s6, s3;
	[tilespmem:s25+$0x2B70] =	vst @!p1 v10  }
0x275: {  	[tilespmem:s9], [sflag:$0x4] =	stream.linear.gather @!p3 [hbm4b:s3+s8], $0x80, $0x38;
	[tilespmem:$0xF000] =	vst v63  }
0x276: {  	p1 =	por p3, p3;
	_ =	swait.ge @!p3 [sflag:s7], $0x80  }
0x277: {  	[sflag:s7] =	ssyncset.done @!p1 $0x0  }
0x278: {  	[sflag:s7] =	ssyncadd.s32 @!p1 $0xFFFFFF80  }
0x279: {  	v8 =	vld @!p1 [tilespmem:s25+$0x2B00]  }
0x27a: {  	v9 =	vld @!p1 [tilespmem:$0xEB00];
	_ =	sdelay $0x4  }
0x27b: {  	v8 =	vadd.f32 @!p1 v9, v8;
	_ =	sdelay $0x1  }
0x27c: {  	v9 =	vld @!p1 [tilespmem:s25+$0x2B10];
	[tilespmem:s25+$0x2B00] =	vst @!p1 v8  }
0x27d: {  	v8 =	vld @!p1 [tilespmem:$0xEB10];
	_ =	sdelay $0x4  }
0x27e: {  	v8 =	vadd.f32 @!p1 v8, v9;
	_ =	sdelay $0x1  }
0x27f: {  	v9 =	vld @!p1 [tilespmem:s25+$0x2B20];
	[tilespmem:s25+$0x2B10] =	vst @!p1 v8  }
0x280: {  	v8 =	vld @!p1 [tilespmem:$0xEB20];
	_ =	sdelay $0x4  }
0x281: {  	v8 =	vadd.f32 @!p1 v8, v9;
	_ =	sdelay $0x1  }
0x282: {  	v9 =	vld @!p1 [tilespmem:s25+$0x2B30];
	[tilespmem:s25+$0x2B20] =	vst @!p1 v8  }
0x283: {  	v8 =	vld @!p1 [tilespmem:$0xEB30];
	_ =	sdelay $0x4  }
0x284: {  	v8 =	vadd.f32 @!p1 v8, v9;
	_ =	sdelay $0x1  }
0x285: {  	v9 =	vld @!p1 [tilespmem:s25+$0x2B40];
	[tilespmem:s25+$0x2B30] =	vst @!p1 v8  }
0x286: {  	v8 =	vld @!p1 [tilespmem:$0xEB40];
	_ =	sdelay $0x4  }
0x287: {  	v8 =	vadd.f32 @!p1 v8, v9;
	_ =	sdelay $0x1  }
0x288: {  	v9 =	vld @!p1 [tilespmem:s25+$0x2B50];
	[tilespmem:s25+$0x2B40] =	vst @!p1 v8  }
0x289: {  	v8 =	vld @!p1 [tilespmem:$0xEB50];
	_ =	sdelay $0x4  }
0x28a: {  	v8 =	vadd.f32 @!p1 v8, v9;
	_ =	sdelay $0x1  }
0x28b: {  	v9 =	vld @!p1 [tilespmem:s25+$0x2B60];
	[tilespmem:s25+$0x2B50] =	vst @!p1 v8  }
0x28c: {  	v8 =	vld @!p1 [tilespmem:$0xEB60];
	_ =	sdelay $0x4  }
0x28d: {  	v8 =	vadd.f32 @!p1 v8, v9;
	_ =	sdelay $0x1  }
0x28e: {  	v9 =	vld @!p1 [tilespmem:s25+$0x2B70];
	[tilespmem:s25+$0x2B60] =	vst @!p1 v8  }
0x28f: {  	v8 =	vld @!p1 [tilespmem:$0xEB70];
	_ =	sdelay $0x2  }
.Ltmp24:
0x290: {  	_ = 	snop;
	(pc) =	sbr.rel .LBB2_30-.Ltmp24, $3  }
0x291: {  	_ = 	snop  }
0x292: {  	v8 =	vadd.f32 @!p1 v8, v9;
	_ =	sdelay $0x1  }
0x293: {  	[tilespmem:s25+$0x2B70] =	vst @!p1 v8  }
.LBB2_32:
0x294: {  	v6 =	vld [tilespmem:s21+$0xED00];
	_ =	sdelay $0x7  }
0x295: {  	[tilespmem:v6+s30+$0x0] =	vst.idx.msk vm1, v0  }
0x296: {  	v6 =	vld [tilespmem:s21+$0xED10];
	_ =	sdelay $0x7  }
0x297: {  	[tilespmem:v6+s30+$0x0] =	vst.idx.msk vm2, v0  }
0x298: {  	v6 =	vld [tilespmem:s21+$0xED20];
	_ =	sdelay $0x7  }
0x299: {  	[tilespmem:v6+s30+$0x0] =	vst.idx.msk vm3, v0  }
0x29a: {  	v6 =	vld [tilespmem:s21+$0xED30];
	_ =	sdelay $0x7  }
0x29b: {  	[tilespmem:v6+s30+$0x0] =	vst.idx.msk vm4, v0  }
0x29c: {  	v6 =	vld [tilespmem:s21+$0xED40];
	_ =	sdelay $0x7  }
0x29d: {  	[tilespmem:v6+s30+$0x0] =	vst.idx.msk vm5, v0  }
0x29e: {  	v6 =	vld [tilespmem:s21+$0xED50];
	_ =	sdelay $0x3  }
.Ltmp25:
0x29f: {  	_ = 	snop;
	(pc) =	sbr.rel @p0 .LBB2_34-.Ltmp25, $2  }
0x2a0: {  	_ =	sdelay $0x2  }
0x2a1: {  	[tilespmem:v6+s30+$0x0] =	vst.idx.msk vm6, v0  }
.LBB2_33:
0x2a2: {  	v6 =	vadd.s32 s19, v2;
	s2 =	sadd.s32 $0x10, s19  }
0x2a3: {  	s24 =	sadd.s32 $0x20, s19;
	vm1 =	vlt.s32 v6, v5;
	v7 =	vadd.s32 s2, v2  }
0x2a4: {  	s25 =	sadd.s32 $0x30, s19;
	v9 =	vadd.s32 s24, v2;
	v8 =	vsel vm1, v6, v5;
	vm1 =	vlt.s32 v7, v5  }
0x2a5: {  	s26 =	sadd.s32 $0x40, s19;
	v12 =	vadd.s32 s25, v2;
	v10 =	vsel vm1, v7, v5;
	vm1 =	vlt.s32 v9, v5  }
0x2a6: {  	s28 =	sadd.s32 $0x50, s19;
	v13 =	vadd.s32 s26, v2;
	vm2 =	vgt.s32 v8, $0x0;
	v11 =	vsel vm1, v9, v5  }
0x2a7: {  	v14 =	vadd.s32 s28, v2;
	v8 =	vnsel vm2, $0x0, v8;
	vm1 =	vgt.s32 v11, $0x0  }
0x2a8: {  	vm2 =	vgt.s32 v10, $0x0;
	v11 =	vnsel vm1, $0x0, v11;
	vm1 =	vlt.s32 v12, v5  }
0x2a9: {  	v10 =	vnsel vm2, $0x0, v10;
	[tilespmem:$0xEF00] =	vst v8;
	v58 =	vsel vm1, v12, v5;
	vm1 =	vlt.s32 v13, v5  }
0x2aa: {  	[tilespmem:$0xEF10] =	vst v10;
	vm2 =	vgt.s32 v58, $0x0;
	v59 =	vsel vm1, v13, v5;
	vm1 =	vlt.s32 v14, v5  }
0x2ab: {  	[tilespmem:$0xEF20] =	vst v11;
	v8 =	vnsel vm2, $0x0, v58;
	v60 =	vsel vm1, v14, v5;
	vm1 =	vgt.s32 v59, $0x0  }
0x2ac: {  	[tilespmem:$0xEF30] =	vst v8;
	v61 =	vnsel vm1, $0x0, v59;
	vm1 =	vgt.s32 v60, $0x0  }
0x2ad: {  	[tilespmem:$0xEF40] =	vst v61;
	v62 =	vnsel vm1, $0x0, v60  }
0x2ae: {  	[tilespmem:$0xEF50] =	vst v62  }
0x2af: {  	[tilespmem:s0], [sflag:$0x1] =	stream.indirect.gather [hbm4b:s5+s23], $0x1, s31, s23, $0xb8;
	[tilespmem:$0xF000] =	vst v63  }
0x2b0: {  	_ =	swait.ge [sflag:s15], $0x60  }
0x2b1: {  	[sflag:s15] =	ssyncset.done $0x0  }
0x2b2: {  	[sflag:s15] =	ssyncadd.s32 $0xFFFFFFA0  }
0x2b3: {  	v63 =	vld [tilespmem:$0xEF80];
	_ =	sdelay $0x1  }
0x2b4: {  	vm1 =	vlt.s32 v6, v4;
	_ =	sdelay $0x5  }
0x2b5: {  	[tilespmem:v63+s30+$0x0] =	vst.idx.msk vm1, v0  }
0x2b6: {  	v6 =	vld [tilespmem:$0xEF90];
	_ =	sdelay $0x1  }
0x2b7: {  	vm1 =	vlt.s32 v7, v4;
	_ =	sdelay $0x5  }
0x2b8: {  	[tilespmem:v6+s30+$0x0] =	vst.idx.msk vm1, v0  }
0x2b9: {  	v6 =	vld [tilespmem:$0xEFA0];
	_ =	sdelay $0x1  }
0x2ba: {  	vm1 =	vlt.s32 v9, v4;
	_ =	sdelay $0x5  }
0x2bb: {  	[tilespmem:v6+s30+$0x0] =	vst.idx.msk vm1, v0  }
0x2bc: {  	v6 =	vld [tilespmem:$0xEFB0];
	_ =	sdelay $0x1  }
0x2bd: {  	vm1 =	vlt.s32 v12, v4;
	_ =	sdelay $0x5  }
0x2be: {  	[tilespmem:v6+s30+$0x0] =	vst.idx.msk vm1, v0  }
0x2bf: {  	v6 =	vld [tilespmem:$0xEFC0];
	_ =	sdelay $0x1  }
0x2c0: {  	vm1 =	vlt.s32 v13, v4;
	_ =	sdelay $0x5  }
0x2c1: {  	[tilespmem:v6+s30+$0x0] =	vst.idx.msk vm1, v0  }
0x2c2: {  	v6 =	vld [tilespmem:$0xEFD0];
	_ =	sdelay $0x1  }
0x2c3: {  	s19 =	sadd.s32 $0x60, s19;
	vm1 =	vlt.s32 v14, v4  }
0x2c4: {  	p0 =	slt.s32 s19, s18  }
.Ltmp26:
0x2c5: {  	_ = 	snop;
	(pc) =	sbr.rel @p0 .LBB2_33-.Ltmp26, $2  }
0x2c6: {  	_ =	sdelay $0x2  }
0x2c7: {  	[tilespmem:v6+s30+$0x0] =	vst.idx.msk vm1, v0  }
.Ltmp27:
0x2c8: {  	_ = 	snop;
	(pc) =	sbr.rel .LBB2_34-.Ltmp27, $1  }
0x2c9: {  	_ =	sdelay $0x3  }
.LBB2_36:
0x2ca: {  	_ =	sfence.sel $0x180000  }
0x2cb: {  	[bflag:$0x0] =	sbarrier.arrive $0xFFFF  }
0x2cc: {  	_ =	strace $0x9000004A  }
0x2cd: {  	s0 =	stileid.u32;
	[bflag:$0x2] =	sbarrier.arrive $0xFFFF  }
0x2ce: {  	p0 =	sne.s32 s0, $0x0;
	s0 =	rddreg [dreg:$0x3]  }
0x2cf: {  	s0 =	sadd.s32 @!p0 $0x100000, s0  }
0x2d0: {  	[sflag:s0] =	ssyncadd.tile.s32 @!p0 $0x1;
	_ =	shalt  }
.Lfunc_end2:
_tile_overlayer_lowered:
.L_overlay_start_2:
0x2d1: {  	(tag) =	ssettag $0x2  }
0x2d2: {  	s0 =	rddreg [dreg:$0x0];
	s2 =	stileid.u32  }
0x2d3: {  	s1 =	rddreg [dreg:$0x1];
	p0 =	sne.s32 s2, $0x0  }
0x2d4: {  	s3 =	rddreg [dreg:$0x2];
	[bflag:$0x3] =	sbarrier.arrive $0xFFFF;
	s2 =	simm.s32 @!p0 $0x1C04  }
0x2d5: {  	[timem:s3], [sflag:s2] =	dma.local @!p0 [hbm:s0], s1  }
0x2d6: {  	s0 =	simm.s32 @!p0 $0x4  }
0x2d7: {  	_ =	swait.ge @!p0 [sflag:s0], s1  }
0x2d8: {  	s1 =	ssub.s32 @!p0 $0x0, s1;
	[sflag:s0] =	ssyncset.done @!p0 $0x0  }
0x2d9: {  	[sflag:s0] =	ssyncadd.s32 @!p0 s1  }
0x2da: {  	[bflag:$0x3] =	sbarrier.arrive $0xFFFF  }
0x2db: {  	_ =	shalt  }

// kernel: scatter_offload_async_start
scs
__scs_entry_jumppad:
0x0: {  	(pc) =	sbr.rel $0x88, $3  }
0x1: {  	(tag) =	ssettag $0x0;
	lr =	simm.s32 $0x1  }
0x2: {  	[smem:$0x3F8F] =	sst lr;
	_ =	strace $0xD0000000  }
0x3: {  	_ = 	snop  }
0x4: {  	_ = 	snop  }
0x5: {  	_ = 	snop  }
0x6: {  	_ = 	snop  }
0x7: {  	_ = 	snop  }
__scs_overlays_trampoline_lowered:
0x8: {  	[smem:$0x3F9E] =	sst s0  }
0x9: {  	[smem:$0x3F9F] =	sst s1  }
0xa: {  	[smem:$0x3FA0] =	sst s2  }
0xb: {  	[smem:$0x3FA1] =	sst s3  }
0xc: {  	[smem:$0x3FA2] =	sst s4  }
0xd: {  	[smem:$0x3FA3] =	sst s5  }
0xe: {  	[smem:$0x3FA4] =	sst s6  }
0xf: {  	[smem:$0x3FA5] =	sst s7  }
0x10: {  	[smem:$0x3FA6] =	sst s8  }
0x11: {  	[smem:$0x3FA7] =	sst s9;
	s0 =	simm.s32 @!p0 $0x0  }
0x12: {  	s1 =	sld [smem:$0x3F8D];
	s0 =	simm.s32 @p0 $0x1  }
0x13: {  	[smem:$0x3FA8] =	sst s0;
	s0 =	simm.s32 @!p1 $0x0  }
0x14: {  	s2 =	sld [smem:$0x3F8C];
	s0 =	simm.s32 @p1 $0x1  }
0x15: {  	[smem:$0x3FA9] =	sst s0;
	s0 =	simm.s32 @!p2 $0x0  }
0x16: {  	s3 =	sld [smem:$0x3FDB];
	s0 =	simm.s32 @p2 $0x1  }
0x17: {  	s4 =	simm.s32 $0x1BF5;
	[smem:$0x3FAB] =	sst s0  }
0x18: {  	s0 =	sld [smem:$0x3F8E];
	_ =	swait.ge [sflag:s4], $0x0  }
0x19: {  	s7 =	sld [smem:$0x3F8F]  }
0x1a: {  	s8 =	sadd.s32 $0xFFFFE003, lr  }
0x1b: {  	s9 =	sadd.s32 $0xFFFFFEF7, lr;
	s5 =	simm.s32 $0xFFFFFFFF;
	p2 =	slt.u32 s8, $0xFFFFF086  }
0x1c: {  	p1 =	slt.u32 s9, $0xF7A;
	s5 =	simm.s32 @!p2 $0x0  }
0x1d: {  	s5 =	simm.s32 @p1 $0x1;
	p0 =	seq.s32 s7, s2  }
0x1e: {  	s7 =	smul.u32 @!p0 $0xF7A, s2;
	p2 =	seq.s32 @!p0 s5, $0x0  }
0x1f: {  	s9 =	smul.u32 $0xF7A, s1;
	s8 =	simm.s32 @!p0 $0x1BF5;
	p2 =	por !p2, p0  }
0x20: {  	[sflag:s8] =	ssyncset.s32 @!p0 $0xFFFFF086;
	s6 =	sadd.s32 @!p0 s3, s7;
	s7 =	simm.s32 @!p0 $0x108  }
0x21: {  	s3 =	sadd.s32 s3, s9;
	s6 =	sadd.s32 @!p0 $0x88, s6;
	s7 =	simm.s32 @p2 $0x1082  }
0x22: {  	[simem:s7], [sflag:s8] =	dma.local @!p0 [hbm:s6], $0xF7A  }
0x23: {  	s9 =	sor.u32 $0xD0000000, s2;
	s6 =	simm.s32 $0x108;
	_ =	swait.ge @!p0 [sflag:s8], $0x0  }
0x24: {  	s3 =	sadd.s32 $0x88, s3;
	s6 =	simm.s32 @!p1 $0x1082;
	[sflag:s4] =	ssyncset.s32 $0xFFFFF086  }
0x25: {  	[simem:s6], [sflag:s4] =	dma.local [hbm:s3], $0xF7A  }
0x26: {  	[smem:$0x3F8F] =	sst s1;
	(tag) =	ssettag s2;
	_ =	strace s9  }
0x27: {  	s1 =	sld [smem:$0x3F9F]  }
0x28: {  	s2 =	sld [smem:$0x3FA0]  }
0x29: {  	s4 =	sld [smem:$0x3FA2]  }
0x2a: {  	p0 =	seq.s32 s5, $0x0;
	s5 =	sld [smem:$0x3FA3]  }
0x2b: {  	s6 =	sld [smem:$0x3FA4]  }
0x2c: {  	s7 =	sld [smem:$0x3FA5]  }
0x2d: {  	s3 =	simm.s32 $0x108;
	s8 =	sld [smem:$0x3FA6]  }
0x2e: {  	s3 =	simm.s32 @!p0 $0x1082;
	s9 =	sld [smem:$0x3FA7]  }
0x2f: {  	lr =	sadd.s32 s0, s3;
	s0 =	sld [smem:$0x3F9E]  }
0x30: {  	s3 =	sld [smem:$0x3FA1]  }
0x31: {  	[smem:$0x3FAA] =	sst s10  }
0x32: {  	s10 =	sld [smem:$0x3FA8];
	_ =	sdelay $0x3  }
0x33: {  	p0 =	seq.s32 s10, $0x1;
	s10 =	sld [smem:$0x3FAA];
	_ =	sdelay $0x3  }
0x34: {  	[smem:$0x3FAA] =	sst s10  }
0x35: {  	s10 =	sld [smem:$0x3FA9];
	_ =	sdelay $0x3  }
0x36: {  	p1 =	seq.s32 s10, $0x1;
	s10 =	sld [smem:$0x3FAA];
	_ =	sdelay $0x3  }
0x37: {  	[smem:$0x3FAA] =	sst s10  }
0x38: {  	s10 =	sld [smem:$0x3FAB]  }
0x39: {  	_ = 	snop;
	(pc) =	sbr.ind lr, $3  }
0x3a: {  	_ = 	snop  }
0x3b: {  	_ = 	snop  }
0x3c: {  	p2 =	seq.s32 s10, $0x1;
	s10 =	sld [smem:$0x3FAA]  }
0x3d: {  	_ =	shalt  }
0x3e: {  	_ =	shalt  }
0x3f: {  	_ =	shalt  }
0x40: {  	_ =	shalt  }
0x41: {  	_ =	shalt  }
0x42: {  	_ =	shalt  }
0x43: {  	_ =	shalt  }
0x44: {  	_ =	shalt  }
0x45: {  	_ =	shalt  }
0x46: {  	_ =	shalt  }
0x47: {  	_ =	shalt  }
0x48: {  	_ =	shalt  }
0x49: {  	_ =	shalt  }
0x4a: {  	_ =	shalt  }
0x4b: {  	_ =	shalt  }
0x4c: {  	_ =	shalt  }
0x4d: {  	_ =	shalt  }
0x4e: {  	_ =	shalt  }
0x4f: {  	_ =	shalt  }
0x50: {  	_ =	shalt  }
0x51: {  	_ =	shalt  }
0x52: {  	_ =	shalt  }
0x53: {  	_ =	shalt  }
0x54: {  	_ =	shalt  }
0x55: {  	_ =	shalt  }
0x56: {  	_ =	shalt  }
0x57: {  	_ =	shalt  }
0x58: {  	_ =	shalt  }
0x59: {  	_ =	shalt  }
0x5a: {  	_ =	shalt  }
0x5b: {  	_ =	shalt  }
0x5c: {  	_ =	shalt  }
0x5d: {  	_ =	shalt  }
0x5e: {  	_ =	shalt  }
0x5f: {  	_ =	shalt  }
0x60: {  	_ =	shalt  }
0x61: {  	_ =	shalt  }
0x62: {  	_ =	shalt  }
0x63: {  	_ =	shalt  }
0x64: {  	_ =	shalt  }
0x65: {  	_ =	shalt  }
0x66: {  	_ =	shalt  }
0x67: {  	_ =	shalt  }
0x68: {  	_ =	shalt  }
0x69: {  	_ =	shalt  }
0x6a: {  	_ =	shalt  }
0x6b: {  	_ =	shalt  }
0x6c: {  	_ =	shalt  }
0x6d: {  	_ =	shalt  }
0x6e: {  	_ =	shalt  }
0x6f: {  	_ =	shalt  }
0x70: {  	_ =	shalt  }
0x71: {  	_ =	shalt  }
0x72: {  	_ =	shalt  }
0x73: {  	_ =	shalt  }
0x74: {  	_ =	shalt  }
0x75: {  	_ =	shalt  }
0x76: {  	_ =	shalt  }
0x77: {  	_ =	shalt  }
0x78: {  	_ =	shalt  }
0x79: {  	_ =	shalt  }
0x7a: {  	_ =	shalt  }
0x7b: {  	_ =	shalt  }
0x7c: {  	_ =	shalt  }
0x7d: {  	_ =	shalt  }
0x7e: {  	_ =	shalt  }
0x7f: {  	_ =	shalt  }
0x80: {  	_ =	shalt  }
0x81: {  	_ =	shalt  }
0x82: {  	_ =	shalt  }
0x83: {  	_ =	shalt  }
0x84: {  	_ =	shalt  }
0x85: {  	_ =	shalt  }
0x86: {  	_ =	shalt  }
0x87: {  	_ =	shalt  }
.Lfunc_end0:
.L_simem_size_0:
called_computation_lowered:
.L_overlay_start_0:
0x88: {  	s0 =	sld [smem:$0x3FD9]  }
0x89: {  	s1 =	sld [smem:$0x3FFE];
	_ =	sdelay $0x3  }
0x8a: {  	s0 =	sadd.s32 s1, s0  }
0x8b: {  	[smem:$0x3FB6] =	sst s0  }
0x8c: {  	_ = 	snop  }
0x8d: {  	(tm) =	ssettm $0x1  }
0x8e: {  	s15 =	sld [smem:$0x3FFB];
	_ =	sdelay $0x3  }
0x8f: {  	_ =	strace s15  }
0x90: {  	s0 =	sld [smem:$0x3FFC];
	_ =	sdelay $0x3  }
0x91: {  	_ =	strace s0  }
0x92: {  	s0 =	sld [smem:$0x3FFD];
	_ =	sdelay $0x3  }
0x93: {  	_ =	strace s0  }
0x94: {  	_ =	strace $0x8FFFFFFF  }
0x95: {  	s16 =	sld [smem:$0x3FDB];
	_ =	sdelay $0x1  }
0x96: {  	s17 =	simm.s32 $_scs_section_size  }
0x97: {  	s2 =	simm.s32 $_size__tile_overlayer_lowered;
	s3 =	simm.s32 $_tile_overlayer_lowered  }
0x98: {  	s20 =	simm.s32 $0x1BFF;
	s19 =	sshll.u32 s3, $0x1;
	s0 =	sadd.s32 s17, s16  }
0x99: {  	s4 =	simm.s32 $0x0;
	s18 =	sshll.u32 s2, $0x1;
	s2 =	sadd.s32 s19, s0  }
0x9a: {  	[timem:s4], [sflag:s20] =	dma.local [hbm:s2], s18  }
0x9b: {  	_ =	swait.ge [sflag:s20], s18  }
0x9c: {  	s1 =	ssub.s32 $0x0, s18;
	[sflag:s20] =	ssyncset.done $0x0  }
0x9d: {  	[sflag:s20] =	ssyncadd.s32 s1;
	_ =	sdelay $0x1  }
0x9e: {  	s21 =	simm.s32 $0x1B8B  }
0x9f: {  	_ =	swait.ge [sflag:s21], $0x1  }
0xa0: {  	[sflag:s21] =	ssyncset.done $0x0  }
0xa1: {  	s23 =	simm.s32 $0x1B8E;
	s22 =	sld [smem:$0x3FFE];
	[sflag:s21] =	ssyncadd.s32 $0xFFFFFFFF  }
0xa2: {  	s24 =	simm.s32 $execute0_lowered;
	[smem:$0x3FD2] =	sst s23  }
0xa3: {  	s2 =	sshll.u32 s24, $0x1;
	_ =	strace $0x80000046;
	[dreg:$0x1] =	wrdreg $0xFFFFFFFF  }
0xa4: {  	s25 =	simm.s32 $_size_execute0_lowered;
	s0 =	sadd.s32 s0, s2;
	[dreg:$0x0] =	wrdreg $0x0  }
0xa5: {  	s2 =	sshll.u32 s25, $0x1;
	[dreg:$0x2] =	wrdreg s0  }
0xa6: {  	[dreg:$0x3] =	wrdreg s2  }
0xa7: {  	[dreg:$0x4] =	wrdreg $0xC0  }
0xa8: {  	_ =	task [dreg:s4], $0x5FFFF  }
0xa9: {  	[dreg:$0x1] =	wrdreg $0xFFFFFFFF  }
0xaa: {  	[dreg:$0x0] =	wrdreg $0x60  }
0xab: {  	[dreg:$0x2] =	wrdreg s22  }
0xac: {  	[dreg:$0x3] =	wrdreg $0x9  }
0xad: {  	_ =	task.clear_ibuf [dreg:s4], $0x4FFFF;
	_ =	strace $0x90000046  }
0xae: {  	s26 =	simm.s32 $0x9;
	_ =	strace $0x80000048  }
0xaf: {  	_ =	swait.ge [sflag:s26], $0x1  }
0xb0: {  	[sflag:s26] =	ssyncadd.s32 $0xFFFFFFFF  }
0xb1: {  	_ =	strace $0x90000048  }
0xb2: {  	_ =	sfence  }
0xb3: {  	s28 =	sld [smem:$0x0];
	_ =	sdelay $0x1  }
0xb4: {  	s29 =	srdreg.scid  }
0xb5: {  	s30 =	sshll.u32 s29, $0xD;
	s31 =	sshrl.u32 s29, $0x2  }
0xb6: {  	s1 =	sand.u32 $0x1, s29;
	s2 =	sand.u32 $0x4000, s30;
	s0 =	sadd.s32 s31, s28  }
0xb7: {  	s1 =	sor.u32 s2, s1;
	s0 =	sshll.u32 s0, $0x11  }
0xb8: {  	s0 =	sor.u32 s0, s1  }
0xb9: {  	s0 =	sadd.s32 $0x8F2B, s0  }
0xba: {  	[sflag:s0] =	ssyncadd.remote.s32 $0x1  }
0xbb: {  	_ =	sfence.sel $0xFFFF  }
0xbc: {  	[dreg:$0x0] =	wrdreg $0xFFFFFFFF;
	(pc) =	sbr.abs _section_cstart, $3  }
0xbd: {  	[dreg:$0x1] =	wrdreg $0xFFFFFFFF  }
0xbe: {  	_ =	task.clear_ibuf [dreg:s4], $0x2FFFF;
	_ =	strace $0x9FFFFFFF  }
0xbf: {  	(tm) =	ssettm $0x7FFFFFFF  }
tec
execute0_lowered:
.L_overlay_start_1:
0x0: {  	(tag) =	ssettag $0x1  }
0x1: {  	s2 =	rddreg [dreg:$0x0]  }
0x2: {  	s0 =	rddreg [dreg:$0x1];
	_ =	strace $0x80000047  }
0x3: {  	s4 =	stileid.u32;
	s5 =	simm.s32 $0x3E;
	s1 =	sadd.s32 $0x1DC00, s2  }
0x4: {  	p0 =	sne.s32 s4, $0x0;
	[sflag:s5] =	ssyncpa.u1 $0x0;
	s29 =	smin.u32 s4, $0x8  }
0x5: {  	s30 =	sshll.u32 s4, $0x1;
	s3 =	simm.s32 @!p0 $0x1C3E;
	s6 =	simm.s32 @!p0 $0x0  }
0x6: {  	[spmem:s6], [sflag:s3] =	dma.local @!p0 [hbm:s1], $0x500  }
0x7: {  	s3 =	sadd.s32 s29, s30  }
0x8: {  	p1 =	slt.u32 s4, $0x8;
	s4 =	simm.s32 $0x5DC0;
	s3 =	smul.u32 $0x1F40, s3  }
0x9: {  	s4 =	simm.s32 @!p1 $0x3E80  }
0xa: {  	s4 =	sadd.s32 s4, s3  }
0xb: {  	s4 =	smin.u32 s4, $0x4E200  }
0xc: {  	s7 =	ssub.s32 s4, s3  }
0xd: {  	p1 =	sgt.s32 s7, $0x0  }
0xe: {  	s7 =	simm.s32 @!p1 $0x0  }
0xf: {  	s6 =	simm.s32 @!p0 $0x3E;
	s31 =	smulhi.u32 $0x10624DD3, s7  }
0x10: {  	_ =	swait.ge @!p0 [sflag:s6], $0x500  }
0x11: {  	[sflag:s6] =	ssyncset.done @!p0 $0x0;
	s8 =	sshrl.u32 s31, $0x9  }
0x12: {  	s11 =	simm.s32 $0x0;
	[sflag:s6] =	ssyncadd.s32 @!p0 $0xFFFFFB00;
	s9 =	smul.u32 $0x1F40, s8  }
.Ltmp0:
0x13: {  	s6 =	simm.s32 $0x2;
	[bflag:$0x0] =	sbarrier.arrive $0xFFFF;
	(pc) =	sbr.rel .LBB2_1-.Ltmp0, $4  }
0x14: {  	s10 =	smov.u32 s3;
	[sflag:s5] =	ssyncpa.u1 $0x1;
	s5 =	simm.s32 $0x1  }
0x15: {  	[sflag:s5] =	ssyncpa.u1 $0x0;
	p1 =	sne.s32 s7, s9;
	s9 =	simm.s32 $0x1  }
0x16: {  	(ifvalue) =	ssetifvalue $0x2800;
	[sflag:s6] =	ssyncpa.u1 $0x0;
	s9 =	simm.s32 @!p1 $0x0  }
0x17: {  	vm0 =	vmmov $0xffff;
	s7 =	sadd.s32 $0x13E00, s2;
	s8 =	sadd.s32 s9, s8;
	s9 =	simm.s32 $0x0  }
.LBB2_5:
0x18: {  	p2 =	sne.s32 s11, s8  }
.Ltmp1:
0x19: {  	_ = 	snop;
	(pc) =	sbr.rel @!p2 .LBB2_6-.Ltmp1, $4  }
0x1a: {  	_ = 	snop  }
0x1b: {  	s12 =	sadd.s32 $0x1F40, s10  }
0x1c: {  	s10 =	smov.u32 s3;
	s13 =	sadd.s32 $0x1, s11;
	p1 =	slt.s32 s12, s4  }
0x1d: {  	s11 =	smov.u32 s13;
	s10 =	smov.u32 @p1 s12  }
.LBB2_1:
0x1e: {  	p1 =	sge.u32 s11, s8  }
0x1f: {  	s12 =	sxor.u32 @!p1 $0xFFFFFFFF, s11  }
0x20: {  	s12 =	sand.u32 @!p1 $0x1, s12  }
0x21: {  	s12 =	smul.u32 @!p1 $0x1F40, s12  }
0x22: {  	s13 =	sshrl.u32 @!p1 s10, $0x3  }
0x23: {  	s16 =	sand.u32 @!p1 $0x7, s10;
	s14 =	sadd.s32 @!p1 s2, s13;
	s15 =	sadd.s32 @!p1 $0x280, s12  }
0x24: {  	[tilespmem:s15], [sflag:$0x2] =	stream.linear.gather @!p1 [hbm4b:s14+s16], $0x1F40, $0x38;
	[tilespmem:$0x7F80] =	vst v63  }
0x25: {  	s13 =	sadd.s32 @!p1 s7, s13;
	s12 =	sadd.s32 @!p1 $0x4100, s12  }
0x26: {  	[tilespmem:s12], [sflag:$0x2] =	stream.linear.gather @!p1 [hbm4b:s13+s16], $0x1F40, $0x38;
	[tilespmem:$0x7F80] =	vst v63  }
0x27: {  	p1 =	seq.s32 s11, $0x0  }
.Ltmp2:
0x28: {  	_ = 	snop;
	(pc) =	sbr.rel @p1 .LBB2_5-.Ltmp2, $1  }
0x29: {  	_ =	sdelay $0x3  }
0x2a: {  	s12 =	sand.u32 $0x1, s11  }
0x2b: {  	_ =	swait.ge [sflag:s6], $0x3E80;
	p1 =	seq.s32 s12, $0x1;
	s12 =	simm.s32 $0x1F40  }
0x2c: {  	[sflag:s6] =	ssyncset.done $0x0;
	s12 =	simm.s32 @!p1 $0x0  }
0x2d: {  	[sflag:s6] =	ssyncadd.s32 $0xFFFFC180;
	s14 =	sadd.s32 $0x280, s12  }
0x2e: {  	v0 =	vld.msk [tilespmem:s14+$0x0 ss:$0x1], $0xffff;
	_ =	sdelay $0x4  }
0x2f: {  	v0 =	vmin.u32 v0, $0x2800;
	_ =	sdelay $0x3  }
0x30: {  	s13 =	simm.s32 $0x0;
	s12 =	sadd.s32 $0x4100, s12;
	s14 =	sadd.s32 $0x10, s14  }
0x31: {  	[spmem:s9] =	stream.indirect_vreg.scatter.add.s32 [tilespmem:s12], [sflag:$0x1], $0x1, v0, vm0, $0x4038;
	[tilespmem:$0x7F80] =	vst v63  }
.LBB2_3:
0x32: {  	v0 =	vld.msk [tilespmem:s14+$0x0 ss:$0x1], $0xffff;
	s13 =	sadd.s32 $0x10, s13  }
0x33: {  	p1 =	slt.u32 s13, $0x1F30;
	_ =	sdelay $0x4  }
0x34: {  	v0 =	vmin.u32 v0, $0x2800  }
.Ltmp3:
0x35: {  	(pc) =	sbr.rel @p1 .LBB2_3-.Ltmp3, $3  }
0x36: {  	_ =	sdelay $0x1  }
0x37: {  	s14 =	sadd.s32 $0x10, s14;
	s12 =	sadd.s32 $0x10, s12  }
0x38: {  	[spmem:s9] =	stream.indirect_vreg.scatter.add.s32 [tilespmem:s12], [sflag:$0x1], $0x1, v0, vm0, $0x4038;
	[tilespmem:$0x7F80] =	vst v63  }
.Ltmp4:
0x39: {  	(pc) =	sbr.rel .LBB2_5-.Ltmp4, $4  }
0x3a: {  	_ = 	snop  }
0x3b: {  	_ =	swait.ge [sflag:s5], $0x1F40  }
0x3c: {  	[sflag:s5] =	ssyncset.done $0x0  }
0x3d: {  	[sflag:s5] =	ssyncadd.s32 $0xFFFFE0C0  }
.LBB2_6:
0x3e: {  	_ =	sfence.sel $0x180000  }
0x3f: {  	s2 =	simm.s32 $0x2;
	[bflag:$0x0] =	sbarrier.arrive $0xFFFF  }
0x40: {  	s30 =	simm.s32 $0x1;
	[sflag:s2] =	ssyncpa.u1 $0x1  }
0x41: {  	[sflag:s30] =	ssyncpa.u1 $0x1  }
0x42: {  	_ =	sfence.stream.spmem  }
0x43: {  	s31 =	simm.s32 $0x3D;
	[bflag:$0x0] =	sbarrier.arrive $0xFFFF  }
0x44: {  	s2 =	simm.s32 @p0 $0x3D;
	[sflag:s31] =	ssyncpa.u1 $0x0  }
0x45: {  	[sflag:s2] =	ssyncpa.u1 @p0 $0x1  }
0x46: {  	[bflag:$0x0] =	sbarrier.arrive @p0 $0xFFFF  }
0x47: {  	_ =	strace @p0 $0x90000047  }
0x48: {  	s3 =	simm.s32 @!p0 $0x1C3D;
	s2 =	simm.s32 @!p0 $0x0;
	[bflag:$0x2] =	sbarrier.arrive @p0 $0xFFFF  }
0x49: {  	[hbm:s1], [sflag:s3] =	dma.local @!p0 [spmem:s2], $0x500  }
0x4a: {  	s1 =	simm.s32 @!p0 $0x3D  }
0x4b: {  	_ =	swait.ge @!p0 [sflag:s1], $0x500  }
0x4c: {  	[sflag:s1] =	ssyncset.done @!p0 $0x0  }
0x4d: {  	[sflag:s1] =	ssyncadd.s32 @!p0 $0xFFFFFB00  }
0x4e: {  	[sflag:s1] =	ssyncpa.u1 @!p0 $0x1  }
0x4f: {  	[bflag:$0x0] =	sbarrier.arrive @!p0 $0xFFFF  }
0x50: {  	_ =	strace @!p0 $0x90000047  }
0x51: {  	s0 =	sadd.s32 @!p0 $0x100000, s0;
	[bflag:$0x2] =	sbarrier.arrive @!p0 $0xFFFF  }
0x52: {  	[sflag:s0] =	ssyncadd.tile.s32 @!p0 $0x1;
	_ =	shalt  }
.Lfunc_end2:
_tile_overlayer_lowered:
.L_overlay_start_2:
0x53: {  	(tag) =	ssettag $0x2  }
0x54: {  	s0 =	rddreg [dreg:$0x0];
	s2 =	stileid.u32  }
0x55: {  	s1 =	rddreg [dreg:$0x1];
	p0 =	sne.s32 s2, $0x0  }
0x56: {  	s3 =	rddreg [dreg:$0x2];
	[bflag:$0x3] =	sbarrier.arrive $0xFFFF;
	s2 =	simm.s32 @!p0 $0x1C01  }
0x57: {  	[timem:s3], [sflag:s2] =	dma.local @!p0 [hbm:s0], s1  }
0x58: {  	s0 =	simm.s32 @!p0 $0x1  }
0x59: {  	_ =	swait.ge @!p0 [sflag:s0], s1  }
0x5a: {  	s1 =	ssub.s32 @!p0 $0x0, s1;
	[sflag:s0] =	ssyncset.done @!p0 $0x0  }
0x5b: {  	[sflag:s0] =	ssyncadd.s32 @!p0 s1  }
0x5c: {  	[bflag:$0x3] =	sbarrier.arrive $0xFFFF  }
0x5d: {  	_ =	shalt  }

</sc_bundles>
